<compile_context>
chip_gen: v7x
topology: tpu7x:2x2x1
jax: 0.10.2.dev20260603
libtpu: 0.0.44.dev20260713+nightly
codegen_flags: <defaults>
</compile_context>

<pallas_src>
import functools

import jax
import jax.numpy as jnp
from jax import lax
from jax.experimental import pallas as pl
from jax.experimental.pallas import tpu as pltpu
from jax.experimental.pallas import tpu_sc as plsc

B = 16384
F = 26
K = 16
FEAT = 100000
FLEN = F * FEAT
HW = FEAT // 2
PW = 51200
SCW = PW // 16
NGEN = 2 * F
GB_MAX = 2600064 - PW
WB_MAX = FLEN - PW
NC = 2
NS = 16
BH = B // 2
NVEC = BH // 16
BSL = B // NS

_mesh = plsc.VectorSubcoreMesh(core_axis_name="c", subcore_axis_name="s")


@functools.partial(
    pl.kernel,
    out_type=jax.ShapeDtypeStruct((NC, B), jnp.float32),
    mesh=_mesh,
    compiler_params=pltpu.CompilerParams(needs_layout_passes=False),
    scratch_types=[
        pltpu.VMEM_SHARED((8, PW), jnp.float32),
        pltpu.VMEM_SHARED((8, PW), jnp.float32),
        pltpu.VMEM((PW,), jnp.float32),
        pltpu.VMEM((BH,), jnp.int32),
        pltpu.VMEM((BH,), jnp.float32),
        pltpu.VMEM((BH,), jnp.float32),
        pltpu.VMEM((BSL,), jnp.float32),
        pltpu.VMEM((16,), jnp.float32),
        pltpu.HBM((NC * NS, BH), jnp.float32),
        pltpu.HBM((NC * NS, BH), jnp.float32),
        pltpu.SemaphoreType.DMA,
    ],
)
def _fm_sc(inp_hbm, w0_hbm, w_hbm, v_t_hbm, out_hbm,
           pool0, pool1, win, inprow, s_acc, a_acc, outv, w0v,
           s_scr, a_scr, stsem):
    pools = (pool0, pool1)
    c = lax.axis_index("c")
    s = lax.axis_index("s")
    wid = c * NS + s
    p = lax.rem(s, 8)
    bh = s // 8
    bbase = bh * BH
    c8 = pl.multiple_of(c * 8, 8)
    half = jnp.float32(0.5)

    pltpu.sync_copy(w0_hbm, w0v.at[pl.ds(0, 1)])

    @plsc.parallel_loop(0, BH, step=16, unroll=4)
    def _zero(i):
        z = jnp.zeros((16,), jnp.float32)
        s_acc[pl.ds(i, 16)] = z
        a_acc[pl.ds(i, 16)] = z

    def pool_base(g):
        f = g // 2
        hg = lax.rem(g, 2)
        start = f * FEAT + hg * HW
        return jnp.minimum((start // 128) * 128, GB_MAX)

    def stripe_copy(g, buf):
        gb = pl.multiple_of(pool_base(g), 128)
        return pltpu.make_async_copy(
            v_t_hbm.at[pl.ds(c8, 8), pl.ds(gb + s * SCW, SCW)],
            pools[buf].at[:, pl.ds(s * SCW, SCW)],
            stsem,
        )

    def gen_task(g, cur, stage_inp):
        f = g // 2
        hg = lax.rem(g, 2)
        lo = hg * HW

        @pl.when(g + 1 < NGEN)
        def _prefetch():
            stripe_copy(g + 1, 1 - cur).start()

        if stage_inp:
            pltpu.sync_copy(inp_hbm.at[pl.ds(f * B + bbase, BH)], inprow)
        pltpu.sync_copy(pools[cur].at[p], win)

        off = f * FEAT - pool_base(g)

        @plsc.parallel_loop(0, BH, step=16, unroll=8)
        def _body(i):
            idx = inprow[pl.ds(i, 16)]
            mrel = idx - lo
            m = (mrel >= 0) & (mrel < HW)
            v = plsc.load_gather(win, [jnp.where(m, idx + off, 0)])
            v = jnp.where(m, v, jnp.float32(0.0))
            o = pl.ds(i, 16)
            s_acc[o] = s_acc[o] + v
            a_acc[o] = a_acc[o] - half * (v * v)

        @pl.when(g + 1 < NGEN)
        def _drain():
            stripe_copy(g + 1, 1 - cur).wait()

        plsc.subcore_barrier()

    stripe_copy(0, 0).start()
    stripe_copy(0, 0).wait()
    plsc.subcore_barrier()

    def pair(i, carry):
        gen_task(2 * i, 0, stage_inp=True)
        gen_task(2 * i + 1, 1, stage_inp=False)
        return carry

    lax.fori_loop(0, NGEN // 2, pair, 0)

    for r in range(4):
        tid = c * 8 + p + 16 * r

        @pl.when(tid < NGEN)
        def _w_task():
            f = tid // 2
            hg = lax.rem(tid, 2)
            lo = hg * HW
            wb = jnp.minimum(f * FEAT + lo, WB_MAX)
            woff = f * FEAT - wb
            pltpu.sync_copy(inp_hbm.at[pl.ds(f * B + bbase, BH)], inprow)
            pltpu.sync_copy(w_hbm.at[pl.ds(wb, PW)], win)

            @plsc.parallel_loop(0, BH, step=16, unroll=4)
            def _wbody(i):
                idx = inprow[pl.ds(i, 16)]
                mrel = idx - lo
                m = (mrel >= 0) & (mrel < HW)
                v = plsc.load_gather(win, [jnp.where(m, idx + woff, 0)])
                v = jnp.where(m, v, jnp.float32(0.0))
                o = pl.ds(i, 16)
                a_acc[o] = a_acc[o] + v

    pltpu.sync_copy(s_acc, s_scr.at[wid])
    pltpu.sync_copy(a_acc, a_scr.at[wid])
    plsc.subcore_barrier()

    bs = s * BSL
    bhm = s // 8
    o8 = lax.rem(s, 8) * BSL
    for q in range(8):
        pltpu.sync_copy(a_scr.at[c * NS + bhm * 8 + q, pl.ds(o8, BSL)],
                        win.at[pl.ds(q * BSL, BSL)])
    for q in range(8):
        pltpu.sync_copy(s_scr.at[c * NS + bhm * 8 + q, pl.ds(o8, BSL)],
                        win.at[pl.ds((8 + q) * BSL, BSL)])

    w0s = w0v[pl.ds(0, 16)][0]
    w0_eff = jnp.where(c == 0, w0s, jnp.float32(0.0))

    def fin(j, carry):
        acc = jnp.full((16,), w0_eff, jnp.float32)
        for q in range(8):
            acc = acc + win[pl.ds(q * BSL + j * 16, 16)]
        for q in range(8):
            sq = win[pl.ds((8 + q) * BSL + j * 16, 16)]
            acc = acc + half * (sq * sq)
        outv[pl.ds(j * 16, 16)] = acc
        return carry

    lax.fori_loop(0, BSL // 16, fin, 0)

    pltpu.sync_copy(outv, out_hbm.at[c, pl.ds(bs, BSL)])


def kernel(inputs, w0, w, V):
    out2 = _fm_sc(inputs.T.reshape(-1), w0, w.reshape(-1), V.T)
    return (out2[0] + out2[1]).reshape(B, 1)

# --- scband reference (transcript-rebuilt; emitter-appended) ---
"""Pipeline reference for scband-fm-layer-4990751998335 (READ-ONLY COPY).

The authoritative reference and input builder live on the scoring server;
editing this copy changes nothing except your own understanding.
"""

import jax, jax.numpy as jnp
import numpy as np

N_FIELDS = 26
FEAT_NUM = 100000
FEATURE_LENGTH = N_FIELDS * FEAT_NUM
K = 16
BATCH = 16384


def setup_inputs(seed: int = 0) -> dict:
    key = jax.random.key(seed)
    k1, k2, k3 = jax.random.split(key, 3)
    inputs = jax.random.randint(k1, (BATCH, N_FIELDS), 0, FEAT_NUM, dtype=jnp.int64 if jax.config.read('jax_enable_x64') else jnp.int32)
    w0 = jnp.zeros((1,), dtype=jnp.float32)
    w = jax.random.normal(k2, (FEATURE_LENGTH, 1), dtype=jnp.float32) * 0.05
    V = jax.random.normal(k3, (FEATURE_LENGTH, K), dtype=jnp.float32) * 0.05
    return {"inputs": inputs, "w0": w0, "w": w, "V": V}


def reference(inputs, w0, w, V):
    index_mapping = jnp.asarray(np.arange(N_FIELDS) * FEAT_NUM, dtype=inputs.dtype)
    idx = inputs + index_mapping  # [B, F]
    # first order: w0 + sum over fields of w lookups
    w_lookup = jnp.take(w, idx, axis=0)  # [B, F, 1]
    first_order = w0 + jnp.sum(w_lookup, axis=1)  # [B, 1]
    # second order
    second_inputs = jnp.take(V, idx, axis=0)  # [B, F, K]
    square_sum = jnp.square(jnp.sum(second_inputs, axis=1, keepdims=True))  # [B, 1, K]
    sum_square = jnp.sum(jnp.square(second_inputs), axis=1, keepdims=True)  # [B, 1, K]
    second_order = 0.5 * jnp.sum(square_sum - sum_square, axis=2)  # [B, 1]
    outputs = first_order + second_order  # [B, 1]
    return outputs

if __name__ == "__main__":
    import jax
    _d = setup_inputs()
    print(jax.jit(kernel)(*tuple(_d.values())))

</pallas_src>

<mosaic_0001>
#map = affine_map<(d0, d1) -> (0)>
#map1 = affine_map<(d0, d1) -> (0, 0)>
module attributes {stable_mosaic.version = 14 : i64} {
  func.func @_fm_sc(%arg0: i32, %arg1: i32, %arg2: memref<425984xi32, #tpu.memory_space<hbm>>, %arg3: memref<1xf32, #tpu.memory_space<hbm>>, %arg4: memref<2600000xf32, #tpu.memory_space<hbm>>, %arg5: memref<16x2600000xf32, #tpu.memory_space<hbm>>, %arg6: memref<2x16384xf32, #tpu.memory_space<hbm>>, %arg7: memref<8x51200xf32, #tpu.memory_space<vmem_shared>>, %arg8: memref<8x51200xf32, #tpu.memory_space<vmem_shared>>, %arg9: memref<51200xf32, #tpu.memory_space<vmem>>, %arg10: memref<8192xi32, #tpu.memory_space<vmem>>, %arg11: memref<8192xf32, #tpu.memory_space<vmem>>, %arg12: memref<8192xf32, #tpu.memory_space<vmem>>, %arg13: memref<1024xf32, #tpu.memory_space<vmem>>, %arg14: memref<16xf32, #tpu.memory_space<vmem>>, %arg15: memref<32x8192xf32, #tpu.memory_space<hbm>>, %arg16: memref<32x8192xf32, #tpu.memory_space<hbm>>, %arg17: memref<!tpu.dma_semaphore, #tpu.memory_space<semaphore_mem>>) attributes {dimension_semantics = [#tpu.dimension_semantics<core_parallel>, #tpu.dimension_semantics<subcore_parallel>], iteration_bounds = array<i64: 2, 16>, scalar_prefetch = 0 : i64, scratch_operands = 11 : i64, tpu.core_type = #tpu.core_type<sc_vector_subcore>, window_params = [{transform_indices = #map}, {transform_indices = #map}, {transform_indices = #map}, {transform_indices = #map1}, {transform_indices = #map1}]} {
    %mul3A = arith.constant 16 : i32
    %mul3A_0 = arith.muli %arg0, %mul3A : i32
    %add3A = arith.addi %mul3A_0, %arg1 : i32
    %rem3A = arith.constant 8 : i32
    %rem3A_1 = arith.remsi %arg1, %rem3A : i32
    %jit3A = arith.constant 8 : i32
    %div3A = arith.divsi %arg1, %jit3A : i32
    %sign3A = arith.constant 0 : i32
    %sign3A_2 = arith.cmpi sgt, %arg1, %sign3A : i32
    %sign3A_3 = arith.extui %sign3A_2 : i1 to i32
    %sign3A_4 = arith.constant 0 : i32
    %sign3A_5 = arith.cmpi slt, %arg1, %sign3A_4 : i32
    %sign3A_6 = arith.extui %sign3A_5 : i1 to i32
    %sign3A_7 = arith.subi %sign3A_3, %sign3A_6 : i32
    %sign3A_8 = arith.constant 0 : i32
    %sign3A_9 = arith.cmpi sgt, %jit3A, %sign3A_8 : i32
    %sign3A_10 = arith.extui %sign3A_9 : i1 to i32
    %sign3A_11 = arith.constant 0 : i32
    %sign3A_12 = arith.cmpi slt, %jit3A, %sign3A_11 : i32
    %sign3A_13 = arith.extui %sign3A_12 : i1 to i32
    %sign3A_14 = arith.subi %sign3A_10, %sign3A_13 : i32
    %ne3A = arith.cmpi ne, %sign3A_7, %sign3A_14 : i32
    %rem3A_15 = arith.remsi %arg1, %jit3A : i32
    %ne3A_16 = arith.constant 0 : i32
    %ne3A_17 = arith.cmpi ne, %rem3A_15, %ne3A_16 : i32
    %and3A = arith.andi %ne3A, %ne3A_17 : i1
    %sub3A = arith.constant 1 : i32
    %sub3A_18 = arith.subi %div3A, %sub3A : i32
    %select_n3A = arith.select %and3A, %sub3A_18, %div3A : i32
    %mul3A_19 = arith.constant 8192 : i32
    %mul3A_20 = arith.muli %select_n3A, %mul3A_19 : i32
    %mul3A_21 = arith.constant 8 : i32
    %mul3A_22 = arith.muli %arg0, %mul3A_21 : i32
    %multiple_of3A = tpu.assume_multiple %mul3A_22, 8 : i32
    "tpu.region"() ({
      %run_scoped3A = tpu.sem_alloc : memref<!tpu.dma_semaphore, #tpu.memory_space<semaphore_mem>>
      %dma_start3A_307 = arith.constant 0 : i32
      %dma_start3A_308 = tpu.memref_slice %arg14[%dma_start3A_307] : memref<16xf32, #tpu.memory_space<vmem>> -> memref<1xf32, #tpu.memory_space<vmem>>
      %dma_start3A_309 = arith.constant 0 : i32
      %dma_start3A_310 = tpu.memref_slice %arg14[%dma_start3A_309] : memref<16xf32, #tpu.memory_space<vmem>> -> memref<1xf32, #tpu.memory_space<vmem>>
      tpu.enqueue_dma source(%arg3 : memref<1xf32, #tpu.memory_space<hbm>>) target(%dma_start3A_310 : memref<1xf32, #tpu.memory_space<vmem>>) target_semaphore(%run_scoped3A : memref<!tpu.dma_semaphore, #tpu.memory_space<semaphore_mem>>)
      %dma_wait3A_311 = arith.constant 0 : i32
      %dma_wait3A_312 = tpu.memref_slice %arg14[%dma_wait3A_311] : memref<16xf32, #tpu.memory_space<vmem>> -> memref<1xf32, #tpu.memory_space<vmem>>
      %dma_wait3A_313 = arith.constant 0 : i32
      %dma_wait3A_314 = tpu.memref_slice %arg14[%dma_wait3A_313] : memref<16xf32, #tpu.memory_space<vmem>> -> memref<1xf32, #tpu.memory_space<vmem>>
      tpu.wait_dma2 semaphore(%run_scoped3A : memref<!tpu.dma_semaphore, #tpu.memory_space<semaphore_mem>>) src(%arg3 : memref<1xf32, #tpu.memory_space<hbm>>) dst(%dma_wait3A_314 : memref<1xf32, #tpu.memory_space<vmem>>)
      tpu.yield
    }) : () -> ()
    %parallel_loop3A = arith.constant 0 : i32
    %parallel_loop3A_23 = arith.constant 8192 : i32
    %parallel_loop3A_24 = arith.constant 16 : i32
    scf.for %parallel_loop3A_307 = %parallel_loop3A to %parallel_loop3A_23 step %parallel_loop3A_24  : i32 {
      %parallel_loop3A_308 = arith.constant 0.000000e+00 : f32
      %parallel_loop3A_309 = vector.broadcast %parallel_loop3A_308 : f32 to vector<16xf32>
      %parallel_loop3A_310 = arith.index_cast %parallel_loop3A_307 : i32 to index
      %parallel_loop3A_311 = tpu.vector_load %arg11[%parallel_loop3A_310] {strides = array<i32>} : memref<8192xf32, #tpu.memory_space<vmem>>, vector<16xf32>,
      tpu.vector_store %arg11[%parallel_loop3A_310], %parallel_loop3A_309 {strides = array<i32>} : memref<8192xf32, #tpu.memory_space<vmem>>, vector<16xf32>,
      %parallel_loop3A_312 = arith.index_cast %parallel_loop3A_307 : i32 to index
      %parallel_loop3A_313 = tpu.vector_load %arg12[%parallel_loop3A_312] {strides = array<i32>} : memref<8192xf32, #tpu.memory_space<vmem>>, vector<16xf32>,
      tpu.vector_store %arg12[%parallel_loop3A_312], %parallel_loop3A_309 {strides = array<i32>} : memref<8192xf32, #tpu.memory_space<vmem>>, vector<16xf32>,
    } {sc.loop_unroll_factor = 4 : i64, sc.parallel_access}
    %rem3A_25 = arith.constant 0 : i32
    %rem3A_26 = arith.constant 2 : i32
    %rem3A_27 = arith.remsi %rem3A_25, %rem3A_26 : i32
    %mul3A_28 = arith.constant 50000 : i32
    %mul3A_29 = arith.muli %rem3A_27, %mul3A_28 : i32
    %add3A_30 = arith.constant 0 : i32
    %add3A_31 = arith.addi %add3A_30, %mul3A_29 : i32
    %jit3A_32 = arith.constant 128 : i32
    %div3A_33 = arith.divsi %add3A_31, %jit3A_32 : i32
    %sign3A_34 = arith.constant 0 : i32
    %sign3A_35 = arith.cmpi sgt, %add3A_31, %sign3A_34 : i32
    %sign3A_36 = arith.extui %sign3A_35 : i1 to i32
    %sign3A_37 = arith.constant 0 : i32
    %sign3A_38 = arith.cmpi slt, %add3A_31, %sign3A_37 : i32
    %sign3A_39 = arith.extui %sign3A_38 : i1 to i32
    %sign3A_40 = arith.subi %sign3A_36, %sign3A_39 : i32
    %sign3A_41 = arith.constant 0 : i32
    %sign3A_42 = arith.cmpi sgt, %jit3A_32, %sign3A_41 : i32
    %sign3A_43 = arith.extui %sign3A_42 : i1 to i32
    %sign3A_44 = arith.constant 0 : i32
    %sign3A_45 = arith.cmpi slt, %jit3A_32, %sign3A_44 : i32
    %sign3A_46 = arith.extui %sign3A_45 : i1 to i32
    %sign3A_47 = arith.subi %sign3A_43, %sign3A_46 : i32
    %ne3A_48 = arith.cmpi ne, %sign3A_40, %sign3A_47 : i32
    %rem3A_49 = arith.remsi %add3A_31, %jit3A_32 : i32
    %ne3A_50 = arith.constant 0 : i32
    %ne3A_51 = arith.cmpi ne, %rem3A_49, %ne3A_50 : i32
    %and3A_52 = arith.andi %ne3A_48, %ne3A_51 : i1
    %sub3A_53 = arith.constant 1 : i32
    %sub3A_54 = arith.subi %div3A_33, %sub3A_53 : i32
    %select_n3A_55 = arith.select %and3A_52, %sub3A_54, %div3A_33 : i32
    %mul3A_56 = arith.constant 128 : i32
    %mul3A_57 = arith.muli %select_n3A_55, %mul3A_56 : i32
    %min3A = arith.constant 2548864 : i32
    %min3A_58 = arith.minsi %mul3A_57, %min3A : i32
    %multiple_of3A_59 = tpu.assume_multiple %min3A_58, 128 : i32
    %mul3A_60 = arith.constant 3200 : i32
    %mul3A_61 = arith.muli %arg1, %mul3A_60 : i32
    %add3A_62 = arith.addi %multiple_of3A_59, %mul3A_61 : i32
    %mul3A_63 = arith.constant 3200 : i32
    %mul3A_64 = arith.muli %arg1, %mul3A_63 : i32
    %dma_start3A = arith.constant 0 : i32
    %dma_start3A_65 = tpu.memref_slice %arg7[%dma_start3A, %mul3A_64] : memref<8x51200xf32, #tpu.memory_space<vmem_shared>> -> memref<8x3200xf32, #tpu.memory_space<vmem_shared>>
    %dma_start3A_66 = tpu.memref_slice %arg5[%multiple_of3A, %add3A_62] : memref<16x2600000xf32, #tpu.memory_space<hbm>> -> memref<8x3200xf32, #tpu.memory_space<hbm>>
    tpu.enqueue_dma source(%dma_start3A_66 : memref<8x3200xf32, #tpu.memory_space<hbm>>) target(%dma_start3A_65 : memref<8x3200xf32, #tpu.memory_space<vmem_shared>>) target_semaphore(%arg17 : memref<!tpu.dma_semaphore, #tpu.memory_space<semaphore_mem>>)
    %rem3A_67 = arith.constant 0 : i32
    %rem3A_68 = arith.constant 2 : i32
    %rem3A_69 = arith.remsi %rem3A_67, %rem3A_68 : i32
    %mul3A_70 = arith.constant 50000 : i32
    %mul3A_71 = arith.muli %rem3A_69, %mul3A_70 : i32
    %add3A_72 = arith.constant 0 : i32
    %add3A_73 = arith.addi %add3A_72, %mul3A_71 : i32
    %jit3A_74 = arith.constant 128 : i32
    %div3A_75 = arith.divsi %add3A_73, %jit3A_74 : i32
    %sign3A_76 = arith.constant 0 : i32
    %sign3A_77 = arith.cmpi sgt, %add3A_73, %sign3A_76 : i32
    %sign3A_78 = arith.extui %sign3A_77 : i1 to i32
    %sign3A_79 = arith.constant 0 : i32
    %sign3A_80 = arith.cmpi slt, %add3A_73, %sign3A_79 : i32
    %sign3A_81 = arith.extui %sign3A_80 : i1 to i32
    %sign3A_82 = arith.subi %sign3A_78, %sign3A_81 : i32
    %sign3A_83 = arith.constant 0 : i32
    %sign3A_84 = arith.cmpi sgt, %jit3A_74, %sign3A_83 : i32
    %sign3A_85 = arith.extui %sign3A_84 : i1 to i32
    %sign3A_86 = arith.constant 0 : i32
    %sign3A_87 = arith.cmpi slt, %jit3A_74, %sign3A_86 : i32
    %sign3A_88 = arith.extui %sign3A_87 : i1 to i32
    %sign3A_89 = arith.subi %sign3A_85, %sign3A_88 : i32
    %ne3A_90 = arith.cmpi ne, %sign3A_82, %sign3A_89 : i32
    %rem3A_91 = arith.remsi %add3A_73, %jit3A_74 : i32
    %ne3A_92 = arith.constant 0 : i32
    %ne3A_93 = arith.cmpi ne, %rem3A_91, %ne3A_92 : i32
    %and3A_94 = arith.andi %ne3A_90, %ne3A_93 : i1
    %sub3A_95 = arith.constant 1 : i32
    %sub3A_96 = arith.subi %div3A_75, %sub3A_95 : i32
    %select_n3A_97 = arith.select %and3A_94, %sub3A_96, %div3A_75 : i32
    %mul3A_98 = arith.constant 128 : i32
    %mul3A_99 = arith.muli %select_n3A_97, %mul3A_98 : i32
    %min3A_100 = arith.constant 2548864 : i32
    %min3A_101 = arith.minsi %mul3A_99, %min3A_100 : i32
    %multiple_of3A_102 = tpu.assume_multiple %min3A_101, 128 : i32
    %mul3A_103 = arith.constant 3200 : i32
    %mul3A_104 = arith.muli %arg1, %mul3A_103 : i32
    %add3A_105 = arith.addi %multiple_of3A_102, %mul3A_104 : i32
    %mul3A_106 = arith.constant 3200 : i32
    %mul3A_107 = arith.muli %arg1, %mul3A_106 : i32
    %dma_wait3A = arith.constant 0 : i32
    %dma_wait3A_108 = tpu.memref_slice %arg7[%dma_wait3A, %mul3A_107] : memref<8x51200xf32, #tpu.memory_space<vmem_shared>> -> memref<8x3200xf32, #tpu.memory_space<vmem_shared>>
    %dma_wait3A_109 = tpu.memref_slice %arg5[%multiple_of3A, %add3A_105] : memref<16x2600000xf32, #tpu.memory_space<hbm>> -> memref<8x3200xf32, #tpu.memory_space<hbm>>
    tpu.wait_dma2 semaphore(%arg17 : memref<!tpu.dma_semaphore, #tpu.memory_space<semaphore_mem>>) src(%dma_wait3A_109 : memref<8x3200xf32, #tpu.memory_space<hbm>>) dst(%dma_wait3A_108 : memref<8x3200xf32, #tpu.memory_space<vmem_shared>>)
    %barrier3A = arith.constant 0 : index
    tpu.barrier barrier_id(%barrier3A)
    %scan3A = arith.constant 0 : i32
    %scan3A_110 = arith.constant 5.000000e-01 : f32
    %scan3A_111 = arith.constant 0 : i32
    %scan3A_112 = arith.constant 26 : i32
    %scan3A_113 = arith.addi %scan3A_111, %scan3A_112 : i32
    %scan3A_114 = arith.constant 1 : i32
    scf.for %scan3A_307 = %scan3A_111 to %scan3A_113 step %scan3A_114  : i32 {
      %mul3A_308 = arith.constant 2 : i32
      %mul3A_309 = arith.muli %mul3A_308, %scan3A_307 : i32
      %jit3A_310 = arith.constant 2 : i32
      %div3A_311 = arith.divsi %mul3A_309, %jit3A_310 : i32
      %sign3A_312 = arith.constant 0 : i32
      %sign3A_313 = arith.cmpi sgt, %mul3A_309, %sign3A_312 : i32
      %sign3A_314 = arith.extui %sign3A_313 : i1 to i32
      %sign3A_315 = arith.constant 0 : i32
      %sign3A_316 = arith.cmpi slt, %mul3A_309, %sign3A_315 : i32
      %sign3A_317 = arith.extui %sign3A_316 : i1 to i32
      %sign3A_318 = arith.subi %sign3A_314, %sign3A_317 : i32
      %sign3A_319 = arith.constant 0 : i32
      %sign3A_320 = arith.cmpi sgt, %jit3A_310, %sign3A_319 : i32
      %sign3A_321 = arith.extui %sign3A_320 : i1 to i32
      %sign3A_322 = arith.constant 0 : i32
      %sign3A_323 = arith.cmpi slt, %jit3A_310, %sign3A_322 : i32
      %sign3A_324 = arith.extui %sign3A_323 : i1 to i32
      %sign3A_325 = arith.subi %sign3A_321, %sign3A_324 : i32
      %ne3A_326 = arith.cmpi ne, %sign3A_318, %sign3A_325 : i32
      %rem3A_327 = arith.remsi %mul3A_309, %jit3A_310 : i32
      %ne3A_328 = arith.constant 0 : i32
      %ne3A_329 = arith.cmpi ne, %rem3A_327, %ne3A_328 : i32
      %and3A_330 = arith.andi %ne3A_326, %ne3A_329 : i1
      %sub3A_331 = arith.constant 1 : i32
      %sub3A_332 = arith.subi %div3A_311, %sub3A_331 : i32
      %select_n3A_333 = arith.select %and3A_330, %sub3A_332, %div3A_311 : i32
      %rem3A_334 = arith.constant 2 : i32
      %rem3A_335 = arith.remsi %mul3A_309, %rem3A_334 : i32
      %mul3A_336 = arith.constant 50000 : i32
      %mul3A_337 = arith.muli %rem3A_335, %mul3A_336 : i32
      %add3A_338 = arith.constant 1 : i32
      %add3A_339 = arith.addi %mul3A_309, %add3A_338 : i32
      %lt3A_340 = arith.constant 52 : i32
      %lt3A_341 = arith.cmpi slt, %add3A_339, %lt3A_340 : i32
      %convert_element_type3A_342 = arith.extui %lt3A_341 : i1 to i32
      %cond3A_343 = arith.constant 0 : i32
      %cond3A_344 = arith.cmpi ne, %convert_element_type3A_342, %cond3A_343 : i32
      scf.if %cond3A_344 {
        %add3A_533 = arith.constant 1 : i32
        %add3A_534 = arith.addi %mul3A_309, %add3A_533 : i32
        %jit3A_535 = arith.constant 2 : i32
        %div3A_536 = arith.divsi %add3A_534, %jit3A_535 : i32
        %sign3A_537 = arith.constant 0 : i32
        %sign3A_538 = arith.cmpi sgt, %add3A_534, %sign3A_537 : i32
        %sign3A_539 = arith.extui %sign3A_538 : i1 to i32
        %sign3A_540 = arith.constant 0 : i32
        %sign3A_541 = arith.cmpi slt, %add3A_534, %sign3A_540 : i32
        %sign3A_542 = arith.extui %sign3A_541 : i1 to i32
        %sign3A_543 = arith.subi %sign3A_539, %sign3A_542 : i32
        %sign3A_544 = arith.constant 0 : i32
        %sign3A_545 = arith.cmpi sgt, %jit3A_535, %sign3A_544 : i32
        %sign3A_546 = arith.extui %sign3A_545 : i1 to i32
        %sign3A_547 = arith.constant 0 : i32
        %sign3A_548 = arith.cmpi slt, %jit3A_535, %sign3A_547 : i32
        %sign3A_549 = arith.extui %sign3A_548 : i1 to i32
        %sign3A_550 = arith.subi %sign3A_546, %sign3A_549 : i32
        %ne3A_551 = arith.cmpi ne, %sign3A_543, %sign3A_550 : i32
        %rem3A_552 = arith.remsi %add3A_534, %jit3A_535 : i32
        %ne3A_553 = arith.constant 0 : i32
        %ne3A_554 = arith.cmpi ne, %rem3A_552, %ne3A_553 : i32
        %and3A_555 = arith.andi %ne3A_551, %ne3A_554 : i1
        %sub3A_556 = arith.constant 1 : i32
        %sub3A_557 = arith.subi %div3A_536, %sub3A_556 : i32
        %select_n3A_558 = arith.select %and3A_555, %sub3A_557, %div3A_536 : i32
        %rem3A_559 = arith.constant 2 : i32
        %rem3A_560 = arith.remsi %add3A_534, %rem3A_559 : i32
        %mul3A_561 = arith.constant 100000 : i32
        %mul3A_562 = arith.muli %select_n3A_558, %mul3A_561 : i32
        %mul3A_563 = arith.constant 50000 : i32
        %mul3A_564 = arith.muli %rem3A_560, %mul3A_563 : i32
        %add3A_565 = arith.addi %mul3A_562, %mul3A_564 : i32
        %jit3A_566 = arith.constant 128 : i32
        %div3A_567 = arith.divsi %add3A_565, %jit3A_566 : i32
        %sign3A_568 = arith.constant 0 : i32
        %sign3A_569 = arith.cmpi sgt, %add3A_565, %sign3A_568 : i32
        %sign3A_570 = arith.extui %sign3A_569 : i1 to i32
        %sign3A_571 = arith.constant 0 : i32
        %sign3A_572 = arith.cmpi slt, %add3A_565, %sign3A_571 : i32
        %sign3A_573 = arith.extui %sign3A_572 : i1 to i32
        %sign3A_574 = arith.subi %sign3A_570, %sign3A_573 : i32
        %sign3A_575 = arith.constant 0 : i32
        %sign3A_576 = arith.cmpi sgt, %jit3A_566, %sign3A_575 : i32
        %sign3A_577 = arith.extui %sign3A_576 : i1 to i32
        %sign3A_578 = arith.constant 0 : i32
        %sign3A_579 = arith.cmpi slt, %jit3A_566, %sign3A_578 : i32
        %sign3A_580 = arith.extui %sign3A_579 : i1 to i32
        %sign3A_581 = arith.subi %sign3A_577, %sign3A_580 : i32
        %ne3A_582 = arith.cmpi ne, %sign3A_574, %sign3A_581 : i32
        %rem3A_583 = arith.remsi %add3A_565, %jit3A_566 : i32
        %ne3A_584 = arith.constant 0 : i32
        %ne3A_585 = arith.cmpi ne, %rem3A_583, %ne3A_584 : i32
        %and3A_586 = arith.andi %ne3A_582, %ne3A_585 : i1
        %sub3A_587 = arith.constant 1 : i32
        %sub3A_588 = arith.subi %div3A_567, %sub3A_587 : i32
        %select_n3A_589 = arith.select %and3A_586, %sub3A_588, %div3A_567 : i32
        %mul3A_590 = arith.constant 128 : i32
        %mul3A_591 = arith.muli %select_n3A_589, %mul3A_590 : i32
        %min3A_592 = arith.constant 2548864 : i32
        %min3A_593 = arith.minsi %mul3A_591, %min3A_592 : i32
        %multiple_of3A_594 = tpu.assume_multiple %min3A_593, 128 : i32
        %mul3A_595 = arith.constant 3200 : i32
        %mul3A_596 = arith.muli %arg1, %mul3A_595 : i32
        %add3A_597 = arith.addi %multiple_of3A_594, %mul3A_596 : i32
        %mul3A_598 = arith.constant 3200 : i32
        %mul3A_599 = arith.muli %arg1, %mul3A_598 : i32
        %dma_start3A_600 = arith.constant 0 : i32
        %dma_start3A_601 = tpu.memref_slice %arg8[%dma_start3A_600, %mul3A_599] : memref<8x51200xf32, #tpu.memory_space<vmem_shared>> -> memref<8x3200xf32, #tpu.memory_space<vmem_shared>>
        %dma_start3A_602 = tpu.memref_slice %arg5[%multiple_of3A, %add3A_597] : memref<16x2600000xf32, #tpu.memory_space<hbm>> -> memref<8x3200xf32, #tpu.memory_space<hbm>>
        tpu.enqueue_dma source(%dma_start3A_602 : memref<8x3200xf32, #tpu.memory_space<hbm>>) target(%dma_start3A_601 : memref<8x3200xf32, #tpu.memory_space<vmem_shared>>) target_semaphore(%arg17 : memref<!tpu.dma_semaphore, #tpu.memory_space<semaphore_mem>>)
      } else {
      }
      %mul3A_345 = arith.constant 16384 : i32
      %mul3A_346 = arith.muli %select_n3A_333, %mul3A_345 : i32
      %add3A_347 = arith.addi %mul3A_346, %mul3A_20 : i32
      "tpu.region"() ({
        %run_scoped3A = tpu.sem_alloc : memref<!tpu.dma_semaphore, #tpu.memory_space<semaphore_mem>>
        %dma_start3A_533 = tpu.memref_slice %arg2[%add3A_347] : memref<425984xi32, #tpu.memory_space<hbm>> -> memref<8192xi32, #tpu.memory_space<hbm>>
        %dma_start3A_534 = tpu.memref_slice %arg2[%add3A_347] : memref<425984xi32, #tpu.memory_space<hbm>> -> memref<8192xi32, #tpu.memory_space<hbm>>
        tpu.enqueue_dma source(%dma_start3A_534 : memref<8192xi32, #tpu.memory_space<hbm>>) target(%arg10 : memref<8192xi32, #tpu.memory_space<vmem>>) target_semaphore(%run_scoped3A : memref<!tpu.dma_semaphore, #tpu.memory_space<semaphore_mem>>)
        %dma_wait3A_535 = tpu.memref_slice %arg2[%add3A_347] : memref<425984xi32, #tpu.memory_space<hbm>> -> memref<8192xi32, #tpu.memory_space<hbm>>
        %dma_wait3A_536 = tpu.memref_slice %arg2[%add3A_347] : memref<425984xi32, #tpu.memory_space<hbm>> -> memref<8192xi32, #tpu.memory_space<hbm>>
        tpu.wait_dma2 semaphore(%run_scoped3A : memref<!tpu.dma_semaphore, #tpu.memory_space<semaphore_mem>>) src(%dma_wait3A_536 : memref<8192xi32, #tpu.memory_space<hbm>>) dst(%arg10 : memref<8192xi32, #tpu.memory_space<vmem>>)
        tpu.yield
      }) : () -> ()
      "tpu.region"() ({
        %run_scoped3A = tpu.sem_alloc : memref<!tpu.dma_semaphore, #tpu.memory_space<semaphore_mem>>
        %dma_start3A_533 = arith.constant 0 : i32
        %dma_start3A_534 = tpu.memref_slice %arg7[%rem3A_1, %dma_start3A_533] : memref<8x51200xf32, #tpu.memory_space<vmem_shared>> -> memref<1x51200xf32, #tpu.memory_space<vmem_shared>>
        %dma_start3A_535 = tpu.memref_squeeze %dma_start3A_534 : memref<1x51200xf32, #tpu.memory_space<vmem_shared>> -> memref<51200xf32, #tpu.memory_space<vmem_shared>>
        %dma_start3A_536 = arith.constant 0 : i32
        %dma_start3A_537 = tpu.memref_slice %arg7[%rem3A_1, %dma_start3A_536] : memref<8x51200xf32, #tpu.memory_space<vmem_shared>> -> memref<1x51200xf32, #tpu.memory_space<vmem_shared>>
        %dma_start3A_538 = tpu.memref_squeeze %dma_start3A_537 : memref<1x51200xf32, #tpu.memory_space<vmem_shared>> -> memref<51200xf32, #tpu.memory_space<vmem_shared>>
        tpu.enqueue_dma source(%dma_start3A_538 : memref<51200xf32, #tpu.memory_space<vmem_shared>>) target(%arg9 : memref<51200xf32, #tpu.memory_space<vmem>>) target_semaphore(%run_scoped3A : memref<!tpu.dma_semaphore, #tpu.memory_space<semaphore_mem>>)
        %dma_wait3A_539 = arith.constant 0 : i32
        %dma_wait3A_540 = tpu.memref_slice %arg7[%rem3A_1, %dma_wait3A_539] : memref<8x51200xf32, #tpu.memory_space<vmem_shared>> -> memref<1x51200xf32, #tpu.memory_space<vmem_shared>>
        %dma_wait3A_541 = tpu.memref_squeeze %dma_wait3A_540 : memref<1x51200xf32, #tpu.memory_space<vmem_shared>> -> memref<51200xf32, #tpu.memory_space<vmem_shared>>
        %dma_wait3A_542 = arith.constant 0 : i32
        %dma_wait3A_543 = tpu.memref_slice %arg7[%rem3A_1, %dma_wait3A_542] : memref<8x51200xf32, #tpu.memory_space<vmem_shared>> -> memref<1x51200xf32, #tpu.memory_space<vmem_shared>>
        %dma_wait3A_544 = tpu.memref_squeeze %dma_wait3A_543 : memref<1x51200xf32, #tpu.memory_space<vmem_shared>> -> memref<51200xf32, #tpu.memory_space<vmem_shared>>
        tpu.wait_dma2 semaphore(%run_scoped3A : memref<!tpu.dma_semaphore, #tpu.memory_space<semaphore_mem>>) src(%dma_wait3A_544 : memref<51200xf32, #tpu.memory_space<vmem_shared>>) dst(%arg9 : memref<51200xf32, #tpu.memory_space<vmem>>)
        tpu.yield
      }) : () -> ()
      %mul3A_348 = arith.constant 100000 : i32
      %mul3A_349 = arith.muli %select_n3A_333, %mul3A_348 : i32
      %jit3A_350 = arith.constant 2 : i32
      %div3A_351 = arith.divsi %mul3A_309, %jit3A_350 : i32
      %sign3A_352 = arith.constant 0 : i32
      %sign3A_353 = arith.cmpi sgt, %mul3A_309, %sign3A_352 : i32
      %sign3A_354 = arith.extui %sign3A_353 : i1 to i32
      %sign3A_355 = arith.constant 0 : i32
      %sign3A_356 = arith.cmpi slt, %mul3A_309, %sign3A_355 : i32
      %sign3A_357 = arith.extui %sign3A_356 : i1 to i32
      %sign3A_358 = arith.subi %sign3A_354, %sign3A_357 : i32
      %sign3A_359 = arith.constant 0 : i32
      %sign3A_360 = arith.cmpi sgt, %jit3A_350, %sign3A_359 : i32
      %sign3A_361 = arith.extui %sign3A_360 : i1 to i32
      %sign3A_362 = arith.constant 0 : i32
      %sign3A_363 = arith.cmpi slt, %jit3A_350, %sign3A_362 : i32
      %sign3A_364 = arith.extui %sign3A_363 : i1 to i32
      %sign3A_365 = arith.subi %sign3A_361, %sign3A_364 : i32
      %ne3A_366 = arith.cmpi ne, %sign3A_358, %sign3A_365 : i32
      %rem3A_367 = arith.remsi %mul3A_309, %jit3A_350 : i32
      %ne3A_368 = arith.constant 0 : i32
      %ne3A_369 = arith.cmpi ne, %rem3A_367, %ne3A_368 : i32
      %and3A_370 = arith.andi %ne3A_366, %ne3A_369 : i1
      %sub3A_371 = arith.constant 1 : i32
      %sub3A_372 = arith.subi %div3A_351, %sub3A_371 : i32
      %select_n3A_373 = arith.select %and3A_370, %sub3A_372, %div3A_351 : i32
      %rem3A_374 = arith.constant 2 : i32
      %rem3A_375 = arith.remsi %mul3A_309, %rem3A_374 : i32
      %mul3A_376 = arith.constant 100000 : i32
      %mul3A_377 = arith.muli %select_n3A_373, %mul3A_376 : i32
      %mul3A_378 = arith.constant 50000 : i32
      %mul3A_379 = arith.muli %rem3A_375, %mul3A_378 : i32
      %add3A_380 = arith.addi %mul3A_377, %mul3A_379 : i32
      %jit3A_381 = arith.constant 128 : i32
      %div3A_382 = arith.divsi %add3A_380, %jit3A_381 : i32
      %sign3A_383 = arith.constant 0 : i32
      %sign3A_384 = arith.cmpi sgt, %add3A_380, %sign3A_383 : i32
      %sign3A_385 = arith.extui %sign3A_384 : i1 to i32
      %sign3A_386 = arith.constant 0 : i32
      %sign3A_387 = arith.cmpi slt, %add3A_380, %sign3A_386 : i32
      %sign3A_388 = arith.extui %sign3A_387 : i1 to i32
      %sign3A_389 = arith.subi %sign3A_385, %sign3A_388 : i32
      %sign3A_390 = arith.constant 0 : i32
      %sign3A_391 = arith.cmpi sgt, %jit3A_381, %sign3A_390 : i32
      %sign3A_392 = arith.extui %sign3A_391 : i1 to i32
      %sign3A_393 = arith.constant 0 : i32
      %sign3A_394 = arith.cmpi slt, %jit3A_381, %sign3A_393 : i32
      %sign3A_395 = arith.extui %sign3A_394 : i1 to i32
      %sign3A_396 = arith.subi %sign3A_392, %sign3A_395 : i32
      %ne3A_397 = arith.cmpi ne, %sign3A_389, %sign3A_396 : i32
      %rem3A_398 = arith.remsi %add3A_380, %jit3A_381 : i32
      %ne3A_399 = arith.constant 0 : i32
      %ne3A_400 = arith.cmpi ne, %rem3A_398, %ne3A_399 : i32
      %and3A_401 = arith.andi %ne3A_397, %ne3A_400 : i1
      %sub3A_402 = arith.constant 1 : i32
      %sub3A_403 = arith.subi %div3A_382, %sub3A_402 : i32
      %select_n3A_404 = arith.select %and3A_401, %sub3A_403, %div3A_382 : i32
      %mul3A_405 = arith.constant 128 : i32
      %mul3A_406 = arith.muli %select_n3A_404, %mul3A_405 : i32
      %min3A_407 = arith.constant 2548864 : i32
      %min3A_408 = arith.minsi %mul3A_406, %min3A_407 : i32
      %sub3A_409 = arith.subi %mul3A_349, %min3A_408 : i32
      %parallel_loop3A_410 = arith.constant 0 : i32
      %parallel_loop3A_411 = arith.constant 8192 : i32
      %parallel_loop3A_412 = arith.constant 16 : i32
      scf.for %parallel_loop3A_533 = %parallel_loop3A_410 to %parallel_loop3A_411 step %parallel_loop3A_412  : i32 {
        %parallel_loop3A_534 = arith.index_cast %parallel_loop3A_533 : i32 to index
        %parallel_loop3A_535 = tpu.vector_load %arg10[%parallel_loop3A_534] {strides = array<i32>} : memref<8192xi32, #tpu.memory_space<vmem>>, vector<16xi32>,
        %parallel_loop3A_536 = vector.broadcast %mul3A_337 : i32 to vector<16xi32>
        %parallel_loop3A_537 = arith.subi %parallel_loop3A_535, %parallel_loop3A_536 : vector<16xi32>
        %parallel_loop3A_538 = arith.constant 0 : i32
        %parallel_loop3A_539 = vector.broadcast %parallel_loop3A_538 : i32 to vector<16xi32>
        %parallel_loop3A_540 = arith.cmpi sge, %parallel_loop3A_537, %parallel_loop3A_539 : vector<16xi32>
        %parallel_loop3A_541 = arith.constant 50000 : i32
        %parallel_loop3A_542 = vector.broadcast %parallel_loop3A_541 : i32 to vector<16xi32>
        %parallel_loop3A_543 = arith.cmpi slt, %parallel_loop3A_537, %parallel_loop3A_542 : vector<16xi32>
        %parallel_loop3A_544 = arith.andi %parallel_loop3A_540, %parallel_loop3A_543 : vector<16xi1>
        %parallel_loop3A_545 = vector.broadcast %sub3A_409 : i32 to vector<16xi32>
        %parallel_loop3A_546 = arith.addi %parallel_loop3A_535, %parallel_loop3A_545 : vector<16xi32>
        %parallel_loop3A_547 = arith.constant 0 : i32
        %parallel_loop3A_548 = vector.broadcast %parallel_loop3A_547 : i32 to vector<16xi32>
        %parallel_loop3A_549 = arith.select %parallel_loop3A_544, %parallel_loop3A_546, %parallel_loop3A_548 : vector<16xi1>, vector<16xi32>
        %parallel_loop3A_550 = tpu.vector_load_idx %arg9[%parallel_loop3A_549] : memref<51200xf32, #tpu.memory_space<vmem>>[vector<16xi32>], vector<16xf32>,
        %parallel_loop3A_551 = arith.constant 0.000000e+00 : f32
        %parallel_loop3A_552 = vector.broadcast %parallel_loop3A_551 : f32 to vector<16xf32>
        %parallel_loop3A_553 = arith.select %parallel_loop3A_544, %parallel_loop3A_550, %parallel_loop3A_552 : vector<16xi1>, vector<16xf32>
        %parallel_loop3A_554 = arith.index_cast %parallel_loop3A_533 : i32 to index
        %parallel_loop3A_555 = tpu.vector_load %arg11[%parallel_loop3A_554] {strides = array<i32>} : memref<8192xf32, #tpu.memory_space<vmem>>, vector<16xf32>,
        %parallel_loop3A_556 = arith.addf %parallel_loop3A_555, %parallel_loop3A_553 : vector<16xf32>
        %parallel_loop3A_557 = arith.index_cast %parallel_loop3A_533 : i32 to index
        %parallel_loop3A_558 = tpu.vector_load %arg11[%parallel_loop3A_557] {strides = array<i32>} : memref<8192xf32, #tpu.memory_space<vmem>>, vector<16xf32>,
        tpu.vector_store %arg11[%parallel_loop3A_557], %parallel_loop3A_556 {strides = array<i32>} : memref<8192xf32, #tpu.memory_space<vmem>>, vector<16xf32>,
        %parallel_loop3A_559 = arith.index_cast %parallel_loop3A_533 : i32 to index
        %parallel_loop3A_560 = tpu.vector_load %arg12[%parallel_loop3A_559] {strides = array<i32>} : memref<8192xf32, #tpu.memory_space<vmem>>, vector<16xf32>,
        %parallel_loop3A_561 = arith.mulf %parallel_loop3A_553, %parallel_loop3A_553 : vector<16xf32>
        %parallel_loop3A_562 = vector.broadcast %scan3A_110 : f32 to vector<16xf32>
        %parallel_loop3A_563 = arith.mulf %parallel_loop3A_562, %parallel_loop3A_561 : vector<16xf32>
        %parallel_loop3A_564 = arith.subf %parallel_loop3A_560, %parallel_loop3A_563 : vector<16xf32>
        %parallel_loop3A_565 = arith.index_cast %parallel_loop3A_533 : i32 to index
        %parallel_loop3A_566 = tpu.vector_load %arg12[%parallel_loop3A_565] {strides = array<i32>} : memref<8192xf32, #tpu.memory_space<vmem>>, vector<16xf32>,
        tpu.vector_store %arg12[%parallel_loop3A_565], %parallel_loop3A_564 {strides = array<i32>} : memref<8192xf32, #tpu.memory_space<vmem>>, vector<16xf32>,
      } {sc.loop_unroll_factor = 8 : i64, sc.parallel_access}
      %add3A_413 = arith.constant 1 : i32
      %add3A_414 = arith.addi %mul3A_309, %add3A_413 : i32
      %lt3A_415 = arith.constant 52 : i32
      %lt3A_416 = arith.cmpi slt, %add3A_414, %lt3A_415 : i32
      %convert_element_type3A_417 = arith.extui %lt3A_416 : i1 to i32
      %cond3A_418 = arith.constant 0 : i32
      %cond3A_419 = arith.cmpi ne, %convert_element_type3A_417, %cond3A_418 : i32
      scf.if %cond3A_419 {
        %add3A_533 = arith.constant 1 : i32
        %add3A_534 = arith.addi %mul3A_309, %add3A_533 : i32
        %jit3A_535 = arith.constant 2 : i32
        %div3A_536 = arith.divsi %add3A_534, %jit3A_535 : i32
        %sign3A_537 = arith.constant 0 : i32
        %sign3A_538 = arith.cmpi sgt, %add3A_534, %sign3A_537 : i32
        %sign3A_539 = arith.extui %sign3A_538 : i1 to i32
        %sign3A_540 = arith.constant 0 : i32
        %sign3A_541 = arith.cmpi slt, %add3A_534, %sign3A_540 : i32
        %sign3A_542 = arith.extui %sign3A_541 : i1 to i32
        %sign3A_543 = arith.subi %sign3A_539, %sign3A_542 : i32
        %sign3A_544 = arith.constant 0 : i32
        %sign3A_545 = arith.cmpi sgt, %jit3A_535, %sign3A_544 : i32
        %sign3A_546 = arith.extui %sign3A_545 : i1 to i32
        %sign3A_547 = arith.constant 0 : i32
        %sign3A_548 = arith.cmpi slt, %jit3A_535, %sign3A_547 : i32
        %sign3A_549 = arith.extui %sign3A_548 : i1 to i32
        %sign3A_550 = arith.subi %sign3A_546, %sign3A_549 : i32
        %ne3A_551 = arith.cmpi ne, %sign3A_543, %sign3A_550 : i32
        %rem3A_552 = arith.remsi %add3A_534, %jit3A_535 : i32
        %ne3A_553 = arith.constant 0 : i32
        %ne3A_554 = arith.cmpi ne, %rem3A_552, %ne3A_553 : i32
        %and3A_555 = arith.andi %ne3A_551, %ne3A_554 : i1
        %sub3A_556 = arith.constant 1 : i32
        %sub3A_557 = arith.subi %div3A_536, %sub3A_556 : i32
        %select_n3A_558 = arith.select %and3A_555, %sub3A_557, %div3A_536 : i32
        %rem3A_559 = arith.constant 2 : i32
        %rem3A_560 = arith.remsi %add3A_534, %rem3A_559 : i32
        %mul3A_561 = arith.constant 100000 : i32
        %mul3A_562 = arith.muli %select_n3A_558, %mul3A_561 : i32
        %mul3A_563 = arith.constant 50000 : i32
        %mul3A_564 = arith.muli %rem3A_560, %mul3A_563 : i32
        %add3A_565 = arith.addi %mul3A_562, %mul3A_564 : i32
        %jit3A_566 = arith.constant 128 : i32
        %div3A_567 = arith.divsi %add3A_565, %jit3A_566 : i32
        %sign3A_568 = arith.constant 0 : i32
        %sign3A_569 = arith.cmpi sgt, %add3A_565, %sign3A_568 : i32
        %sign3A_570 = arith.extui %sign3A_569 : i1 to i32
        %sign3A_571 = arith.constant 0 : i32
        %sign3A_572 = arith.cmpi slt, %add3A_565, %sign3A_571 : i32
        %sign3A_573 = arith.extui %sign3A_572 : i1 to i32
        %sign3A_574 = arith.subi %sign3A_570, %sign3A_573 : i32
        %sign3A_575 = arith.constant 0 : i32
        %sign3A_576 = arith.cmpi sgt, %jit3A_566, %sign3A_575 : i32
        %sign3A_577 = arith.extui %sign3A_576 : i1 to i32
        %sign3A_578 = arith.constant 0 : i32
        %sign3A_579 = arith.cmpi slt, %jit3A_566, %sign3A_578 : i32
        %sign3A_580 = arith.extui %sign3A_579 : i1 to i32
        %sign3A_581 = arith.subi %sign3A_577, %sign3A_580 : i32
        %ne3A_582 = arith.cmpi ne, %sign3A_574, %sign3A_581 : i32
        %rem3A_583 = arith.remsi %add3A_565, %jit3A_566 : i32
        %ne3A_584 = arith.constant 0 : i32
        %ne3A_585 = arith.cmpi ne, %rem3A_583, %ne3A_584 : i32
        %and3A_586 = arith.andi %ne3A_582, %ne3A_585 : i1
        %sub3A_587 = arith.constant 1 : i32
        %sub3A_588 = arith.subi %div3A_567, %sub3A_587 : i32
        %select_n3A_589 = arith.select %and3A_586, %sub3A_588, %div3A_567 : i32
        %mul3A_590 = arith.constant 128 : i32
        %mul3A_591 = arith.muli %select_n3A_589, %mul3A_590 : i32
        %min3A_592 = arith.constant 2548864 : i32
        %min3A_593 = arith.minsi %mul3A_591, %min3A_592 : i32
        %multiple_of3A_594 = tpu.assume_multiple %min3A_593, 128 : i32
        %mul3A_595 = arith.constant 3200 : i32
        %mul3A_596 = arith.muli %arg1, %mul3A_595 : i32
        %add3A_597 = arith.addi %multiple_of3A_594, %mul3A_596 : i32
        %mul3A_598 = arith.constant 3200 : i32
        %mul3A_599 = arith.muli %arg1, %mul3A_598 : i32
        %dma_wait3A_600 = arith.constant 0 : i32
        %dma_wait3A_601 = tpu.memref_slice %arg8[%dma_wait3A_600, %mul3A_599] : memref<8x51200xf32, #tpu.memory_space<vmem_shared>> -> memref<8x3200xf32, #tpu.memory_space<vmem_shared>>
        %dma_wait3A_602 = tpu.memref_slice %arg5[%multiple_of3A, %add3A_597] : memref<16x2600000xf32, #tpu.memory_space<hbm>> -> memref<8x3200xf32, #tpu.memory_space<hbm>>
        tpu.wait_dma2 semaphore(%arg17 : memref<!tpu.dma_semaphore, #tpu.memory_space<semaphore_mem>>) src(%dma_wait3A_602 : memref<8x3200xf32, #tpu.memory_space<hbm>>) dst(%dma_wait3A_601 : memref<8x3200xf32, #tpu.memory_space<vmem_shared>>)
      } else {
      }
      %barrier3A_420 = arith.constant 0 : index
      tpu.barrier barrier_id(%barrier3A_420)
      %mul3A_421 = arith.constant 2 : i32
      %mul3A_422 = arith.muli %mul3A_421, %scan3A_307 : i32
      %add3A_423 = arith.constant 1 : i32
      %add3A_424 = arith.addi %mul3A_422, %add3A_423 : i32
      %jit3A_425 = arith.constant 2 : i32
      %div3A_426 = arith.divsi %add3A_424, %jit3A_425 : i32
      %sign3A_427 = arith.constant 0 : i32
      %sign3A_428 = arith.cmpi sgt, %add3A_424, %sign3A_427 : i32
      %sign3A_429 = arith.extui %sign3A_428 : i1 to i32
      %sign3A_430 = arith.constant 0 : i32
      %sign3A_431 = arith.cmpi slt, %add3A_424, %sign3A_430 : i32
      %sign3A_432 = arith.extui %sign3A_431 : i1 to i32
      %sign3A_433 = arith.subi %sign3A_429, %sign3A_432 : i32
      %sign3A_434 = arith.constant 0 : i32
      %sign3A_435 = arith.cmpi sgt, %jit3A_425, %sign3A_434 : i32
      %sign3A_436 = arith.extui %sign3A_435 : i1 to i32
      %sign3A_437 = arith.constant 0 : i32
      %sign3A_438 = arith.cmpi slt, %jit3A_425, %sign3A_437 : i32
      %sign3A_439 = arith.extui %sign3A_438 : i1 to i32
      %sign3A_440 = arith.subi %sign3A_436, %sign3A_439 : i32
      %ne3A_441 = arith.cmpi ne, %sign3A_433, %sign3A_440 : i32
      %rem3A_442 = arith.remsi %add3A_424, %jit3A_425 : i32
      %ne3A_443 = arith.constant 0 : i32
      %ne3A_444 = arith.cmpi ne, %rem3A_442, %ne3A_443 : i32
      %and3A_445 = arith.andi %ne3A_441, %ne3A_444 : i1
      %sub3A_446 = arith.constant 1 : i32
      %sub3A_447 = arith.subi %div3A_426, %sub3A_446 : i32
      %select_n3A_448 = arith.select %and3A_445, %sub3A_447, %div3A_426 : i32
      %rem3A_449 = arith.constant 2 : i32
      %rem3A_450 = arith.remsi %add3A_424, %rem3A_449 : i32
      %mul3A_451 = arith.constant 50000 : i32
      %mul3A_452 = arith.muli %rem3A_450, %mul3A_451 : i32
      %add3A_453 = arith.constant 1 : i32
      %add3A_454 = arith.addi %add3A_424, %add3A_453 : i32
      %lt3A_455 = arith.constant 52 : i32
      %lt3A_456 = arith.cmpi slt, %add3A_454, %lt3A_455 : i32
      %convert_element_type3A_457 = arith.extui %lt3A_456 : i1 to i32
      %cond3A_458 = arith.constant 0 : i32
      %cond3A_459 = arith.cmpi ne, %convert_element_type3A_457, %cond3A_458 : i32
      scf.if %cond3A_459 {
        %add3A_533 = arith.constant 1 : i32
        %add3A_534 = arith.addi %add3A_424, %add3A_533 : i32
        %jit3A_535 = arith.constant 2 : i32
        %div3A_536 = arith.divsi %add3A_534, %jit3A_535 : i32
        %sign3A_537 = arith.constant 0 : i32
        %sign3A_538 = arith.cmpi sgt, %add3A_534, %sign3A_537 : i32
        %sign3A_539 = arith.extui %sign3A_538 : i1 to i32
        %sign3A_540 = arith.constant 0 : i32
        %sign3A_541 = arith.cmpi slt, %add3A_534, %sign3A_540 : i32
        %sign3A_542 = arith.extui %sign3A_541 : i1 to i32
        %sign3A_543 = arith.subi %sign3A_539, %sign3A_542 : i32
        %sign3A_544 = arith.constant 0 : i32
        %sign3A_545 = arith.cmpi sgt, %jit3A_535, %sign3A_544 : i32
        %sign3A_546 = arith.extui %sign3A_545 : i1 to i32
        %sign3A_547 = arith.constant 0 : i32
        %sign3A_548 = arith.cmpi slt, %jit3A_535, %sign3A_547 : i32
        %sign3A_549 = arith.extui %sign3A_548 : i1 to i32
        %sign3A_550 = arith.subi %sign3A_546, %sign3A_549 : i32
        %ne3A_551 = arith.cmpi ne, %sign3A_543, %sign3A_550 : i32
        %rem3A_552 = arith.remsi %add3A_534, %jit3A_535 : i32
        %ne3A_553 = arith.constant 0 : i32
        %ne3A_554 = arith.cmpi ne, %rem3A_552, %ne3A_553 : i32
        %and3A_555 = arith.andi %ne3A_551, %ne3A_554 : i1
        %sub3A_556 = arith.constant 1 : i32
        %sub3A_557 = arith.subi %div3A_536, %sub3A_556 : i32
        %select_n3A_558 = arith.select %and3A_555, %sub3A_557, %div3A_536 : i32
        %rem3A_559 = arith.constant 2 : i32
        %rem3A_560 = arith.remsi %add3A_534, %rem3A_559 : i32
        %mul3A_561 = arith.constant 100000 : i32
        %mul3A_562 = arith.muli %select_n3A_558, %mul3A_561 : i32
        %mul3A_563 = arith.constant 50000 : i32
        %mul3A_564 = arith.muli %rem3A_560, %mul3A_563 : i32
        %add3A_565 = arith.addi %mul3A_562, %mul3A_564 : i32
        %jit3A_566 = arith.constant 128 : i32
        %div3A_567 = arith.divsi %add3A_565, %jit3A_566 : i32
        %sign3A_568 = arith.constant 0 : i32
        %sign3A_569 = arith.cmpi sgt, %add3A_565, %sign3A_568 : i32
        %sign3A_570 = arith.extui %sign3A_569 : i1 to i32
        %sign3A_571 = arith.constant 0 : i32
        %sign3A_572 = arith.cmpi slt, %add3A_565, %sign3A_571 : i32
        %sign3A_573 = arith.extui %sign3A_572 : i1 to i32
        %sign3A_574 = arith.subi %sign3A_570, %sign3A_573 : i32
        %sign3A_575 = arith.constant 0 : i32
        %sign3A_576 = arith.cmpi sgt, %jit3A_566, %sign3A_575 : i32
        %sign3A_577 = arith.extui %sign3A_576 : i1 to i32
        %sign3A_578 = arith.constant 0 : i32
        %sign3A_579 = arith.cmpi slt, %jit3A_566, %sign3A_578 : i32
        %sign3A_580 = arith.extui %sign3A_579 : i1 to i32
        %sign3A_581 = arith.subi %sign3A_577, %sign3A_580 : i32
        %ne3A_582 = arith.cmpi ne, %sign3A_574, %sign3A_581 : i32
        %rem3A_583 = arith.remsi %add3A_565, %jit3A_566 : i32
        %ne3A_584 = arith.constant 0 : i32
        %ne3A_585 = arith.cmpi ne, %rem3A_583, %ne3A_584 : i32
        %and3A_586 = arith.andi %ne3A_582, %ne3A_585 : i1
        %sub3A_587 = arith.constant 1 : i32
        %sub3A_588 = arith.subi %div3A_567, %sub3A_587 : i32
        %select_n3A_589 = arith.select %and3A_586, %sub3A_588, %div3A_567 : i32
        %mul3A_590 = arith.constant 128 : i32
        %mul3A_591 = arith.muli %select_n3A_589, %mul3A_590 : i32
        %min3A_592 = arith.constant 2548864 : i32
        %min3A_593 = arith.minsi %mul3A_591, %min3A_592 : i32
        %multiple_of3A_594 = tpu.assume_multiple %min3A_593, 128 : i32
        %mul3A_595 = arith.constant 3200 : i32
        %mul3A_596 = arith.muli %arg1, %mul3A_595 : i32
        %add3A_597 = arith.addi %multiple_of3A_594, %mul3A_596 : i32
        %mul3A_598 = arith.constant 3200 : i32
        %mul3A_599 = arith.muli %arg1, %mul3A_598 : i32
        %dma_start3A_600 = arith.constant 0 : i32
        %dma_start3A_601 = tpu.memref_slice %arg7[%dma_start3A_600, %mul3A_599] : memref<8x51200xf32, #tpu.memory_space<vmem_shared>> -> memref<8x3200xf32, #tpu.memory_space<vmem_shared>>
        %dma_start3A_602 = tpu.memref_slice %arg5[%multiple_of3A, %add3A_597] : memref<16x2600000xf32, #tpu.memory_space<hbm>> -> memref<8x3200xf32, #tpu.memory_space<hbm>>
        tpu.enqueue_dma source(%dma_start3A_602 : memref<8x3200xf32, #tpu.memory_space<hbm>>) target(%dma_start3A_601 : memref<8x3200xf32, #tpu.memory_space<vmem_shared>>) target_semaphore(%arg17 : memref<!tpu.dma_semaphore, #tpu.memory_space<semaphore_mem>>)
      } else {
      }
      "tpu.region"() ({
        %run_scoped3A = tpu.sem_alloc : memref<!tpu.dma_semaphore, #tpu.memory_space<semaphore_mem>>
        %dma_start3A_533 = arith.constant 0 : i32
        %dma_start3A_534 = tpu.memref_slice %arg8[%rem3A_1, %dma_start3A_533] : memref<8x51200xf32, #tpu.memory_space<vmem_shared>> -> memref<1x51200xf32, #tpu.memory_space<vmem_shared>>
        %dma_start3A_535 = tpu.memref_squeeze %dma_start3A_534 : memref<1x51200xf32, #tpu.memory_space<vmem_shared>> -> memref<51200xf32, #tpu.memory_space<vmem_shared>>
        %dma_start3A_536 = arith.constant 0 : i32
        %dma_start3A_537 = tpu.memref_slice %arg8[%rem3A_1, %dma_start3A_536] : memref<8x51200xf32, #tpu.memory_space<vmem_shared>> -> memref<1x51200xf32, #tpu.memory_space<vmem_shared>>
        %dma_start3A_538 = tpu.memref_squeeze %dma_start3A_537 : memref<1x51200xf32, #tpu.memory_space<vmem_shared>> -> memref<51200xf32, #tpu.memory_space<vmem_shared>>
        tpu.enqueue_dma source(%dma_start3A_538 : memref<51200xf32, #tpu.memory_space<vmem_shared>>) target(%arg9 : memref<51200xf32, #tpu.memory_space<vmem>>) target_semaphore(%run_scoped3A : memref<!tpu.dma_semaphore, #tpu.memory_space<semaphore_mem>>)
        %dma_wait3A_539 = arith.constant 0 : i32
        %dma_wait3A_540 = tpu.memref_slice %arg8[%rem3A_1, %dma_wait3A_539] : memref<8x51200xf32, #tpu.memory_space<vmem_shared>> -> memref<1x51200xf32, #tpu.memory_space<vmem_shared>>
        %dma_wait3A_541 = tpu.memref_squeeze %dma_wait3A_540 : memref<1x51200xf32, #tpu.memory_space<vmem_shared>> -> memref<51200xf32, #tpu.memory_space<vmem_shared>>
        %dma_wait3A_542 = arith.constant 0 : i32
        %dma_wait3A_543 = tpu.memref_slice %arg8[%rem3A_1, %dma_wait3A_542] : memref<8x51200xf32, #tpu.memory_space<vmem_shared>> -> memref<1x51200xf32, #tpu.memory_space<vmem_shared>>
        %dma_wait3A_544 = tpu.memref_squeeze %dma_wait3A_543 : memref<1x51200xf32, #tpu.memory_space<vmem_shared>> -> memref<51200xf32, #tpu.memory_space<vmem_shared>>
        tpu.wait_dma2 semaphore(%run_scoped3A : memref<!tpu.dma_semaphore, #tpu.memory_space<semaphore_mem>>) src(%dma_wait3A_544 : memref<51200xf32, #tpu.memory_space<vmem_shared>>) dst(%arg9 : memref<51200xf32, #tpu.memory_space<vmem>>)
        tpu.yield
      }) : () -> ()
      %mul3A_460 = arith.constant 100000 : i32
      %mul3A_461 = arith.muli %select_n3A_448, %mul3A_460 : i32
      %jit3A_462 = arith.constant 2 : i32
      %div3A_463 = arith.divsi %add3A_424, %jit3A_462 : i32
      %sign3A_464 = arith.constant 0 : i32
      %sign3A_465 = arith.cmpi sgt, %add3A_424, %sign3A_464 : i32
      %sign3A_466 = arith.extui %sign3A_465 : i1 to i32
      %sign3A_467 = arith.constant 0 : i32
      %sign3A_468 = arith.cmpi slt, %add3A_424, %sign3A_467 : i32
      %sign3A_469 = arith.extui %sign3A_468 : i1 to i32
      %sign3A_470 = arith.subi %sign3A_466, %sign3A_469 : i32
      %sign3A_471 = arith.constant 0 : i32
      %sign3A_472 = arith.cmpi sgt, %jit3A_462, %sign3A_471 : i32
      %sign3A_473 = arith.extui %sign3A_472 : i1 to i32
      %sign3A_474 = arith.constant 0 : i32
      %sign3A_475 = arith.cmpi slt, %jit3A_462, %sign3A_474 : i32
      %sign3A_476 = arith.extui %sign3A_475 : i1 to i32
      %sign3A_477 = arith.subi %sign3A_473, %sign3A_476 : i32
      %ne3A_478 = arith.cmpi ne, %sign3A_470, %sign3A_477 : i32
      %rem3A_479 = arith.remsi %add3A_424, %jit3A_462 : i32
      %ne3A_480 = arith.constant 0 : i32
      %ne3A_481 = arith.cmpi ne, %rem3A_479, %ne3A_480 : i32
      %and3A_482 = arith.andi %ne3A_478, %ne3A_481 : i1
      %sub3A_483 = arith.constant 1 : i32
      %sub3A_484 = arith.subi %div3A_463, %sub3A_483 : i32
      %select_n3A_485 = arith.select %and3A_482, %sub3A_484, %div3A_463 : i32
      %rem3A_486 = arith.constant 2 : i32
      %rem3A_487 = arith.remsi %add3A_424, %rem3A_486 : i32
      %mul3A_488 = arith.constant 100000 : i32
      %mul3A_489 = arith.muli %select_n3A_485, %mul3A_488 : i32
      %mul3A_490 = arith.constant 50000 : i32
      %mul3A_491 = arith.muli %rem3A_487, %mul3A_490 : i32
      %add3A_492 = arith.addi %mul3A_489, %mul3A_491 : i32
      %jit3A_493 = arith.constant 128 : i32
      %div3A_494 = arith.divsi %add3A_492, %jit3A_493 : i32
      %sign3A_495 = arith.constant 0 : i32
      %sign3A_496 = arith.cmpi sgt, %add3A_492, %sign3A_495 : i32
      %sign3A_497 = arith.extui %sign3A_496 : i1 to i32
      %sign3A_498 = arith.constant 0 : i32
      %sign3A_499 = arith.cmpi slt, %add3A_492, %sign3A_498 : i32
      %sign3A_500 = arith.extui %sign3A_499 : i1 to i32
      %sign3A_501 = arith.subi %sign3A_497, %sign3A_500 : i32
      %sign3A_502 = arith.constant 0 : i32
      %sign3A_503 = arith.cmpi sgt, %jit3A_493, %sign3A_502 : i32
      %sign3A_504 = arith.extui %sign3A_503 : i1 to i32
      %sign3A_505 = arith.constant 0 : i32
      %sign3A_506 = arith.cmpi slt, %jit3A_493, %sign3A_505 : i32
      %sign3A_507 = arith.extui %sign3A_506 : i1 to i32
      %sign3A_508 = arith.subi %sign3A_504, %sign3A_507 : i32
      %ne3A_509 = arith.cmpi ne, %sign3A_501, %sign3A_508 : i32
      %rem3A_510 = arith.remsi %add3A_492, %jit3A_493 : i32
      %ne3A_511 = arith.constant 0 : i32
      %ne3A_512 = arith.cmpi ne, %rem3A_510, %ne3A_511 : i32
      %and3A_513 = arith.andi %ne3A_509, %ne3A_512 : i1
      %sub3A_514 = arith.constant 1 : i32
      %sub3A_515 = arith.subi %div3A_494, %sub3A_514 : i32
      %select_n3A_516 = arith.select %and3A_513, %sub3A_515, %div3A_494 : i32
      %mul3A_517 = arith.constant 128 : i32
      %mul3A_518 = arith.muli %select_n3A_516, %mul3A_517 : i32
      %min3A_519 = arith.constant 2548864 : i32
      %min3A_520 = arith.minsi %mul3A_518, %min3A_519 : i32
      %sub3A_521 = arith.subi %mul3A_461, %min3A_520 : i32
      %parallel_loop3A_522 = arith.constant 0 : i32
      %parallel_loop3A_523 = arith.constant 8192 : i32
      %parallel_loop3A_524 = arith.constant 16 : i32
      scf.for %parallel_loop3A_533 = %parallel_loop3A_522 to %parallel_loop3A_523 step %parallel_loop3A_524  : i32 {
        %parallel_loop3A_534 = arith.index_cast %parallel_loop3A_533 : i32 to index
        %parallel_loop3A_535 = tpu.vector_load %arg10[%parallel_loop3A_534] {strides = array<i32>} : memref<8192xi32, #tpu.memory_space<vmem>>, vector<16xi32>,
        %parallel_loop3A_536 = vector.broadcast %mul3A_452 : i32 to vector<16xi32>
        %parallel_loop3A_537 = arith.subi %parallel_loop3A_535, %parallel_loop3A_536 : vector<16xi32>
        %parallel_loop3A_538 = arith.constant 0 : i32
        %parallel_loop3A_539 = vector.broadcast %parallel_loop3A_538 : i32 to vector<16xi32>
        %parallel_loop3A_540 = arith.cmpi sge, %parallel_loop3A_537, %parallel_loop3A_539 : vector<16xi32>
        %parallel_loop3A_541 = arith.constant 50000 : i32
        %parallel_loop3A_542 = vector.broadcast %parallel_loop3A_541 : i32 to vector<16xi32>
        %parallel_loop3A_543 = arith.cmpi slt, %parallel_loop3A_537, %parallel_loop3A_542 : vector<16xi32>
        %parallel_loop3A_544 = arith.andi %parallel_loop3A_540, %parallel_loop3A_543 : vector<16xi1>
        %parallel_loop3A_545 = vector.broadcast %sub3A_521 : i32 to vector<16xi32>
        %parallel_loop3A_546 = arith.addi %parallel_loop3A_535, %parallel_loop3A_545 : vector<16xi32>
        %parallel_loop3A_547 = arith.constant 0 : i32
        %parallel_loop3A_548 = vector.broadcast %parallel_loop3A_547 : i32 to vector<16xi32>
        %parallel_loop3A_549 = arith.select %parallel_loop3A_544, %parallel_loop3A_546, %parallel_loop3A_548 : vector<16xi1>, vector<16xi32>
        %parallel_loop3A_550 = tpu.vector_load_idx %arg9[%parallel_loop3A_549] : memref<51200xf32, #tpu.memory_space<vmem>>[vector<16xi32>], vector<16xf32>,
        %parallel_loop3A_551 = arith.constant 0.000000e+00 : f32
        %parallel_loop3A_552 = vector.broadcast %parallel_loop3A_551 : f32 to vector<16xf32>
        %parallel_loop3A_553 = arith.select %parallel_loop3A_544, %parallel_loop3A_550, %parallel_loop3A_552 : vector<16xi1>, vector<16xf32>
        %parallel_loop3A_554 = arith.index_cast %parallel_loop3A_533 : i32 to index
        %parallel_loop3A_555 = tpu.vector_load %arg11[%parallel_loop3A_554] {strides = array<i32>} : memref<8192xf32, #tpu.memory_space<vmem>>, vector<16xf32>,
        %parallel_loop3A_556 = arith.addf %parallel_loop3A_555, %parallel_loop3A_553 : vector<16xf32>
        %parallel_loop3A_557 = arith.index_cast %parallel_loop3A_533 : i32 to index
        %parallel_loop3A_558 = tpu.vector_load %arg11[%parallel_loop3A_557] {strides = array<i32>} : memref<8192xf32, #tpu.memory_space<vmem>>, vector<16xf32>,
        tpu.vector_store %arg11[%parallel_loop3A_557], %parallel_loop3A_556 {strides = array<i32>} : memref<8192xf32, #tpu.memory_space<vmem>>, vector<16xf32>,
        %parallel_loop3A_559 = arith.index_cast %parallel_loop3A_533 : i32 to index
        %parallel_loop3A_560 = tpu.vector_load %arg12[%parallel_loop3A_559] {strides = array<i32>} : memref<8192xf32, #tpu.memory_space<vmem>>, vector<16xf32>,
        %parallel_loop3A_561 = arith.mulf %parallel_loop3A_553, %parallel_loop3A_553 : vector<16xf32>
        %parallel_loop3A_562 = vector.broadcast %scan3A_110 : f32 to vector<16xf32>
        %parallel_loop3A_563 = arith.mulf %parallel_loop3A_562, %parallel_loop3A_561 : vector<16xf32>
        %parallel_loop3A_564 = arith.subf %parallel_loop3A_560, %parallel_loop3A_563 : vector<16xf32>
        %parallel_loop3A_565 = arith.index_cast %parallel_loop3A_533 : i32 to index
        %parallel_loop3A_566 = tpu.vector_load %arg12[%parallel_loop3A_565] {strides = array<i32>} : memref<8192xf32, #tpu.memory_space<vmem>>, vector<16xf32>,
        tpu.vector_store %arg12[%parallel_loop3A_565], %parallel_loop3A_564 {strides = array<i32>} : memref<8192xf32, #tpu.memory_space<vmem>>, vector<16xf32>,
      } {sc.loop_unroll_factor = 8 : i64, sc.parallel_access}
      %add3A_525 = arith.constant 1 : i32
      %add3A_526 = arith.addi %add3A_424, %add3A_525 : i32
      %lt3A_527 = arith.constant 52 : i32
      %lt3A_528 = arith.cmpi slt, %add3A_526, %lt3A_527 : i32
      %convert_element_type3A_529 = arith.extui %lt3A_528 : i1 to i32
      %cond3A_530 = arith.constant 0 : i32
      %cond3A_531 = arith.cmpi ne, %convert_element_type3A_529, %cond3A_530 : i32
      scf.if %cond3A_531 {
        %add3A_533 = arith.constant 1 : i32
        %add3A_534 = arith.addi %add3A_424, %add3A_533 : i32
        %jit3A_535 = arith.constant 2 : i32
        %div3A_536 = arith.divsi %add3A_534, %jit3A_535 : i32
        %sign3A_537 = arith.constant 0 : i32
        %sign3A_538 = arith.cmpi sgt, %add3A_534, %sign3A_537 : i32
        %sign3A_539 = arith.extui %sign3A_538 : i1 to i32
        %sign3A_540 = arith.constant 0 : i32
        %sign3A_541 = arith.cmpi slt, %add3A_534, %sign3A_540 : i32
        %sign3A_542 = arith.extui %sign3A_541 : i1 to i32
        %sign3A_543 = arith.subi %sign3A_539, %sign3A_542 : i32
        %sign3A_544 = arith.constant 0 : i32
        %sign3A_545 = arith.cmpi sgt, %jit3A_535, %sign3A_544 : i32
        %sign3A_546 = arith.extui %sign3A_545 : i1 to i32
        %sign3A_547 = arith.constant 0 : i32
        %sign3A_548 = arith.cmpi slt, %jit3A_535, %sign3A_547 : i32
        %sign3A_549 = arith.extui %sign3A_548 : i1 to i32
        %sign3A_550 = arith.subi %sign3A_546, %sign3A_549 : i32
        %ne3A_551 = arith.cmpi ne, %sign3A_543, %sign3A_550 : i32
        %rem3A_552 = arith.remsi %add3A_534, %jit3A_535 : i32
        %ne3A_553 = arith.constant 0 : i32
        %ne3A_554 = arith.cmpi ne, %rem3A_552, %ne3A_553 : i32
        %and3A_555 = arith.andi %ne3A_551, %ne3A_554 : i1
        %sub3A_556 = arith.constant 1 : i32
        %sub3A_557 = arith.subi %div3A_536, %sub3A_556 : i32
        %select_n3A_558 = arith.select %and3A_555, %sub3A_557, %div3A_536 : i32
        %rem3A_559 = arith.constant 2 : i32
        %rem3A_560 = arith.remsi %add3A_534, %rem3A_559 : i32
        %mul3A_561 = arith.constant 100000 : i32
        %mul3A_562 = arith.muli %select_n3A_558, %mul3A_561 : i32
        %mul3A_563 = arith.constant 50000 : i32
        %mul3A_564 = arith.muli %rem3A_560, %mul3A_563 : i32
        %add3A_565 = arith.addi %mul3A_562, %mul3A_564 : i32
        %jit3A_566 = arith.constant 128 : i32
        %div3A_567 = arith.divsi %add3A_565, %jit3A_566 : i32
        %sign3A_568 = arith.constant 0 : i32
        %sign3A_569 = arith.cmpi sgt, %add3A_565, %sign3A_568 : i32
        %sign3A_570 = arith.extui %sign3A_569 : i1 to i32
        %sign3A_571 = arith.constant 0 : i32
        %sign3A_572 = arith.cmpi slt, %add3A_565, %sign3A_571 : i32
        %sign3A_573 = arith.extui %sign3A_572 : i1 to i32
        %sign3A_574 = arith.subi %sign3A_570, %sign3A_573 : i32
        %sign3A_575 = arith.constant 0 : i32
        %sign3A_576 = arith.cmpi sgt, %jit3A_566, %sign3A_575 : i32
        %sign3A_577 = arith.extui %sign3A_576 : i1 to i32
        %sign3A_578 = arith.constant 0 : i32
        %sign3A_579 = arith.cmpi slt, %jit3A_566, %sign3A_578 : i32
        %sign3A_580 = arith.extui %sign3A_579 : i1 to i32
        %sign3A_581 = arith.subi %sign3A_577, %sign3A_580 : i32
        %ne3A_582 = arith.cmpi ne, %sign3A_574, %sign3A_581 : i32
        %rem3A_583 = arith.remsi %add3A_565, %jit3A_566 : i32
        %ne3A_584 = arith.constant 0 : i32
        %ne3A_585 = arith.cmpi ne, %rem3A_583, %ne3A_584 : i32
        %and3A_586 = arith.andi %ne3A_582, %ne3A_585 : i1
        %sub3A_587 = arith.constant 1 : i32
        %sub3A_588 = arith.subi %div3A_567, %sub3A_587 : i32
        %select_n3A_589 = arith.select %and3A_586, %sub3A_588, %div3A_567 : i32
        %mul3A_590 = arith.constant 128 : i32
        %mul3A_591 = arith.muli %select_n3A_589, %mul3A_590 : i32
        %min3A_592 = arith.constant 2548864 : i32
        %min3A_593 = arith.minsi %mul3A_591, %min3A_592 : i32
        %multiple_of3A_594 = tpu.assume_multiple %min3A_593, 128 : i32
        %mul3A_595 = arith.constant 3200 : i32
        %mul3A_596 = arith.muli %arg1, %mul3A_595 : i32
        %add3A_597 = arith.addi %multiple_of3A_594, %mul3A_596 : i32
        %mul3A_598 = arith.constant 3200 : i32
        %mul3A_599 = arith.muli %arg1, %mul3A_598 : i32
        %dma_wait3A_600 = arith.constant 0 : i32
        %dma_wait3A_601 = tpu.memref_slice %arg7[%dma_wait3A_600, %mul3A_599] : memref<8x51200xf32, #tpu.memory_space<vmem_shared>> -> memref<8x3200xf32, #tpu.memory_space<vmem_shared>>
        %dma_wait3A_602 = tpu.memref_slice %arg5[%multiple_of3A, %add3A_597] : memref<16x2600000xf32, #tpu.memory_space<hbm>> -> memref<8x3200xf32, #tpu.memory_space<hbm>>
        tpu.wait_dma2 semaphore(%arg17 : memref<!tpu.dma_semaphore, #tpu.memory_space<semaphore_mem>>) src(%dma_wait3A_602 : memref<8x3200xf32, #tpu.memory_space<hbm>>) dst(%dma_wait3A_601 : memref<8x3200xf32, #tpu.memory_space<vmem_shared>>)
      } else {
      }
      %barrier3A_532 = arith.constant 0 : index
      tpu.barrier barrier_id(%barrier3A_532)
    }
    %scan3A_115 = arith.constant 26 : i32
    %mul3A_116 = arith.constant 8 : i32
    %mul3A_117 = arith.muli %arg0, %mul3A_116 : i32
    %add3A_118 = arith.addi %mul3A_117, %rem3A_1 : i32
    %add3A_119 = arith.constant 0 : i32
    %add3A_120 = arith.addi %add3A_118, %add3A_119 : i32
    %lt3A = arith.constant 52 : i32
    %lt3A_121 = arith.cmpi slt, %add3A_120, %lt3A : i32
    %convert_element_type3A = arith.extui %lt3A_121 : i1 to i32
    %cond3A = arith.constant 0 : i32
    %cond3A_122 = arith.cmpi ne, %convert_element_type3A, %cond3A : i32
    scf.if %cond3A_122 {
      %jit3A_307 = arith.constant 2 : i32
      %div3A_308 = arith.divsi %add3A_120, %jit3A_307 : i32
      %sign3A_309 = arith.constant 0 : i32
      %sign3A_310 = arith.cmpi sgt, %add3A_120, %sign3A_309 : i32
      %sign3A_311 = arith.extui %sign3A_310 : i1 to i32
      %sign3A_312 = arith.constant 0 : i32
      %sign3A_313 = arith.cmpi slt, %add3A_120, %sign3A_312 : i32
      %sign3A_314 = arith.extui %sign3A_313 : i1 to i32
      %sign3A_315 = arith.subi %sign3A_311, %sign3A_314 : i32
      %sign3A_316 = arith.constant 0 : i32
      %sign3A_317 = arith.cmpi sgt, %jit3A_307, %sign3A_316 : i32
      %sign3A_318 = arith.extui %sign3A_317 : i1 to i32
      %sign3A_319 = arith.constant 0 : i32
      %sign3A_320 = arith.cmpi slt, %jit3A_307, %sign3A_319 : i32
      %sign3A_321 = arith.extui %sign3A_320 : i1 to i32
      %sign3A_322 = arith.subi %sign3A_318, %sign3A_321 : i32
      %ne3A_323 = arith.cmpi ne, %sign3A_315, %sign3A_322 : i32
      %rem3A_324 = arith.remsi %add3A_120, %jit3A_307 : i32
      %ne3A_325 = arith.constant 0 : i32
      %ne3A_326 = arith.cmpi ne, %rem3A_324, %ne3A_325 : i32
      %and3A_327 = arith.andi %ne3A_323, %ne3A_326 : i1
      %sub3A_328 = arith.constant 1 : i32
      %sub3A_329 = arith.subi %div3A_308, %sub3A_328 : i32
      %select_n3A_330 = arith.select %and3A_327, %sub3A_329, %div3A_308 : i32
      %rem3A_331 = arith.constant 2 : i32
      %rem3A_332 = arith.remsi %add3A_120, %rem3A_331 : i32
      %mul3A_333 = arith.constant 50000 : i32
      %mul3A_334 = arith.muli %rem3A_332, %mul3A_333 : i32
      %mul3A_335 = arith.constant 100000 : i32
      %mul3A_336 = arith.muli %select_n3A_330, %mul3A_335 : i32
      %add3A_337 = arith.addi %mul3A_336, %mul3A_334 : i32
      %min3A_338 = arith.constant 2548800 : i32
      %min3A_339 = arith.minsi %add3A_337, %min3A_338 : i32
      %mul3A_340 = arith.constant 100000 : i32
      %mul3A_341 = arith.muli %select_n3A_330, %mul3A_340 : i32
      %sub3A_342 = arith.subi %mul3A_341, %min3A_339 : i32
      %mul3A_343 = arith.constant 16384 : i32
      %mul3A_344 = arith.muli %select_n3A_330, %mul3A_343 : i32
      %add3A_345 = arith.addi %mul3A_344, %mul3A_20 : i32
      "tpu.region"() ({
        %run_scoped3A = tpu.sem_alloc : memref<!tpu.dma_semaphore, #tpu.memory_space<semaphore_mem>>
        %dma_start3A_349 = tpu.memref_slice %arg2[%add3A_345] : memref<425984xi32, #tpu.memory_space<hbm>> -> memref<8192xi32, #tpu.memory_space<hbm>>
        %dma_start3A_350 = tpu.memref_slice %arg2[%add3A_345] : memref<425984xi32, #tpu.memory_space<hbm>> -> memref<8192xi32, #tpu.memory_space<hbm>>
        tpu.enqueue_dma source(%dma_start3A_350 : memref<8192xi32, #tpu.memory_space<hbm>>) target(%arg10 : memref<8192xi32, #tpu.memory_space<vmem>>) target_semaphore(%run_scoped3A : memref<!tpu.dma_semaphore, #tpu.memory_space<semaphore_mem>>)
        %dma_wait3A_351 = tpu.memref_slice %arg2[%add3A_345] : memref<425984xi32, #tpu.memory_space<hbm>> -> memref<8192xi32, #tpu.memory_space<hbm>>
        %dma_wait3A_352 = tpu.memref_slice %arg2[%add3A_345] : memref<425984xi32, #tpu.memory_space<hbm>> -> memref<8192xi32, #tpu.memory_space<hbm>>
        tpu.wait_dma2 semaphore(%run_scoped3A : memref<!tpu.dma_semaphore, #tpu.memory_space<semaphore_mem>>) src(%dma_wait3A_352 : memref<8192xi32, #tpu.memory_space<hbm>>) dst(%arg10 : memref<8192xi32, #tpu.memory_space<vmem>>)
        tpu.yield
      }) : () -> ()
      "tpu.region"() ({
        %run_scoped3A = tpu.sem_alloc : memref<!tpu.dma_semaphore, #tpu.memory_space<semaphore_mem>>
        %dma_start3A_349 = tpu.memref_slice %arg4[%min3A_339] : memref<2600000xf32, #tpu.memory_space<hbm>> -> memref<51200xf32, #tpu.memory_space<hbm>>
        %dma_start3A_350 = tpu.memref_slice %arg4[%min3A_339] : memref<2600000xf32, #tpu.memory_space<hbm>> -> memref<51200xf32, #tpu.memory_space<hbm>>
        tpu.enqueue_dma source(%dma_start3A_350 : memref<51200xf32, #tpu.memory_space<hbm>>) target(%arg9 : memref<51200xf32, #tpu.memory_space<vmem>>) target_semaphore(%run_scoped3A : memref<!tpu.dma_semaphore, #tpu.memory_space<semaphore_mem>>)
        %dma_wait3A_351 = tpu.memref_slice %arg4[%min3A_339] : memref<2600000xf32, #tpu.memory_space<hbm>> -> memref<51200xf32, #tpu.memory_space<hbm>>
        %dma_wait3A_352 = tpu.memref_slice %arg4[%min3A_339] : memref<2600000xf32, #tpu.memory_space<hbm>> -> memref<51200xf32, #tpu.memory_space<hbm>>
        tpu.wait_dma2 semaphore(%run_scoped3A : memref<!tpu.dma_semaphore, #tpu.memory_space<semaphore_mem>>) src(%dma_wait3A_352 : memref<51200xf32, #tpu.memory_space<hbm>>) dst(%arg9 : memref<51200xf32, #tpu.memory_space<vmem>>)
        tpu.yield
      }) : () -> ()
      %parallel_loop3A_346 = arith.constant 0 : i32
      %parallel_loop3A_347 = arith.constant 8192 : i32
      %parallel_loop3A_348 = arith.constant 16 : i32
      scf.for %parallel_loop3A_349 = %parallel_loop3A_346 to %parallel_loop3A_347 step %parallel_loop3A_348  : i32 {
        %parallel_loop3A_350 = arith.index_cast %parallel_loop3A_349 : i32 to index
        %parallel_loop3A_351 = tpu.vector_load %arg10[%parallel_loop3A_350] {strides = array<i32>} : memref<8192xi32, #tpu.memory_space<vmem>>, vector<16xi32>,
        %parallel_loop3A_352 = vector.broadcast %mul3A_334 : i32 to vector<16xi32>
        %parallel_loop3A_353 = arith.subi %parallel_loop3A_351, %parallel_loop3A_352 : vector<16xi32>
        %parallel_loop3A_354 = arith.constant 0 : i32
        %parallel_loop3A_355 = vector.broadcast %parallel_loop3A_354 : i32 to vector<16xi32>
        %parallel_loop3A_356 = arith.cmpi sge, %parallel_loop3A_353, %parallel_loop3A_355 : vector<16xi32>
        %parallel_loop3A_357 = arith.constant 50000 : i32
        %parallel_loop3A_358 = vector.broadcast %parallel_loop3A_357 : i32 to vector<16xi32>
        %parallel_loop3A_359 = arith.cmpi slt, %parallel_loop3A_353, %parallel_loop3A_358 : vector<16xi32>
        %parallel_loop3A_360 = arith.andi %parallel_loop3A_356, %parallel_loop3A_359 : vector<16xi1>
        %parallel_loop3A_361 = vector.broadcast %sub3A_342 : i32 to vector<16xi32>
        %parallel_loop3A_362 = arith.addi %parallel_loop3A_351, %parallel_loop3A_361 : vector<16xi32>
        %parallel_loop3A_363 = arith.constant 0 : i32
        %parallel_loop3A_364 = vector.broadcast %parallel_loop3A_363 : i32 to vector<16xi32>
        %parallel_loop3A_365 = arith.select %parallel_loop3A_360, %parallel_loop3A_362, %parallel_loop3A_364 : vector<16xi1>, vector<16xi32>
        %parallel_loop3A_366 = tpu.vector_load_idx %arg9[%parallel_loop3A_365] : memref<51200xf32, #tpu.memory_space<vmem>>[vector<16xi32>], vector<16xf32>,
        %parallel_loop3A_367 = arith.constant 0.000000e+00 : f32
        %parallel_loop3A_368 = vector.broadcast %parallel_loop3A_367 : f32 to vector<16xf32>
        %parallel_loop3A_369 = arith.select %parallel_loop3A_360, %parallel_loop3A_366, %parallel_loop3A_368 : vector<16xi1>, vector<16xf32>
        %parallel_loop3A_370 = arith.index_cast %parallel_loop3A_349 : i32 to index
        %parallel_loop3A_371 = tpu.vector_load %arg12[%parallel_loop3A_370] {strides = array<i32>} : memref<8192xf32, #tpu.memory_space<vmem>>, vector<16xf32>,
        %parallel_loop3A_372 = arith.addf %parallel_loop3A_371, %parallel_loop3A_369 : vector<16xf32>
        %parallel_loop3A_373 = arith.index_cast %parallel_loop3A_349 : i32 to index
        %parallel_loop3A_374 = tpu.vector_load %arg12[%parallel_loop3A_373] {strides = array<i32>} : memref<8192xf32, #tpu.memory_space<vmem>>, vector<16xf32>,
        tpu.vector_store %arg12[%parallel_loop3A_373], %parallel_loop3A_372 {strides = array<i32>} : memref<8192xf32, #tpu.memory_space<vmem>>, vector<16xf32>,
      } {sc.loop_unroll_factor = 4 : i64, sc.parallel_access}
    } else {
    }
    %mul3A_123 = arith.constant 8 : i32
    %mul3A_124 = arith.muli %arg0, %mul3A_123 : i32
    %add3A_125 = arith.addi %mul3A_124, %rem3A_1 : i32
    %add3A_126 = arith.constant 16 : i32
    %add3A_127 = arith.addi %add3A_125, %add3A_126 : i32
    %lt3A_128 = arith.constant 52 : i32
    %lt3A_129 = arith.cmpi slt, %add3A_127, %lt3A_128 : i32
    %convert_element_type3A_130 = arith.extui %lt3A_129 : i1 to i32
    %cond3A_131 = arith.constant 0 : i32
    %cond3A_132 = arith.cmpi ne, %convert_element_type3A_130, %cond3A_131 : i32
    scf.if %cond3A_132 {
      %jit3A_307 = arith.constant 2 : i32
      %div3A_308 = arith.divsi %add3A_127, %jit3A_307 : i32
      %sign3A_309 = arith.constant 0 : i32
      %sign3A_310 = arith.cmpi sgt, %add3A_127, %sign3A_309 : i32
      %sign3A_311 = arith.extui %sign3A_310 : i1 to i32
      %sign3A_312 = arith.constant 0 : i32
      %sign3A_313 = arith.cmpi slt, %add3A_127, %sign3A_312 : i32
      %sign3A_314 = arith.extui %sign3A_313 : i1 to i32
      %sign3A_315 = arith.subi %sign3A_311, %sign3A_314 : i32
      %sign3A_316 = arith.constant 0 : i32
      %sign3A_317 = arith.cmpi sgt, %jit3A_307, %sign3A_316 : i32
      %sign3A_318 = arith.extui %sign3A_317 : i1 to i32
      %sign3A_319 = arith.constant 0 : i32
      %sign3A_320 = arith.cmpi slt, %jit3A_307, %sign3A_319 : i32
      %sign3A_321 = arith.extui %sign3A_320 : i1 to i32
      %sign3A_322 = arith.subi %sign3A_318, %sign3A_321 : i32
      %ne3A_323 = arith.cmpi ne, %sign3A_315, %sign3A_322 : i32
      %rem3A_324 = arith.remsi %add3A_127, %jit3A_307 : i32
      %ne3A_325 = arith.constant 0 : i32
      %ne3A_326 = arith.cmpi ne, %rem3A_324, %ne3A_325 : i32
      %and3A_327 = arith.andi %ne3A_323, %ne3A_326 : i1
      %sub3A_328 = arith.constant 1 : i32
      %sub3A_329 = arith.subi %div3A_308, %sub3A_328 : i32
      %select_n3A_330 = arith.select %and3A_327, %sub3A_329, %div3A_308 : i32
      %rem3A_331 = arith.constant 2 : i32
      %rem3A_332 = arith.remsi %add3A_127, %rem3A_331 : i32
      %mul3A_333 = arith.constant 50000 : i32
      %mul3A_334 = arith.muli %rem3A_332, %mul3A_333 : i32
      %mul3A_335 = arith.constant 100000 : i32
      %mul3A_336 = arith.muli %select_n3A_330, %mul3A_335 : i32
      %add3A_337 = arith.addi %mul3A_336, %mul3A_334 : i32
      %min3A_338 = arith.constant 2548800 : i32
      %min3A_339 = arith.minsi %add3A_337, %min3A_338 : i32
      %mul3A_340 = arith.constant 100000 : i32
      %mul3A_341 = arith.muli %select_n3A_330, %mul3A_340 : i32
      %sub3A_342 = arith.subi %mul3A_341, %min3A_339 : i32
      %mul3A_343 = arith.constant 16384 : i32
      %mul3A_344 = arith.muli %select_n3A_330, %mul3A_343 : i32
      %add3A_345 = arith.addi %mul3A_344, %mul3A_20 : i32
      "tpu.region"() ({
        %run_scoped3A = tpu.sem_alloc : memref<!tpu.dma_semaphore, #tpu.memory_space<semaphore_mem>>
        %dma_start3A_349 = tpu.memref_slice %arg2[%add3A_345] : memref<425984xi32, #tpu.memory_space<hbm>> -> memref<8192xi32, #tpu.memory_space<hbm>>
        %dma_start3A_350 = tpu.memref_slice %arg2[%add3A_345] : memref<425984xi32, #tpu.memory_space<hbm>> -> memref<8192xi32, #tpu.memory_space<hbm>>
        tpu.enqueue_dma source(%dma_start3A_350 : memref<8192xi32, #tpu.memory_space<hbm>>) target(%arg10 : memref<8192xi32, #tpu.memory_space<vmem>>) target_semaphore(%run_scoped3A : memref<!tpu.dma_semaphore, #tpu.memory_space<semaphore_mem>>)
        %dma_wait3A_351 = tpu.memref_slice %arg2[%add3A_345] : memref<425984xi32, #tpu.memory_space<hbm>> -> memref<8192xi32, #tpu.memory_space<hbm>>
        %dma_wait3A_352 = tpu.memref_slice %arg2[%add3A_345] : memref<425984xi32, #tpu.memory_space<hbm>> -> memref<8192xi32, #tpu.memory_space<hbm>>
        tpu.wait_dma2 semaphore(%run_scoped3A : memref<!tpu.dma_semaphore, #tpu.memory_space<semaphore_mem>>) src(%dma_wait3A_352 : memref<8192xi32, #tpu.memory_space<hbm>>) dst(%arg10 : memref<8192xi32, #tpu.memory_space<vmem>>)
        tpu.yield
      }) : () -> ()
      "tpu.region"() ({
        %run_scoped3A = tpu.sem_alloc : memref<!tpu.dma_semaphore, #tpu.memory_space<semaphore_mem>>
        %dma_start3A_349 = tpu.memref_slice %arg4[%min3A_339] : memref<2600000xf32, #tpu.memory_space<hbm>> -> memref<51200xf32, #tpu.memory_space<hbm>>
        %dma_start3A_350 = tpu.memref_slice %arg4[%min3A_339] : memref<2600000xf32, #tpu.memory_space<hbm>> -> memref<51200xf32, #tpu.memory_space<hbm>>
        tpu.enqueue_dma source(%dma_start3A_350 : memref<51200xf32, #tpu.memory_space<hbm>>) target(%arg9 : memref<51200xf32, #tpu.memory_space<vmem>>) target_semaphore(%run_scoped3A : memref<!tpu.dma_semaphore, #tpu.memory_space<semaphore_mem>>)
        %dma_wait3A_351 = tpu.memref_slice %arg4[%min3A_339] : memref<2600000xf32, #tpu.memory_space<hbm>> -> memref<51200xf32, #tpu.memory_space<hbm>>
        %dma_wait3A_352 = tpu.memref_slice %arg4[%min3A_339] : memref<2600000xf32, #tpu.memory_space<hbm>> -> memref<51200xf32, #tpu.memory_space<hbm>>
        tpu.wait_dma2 semaphore(%run_scoped3A : memref<!tpu.dma_semaphore, #tpu.memory_space<semaphore_mem>>) src(%dma_wait3A_352 : memref<51200xf32, #tpu.memory_space<hbm>>) dst(%arg9 : memref<51200xf32, #tpu.memory_space<vmem>>)
        tpu.yield
      }) : () -> ()
      %parallel_loop3A_346 = arith.constant 0 : i32
      %parallel_loop3A_347 = arith.constant 8192 : i32
      %parallel_loop3A_348 = arith.constant 16 : i32
      scf.for %parallel_loop3A_349 = %parallel_loop3A_346 to %parallel_loop3A_347 step %parallel_loop3A_348  : i32 {
        %parallel_loop3A_350 = arith.index_cast %parallel_loop3A_349 : i32 to index
        %parallel_loop3A_351 = tpu.vector_load %arg10[%parallel_loop3A_350] {strides = array<i32>} : memref<8192xi32, #tpu.memory_space<vmem>>, vector<16xi32>,
        %parallel_loop3A_352 = vector.broadcast %mul3A_334 : i32 to vector<16xi32>
        %parallel_loop3A_353 = arith.subi %parallel_loop3A_351, %parallel_loop3A_352 : vector<16xi32>
        %parallel_loop3A_354 = arith.constant 0 : i32
        %parallel_loop3A_355 = vector.broadcast %parallel_loop3A_354 : i32 to vector<16xi32>
        %parallel_loop3A_356 = arith.cmpi sge, %parallel_loop3A_353, %parallel_loop3A_355 : vector<16xi32>
        %parallel_loop3A_357 = arith.constant 50000 : i32
        %parallel_loop3A_358 = vector.broadcast %parallel_loop3A_357 : i32 to vector<16xi32>
        %parallel_loop3A_359 = arith.cmpi slt, %parallel_loop3A_353, %parallel_loop3A_358 : vector<16xi32>
        %parallel_loop3A_360 = arith.andi %parallel_loop3A_356, %parallel_loop3A_359 : vector<16xi1>
        %parallel_loop3A_361 = vector.broadcast %sub3A_342 : i32 to vector<16xi32>
        %parallel_loop3A_362 = arith.addi %parallel_loop3A_351, %parallel_loop3A_361 : vector<16xi32>
        %parallel_loop3A_363 = arith.constant 0 : i32
        %parallel_loop3A_364 = vector.broadcast %parallel_loop3A_363 : i32 to vector<16xi32>
        %parallel_loop3A_365 = arith.select %parallel_loop3A_360, %parallel_loop3A_362, %parallel_loop3A_364 : vector<16xi1>, vector<16xi32>
        %parallel_loop3A_366 = tpu.vector_load_idx %arg9[%parallel_loop3A_365] : memref<51200xf32, #tpu.memory_space<vmem>>[vector<16xi32>], vector<16xf32>,
        %parallel_loop3A_367 = arith.constant 0.000000e+00 : f32
        %parallel_loop3A_368 = vector.broadcast %parallel_loop3A_367 : f32 to vector<16xf32>
        %parallel_loop3A_369 = arith.select %parallel_loop3A_360, %parallel_loop3A_366, %parallel_loop3A_368 : vector<16xi1>, vector<16xf32>
        %parallel_loop3A_370 = arith.index_cast %parallel_loop3A_349 : i32 to index
        %parallel_loop3A_371 = tpu.vector_load %arg12[%parallel_loop3A_370] {strides = array<i32>} : memref<8192xf32, #tpu.memory_space<vmem>>, vector<16xf32>,
        %parallel_loop3A_372 = arith.addf %parallel_loop3A_371, %parallel_loop3A_369 : vector<16xf32>
        %parallel_loop3A_373 = arith.index_cast %parallel_loop3A_349 : i32 to index
        %parallel_loop3A_374 = tpu.vector_load %arg12[%parallel_loop3A_373] {strides = array<i32>} : memref<8192xf32, #tpu.memory_space<vmem>>, vector<16xf32>,
        tpu.vector_store %arg12[%parallel_loop3A_373], %parallel_loop3A_372 {strides = array<i32>} : memref<8192xf32, #tpu.memory_space<vmem>>, vector<16xf32>,
      } {sc.loop_unroll_factor = 4 : i64, sc.parallel_access}
    } else {
    }
    %mul3A_133 = arith.constant 8 : i32
    %mul3A_134 = arith.muli %arg0, %mul3A_133 : i32
    %add3A_135 = arith.addi %mul3A_134, %rem3A_1 : i32
    %add3A_136 = arith.constant 32 : i32
    %add3A_137 = arith.addi %add3A_135, %add3A_136 : i32
    %lt3A_138 = arith.constant 52 : i32
    %lt3A_139 = arith.cmpi slt, %add3A_137, %lt3A_138 : i32
    %convert_element_type3A_140 = arith.extui %lt3A_139 : i1 to i32
    %cond3A_141 = arith.constant 0 : i32
    %cond3A_142 = arith.cmpi ne, %convert_element_type3A_140, %cond3A_141 : i32
    scf.if %cond3A_142 {
      %jit3A_307 = arith.constant 2 : i32
      %div3A_308 = arith.divsi %add3A_137, %jit3A_307 : i32
      %sign3A_309 = arith.constant 0 : i32
      %sign3A_310 = arith.cmpi sgt, %add3A_137, %sign3A_309 : i32
      %sign3A_311 = arith.extui %sign3A_310 : i1 to i32
      %sign3A_312 = arith.constant 0 : i32
      %sign3A_313 = arith.cmpi slt, %add3A_137, %sign3A_312 : i32
      %sign3A_314 = arith.extui %sign3A_313 : i1 to i32
      %sign3A_315 = arith.subi %sign3A_311, %sign3A_314 : i32
      %sign3A_316 = arith.constant 0 : i32
      %sign3A_317 = arith.cmpi sgt, %jit3A_307, %sign3A_316 : i32
      %sign3A_318 = arith.extui %sign3A_317 : i1 to i32
      %sign3A_319 = arith.constant 0 : i32
      %sign3A_320 = arith.cmpi slt, %jit3A_307, %sign3A_319 : i32
      %sign3A_321 = arith.extui %sign3A_320 : i1 to i32
      %sign3A_322 = arith.subi %sign3A_318, %sign3A_321 : i32
      %ne3A_323 = arith.cmpi ne, %sign3A_315, %sign3A_322 : i32
      %rem3A_324 = arith.remsi %add3A_137, %jit3A_307 : i32
      %ne3A_325 = arith.constant 0 : i32
      %ne3A_326 = arith.cmpi ne, %rem3A_324, %ne3A_325 : i32
      %and3A_327 = arith.andi %ne3A_323, %ne3A_326 : i1
      %sub3A_328 = arith.constant 1 : i32
      %sub3A_329 = arith.subi %div3A_308, %sub3A_328 : i32
      %select_n3A_330 = arith.select %and3A_327, %sub3A_329, %div3A_308 : i32
      %rem3A_331 = arith.constant 2 : i32
      %rem3A_332 = arith.remsi %add3A_137, %rem3A_331 : i32
      %mul3A_333 = arith.constant 50000 : i32
      %mul3A_334 = arith.muli %rem3A_332, %mul3A_333 : i32
      %mul3A_335 = arith.constant 100000 : i32
      %mul3A_336 = arith.muli %select_n3A_330, %mul3A_335 : i32
      %add3A_337 = arith.addi %mul3A_336, %mul3A_334 : i32
      %min3A_338 = arith.constant 2548800 : i32
      %min3A_339 = arith.minsi %add3A_337, %min3A_338 : i32
      %mul3A_340 = arith.constant 100000 : i32
      %mul3A_341 = arith.muli %select_n3A_330, %mul3A_340 : i32
      %sub3A_342 = arith.subi %mul3A_341, %min3A_339 : i32
      %mul3A_343 = arith.constant 16384 : i32
      %mul3A_344 = arith.muli %select_n3A_330, %mul3A_343 : i32
      %add3A_345 = arith.addi %mul3A_344, %mul3A_20 : i32
      "tpu.region"() ({
        %run_scoped3A = tpu.sem_alloc : memref<!tpu.dma_semaphore, #tpu.memory_space<semaphore_mem>>
        %dma_start3A_349 = tpu.memref_slice %arg2[%add3A_345] : memref<425984xi32, #tpu.memory_space<hbm>> -> memref<8192xi32, #tpu.memory_space<hbm>>
        %dma_start3A_350 = tpu.memref_slice %arg2[%add3A_345] : memref<425984xi32, #tpu.memory_space<hbm>> -> memref<8192xi32, #tpu.memory_space<hbm>>
        tpu.enqueue_dma source(%dma_start3A_350 : memref<8192xi32, #tpu.memory_space<hbm>>) target(%arg10 : memref<8192xi32, #tpu.memory_space<vmem>>) target_semaphore(%run_scoped3A : memref<!tpu.dma_semaphore, #tpu.memory_space<semaphore_mem>>)
        %dma_wait3A_351 = tpu.memref_slice %arg2[%add3A_345] : memref<425984xi32, #tpu.memory_space<hbm>> -> memref<8192xi32, #tpu.memory_space<hbm>>
        %dma_wait3A_352 = tpu.memref_slice %arg2[%add3A_345] : memref<425984xi32, #tpu.memory_space<hbm>> -> memref<8192xi32, #tpu.memory_space<hbm>>
        tpu.wait_dma2 semaphore(%run_scoped3A : memref<!tpu.dma_semaphore, #tpu.memory_space<semaphore_mem>>) src(%dma_wait3A_352 : memref<8192xi32, #tpu.memory_space<hbm>>) dst(%arg10 : memref<8192xi32, #tpu.memory_space<vmem>>)
        tpu.yield
      }) : () -> ()
      "tpu.region"() ({
        %run_scoped3A = tpu.sem_alloc : memref<!tpu.dma_semaphore, #tpu.memory_space<semaphore_mem>>
        %dma_start3A_349 = tpu.memref_slice %arg4[%min3A_339] : memref<2600000xf32, #tpu.memory_space<hbm>> -> memref<51200xf32, #tpu.memory_space<hbm>>
        %dma_start3A_350 = tpu.memref_slice %arg4[%min3A_339] : memref<2600000xf32, #tpu.memory_space<hbm>> -> memref<51200xf32, #tpu.memory_space<hbm>>
        tpu.enqueue_dma source(%dma_start3A_350 : memref<51200xf32, #tpu.memory_space<hbm>>) target(%arg9 : memref<51200xf32, #tpu.memory_space<vmem>>) target_semaphore(%run_scoped3A : memref<!tpu.dma_semaphore, #tpu.memory_space<semaphore_mem>>)
        %dma_wait3A_351 = tpu.memref_slice %arg4[%min3A_339] : memref<2600000xf32, #tpu.memory_space<hbm>> -> memref<51200xf32, #tpu.memory_space<hbm>>
        %dma_wait3A_352 = tpu.memref_slice %arg4[%min3A_339] : memref<2600000xf32, #tpu.memory_space<hbm>> -> memref<51200xf32, #tpu.memory_space<hbm>>
        tpu.wait_dma2 semaphore(%run_scoped3A : memref<!tpu.dma_semaphore, #tpu.memory_space<semaphore_mem>>) src(%dma_wait3A_352 : memref<51200xf32, #tpu.memory_space<hbm>>) dst(%arg9 : memref<51200xf32, #tpu.memory_space<vmem>>)
        tpu.yield
      }) : () -> ()
      %parallel_loop3A_346 = arith.constant 0 : i32
      %parallel_loop3A_347 = arith.constant 8192 : i32
      %parallel_loop3A_348 = arith.constant 16 : i32
      scf.for %parallel_loop3A_349 = %parallel_loop3A_346 to %parallel_loop3A_347 step %parallel_loop3A_348  : i32 {
        %parallel_loop3A_350 = arith.index_cast %parallel_loop3A_349 : i32 to index
        %parallel_loop3A_351 = tpu.vector_load %arg10[%parallel_loop3A_350] {strides = array<i32>} : memref<8192xi32, #tpu.memory_space<vmem>>, vector<16xi32>,
        %parallel_loop3A_352 = vector.broadcast %mul3A_334 : i32 to vector<16xi32>
        %parallel_loop3A_353 = arith.subi %parallel_loop3A_351, %parallel_loop3A_352 : vector<16xi32>
        %parallel_loop3A_354 = arith.constant 0 : i32
        %parallel_loop3A_355 = vector.broadcast %parallel_loop3A_354 : i32 to vector<16xi32>
        %parallel_loop3A_356 = arith.cmpi sge, %parallel_loop3A_353, %parallel_loop3A_355 : vector<16xi32>
        %parallel_loop3A_357 = arith.constant 50000 : i32
        %parallel_loop3A_358 = vector.broadcast %parallel_loop3A_357 : i32 to vector<16xi32>
        %parallel_loop3A_359 = arith.cmpi slt, %parallel_loop3A_353, %parallel_loop3A_358 : vector<16xi32>
        %parallel_loop3A_360 = arith.andi %parallel_loop3A_356, %parallel_loop3A_359 : vector<16xi1>
        %parallel_loop3A_361 = vector.broadcast %sub3A_342 : i32 to vector<16xi32>
        %parallel_loop3A_362 = arith.addi %parallel_loop3A_351, %parallel_loop3A_361 : vector<16xi32>
        %parallel_loop3A_363 = arith.constant 0 : i32
        %parallel_loop3A_364 = vector.broadcast %parallel_loop3A_363 : i32 to vector<16xi32>
        %parallel_loop3A_365 = arith.select %parallel_loop3A_360, %parallel_loop3A_362, %parallel_loop3A_364 : vector<16xi1>, vector<16xi32>
        %parallel_loop3A_366 = tpu.vector_load_idx %arg9[%parallel_loop3A_365] : memref<51200xf32, #tpu.memory_space<vmem>>[vector<16xi32>], vector<16xf32>,
        %parallel_loop3A_367 = arith.constant 0.000000e+00 : f32
        %parallel_loop3A_368 = vector.broadcast %parallel_loop3A_367 : f32 to vector<16xf32>
        %parallel_loop3A_369 = arith.select %parallel_loop3A_360, %parallel_loop3A_366, %parallel_loop3A_368 : vector<16xi1>, vector<16xf32>
        %parallel_loop3A_370 = arith.index_cast %parallel_loop3A_349 : i32 to index
        %parallel_loop3A_371 = tpu.vector_load %arg12[%parallel_loop3A_370] {strides = array<i32>} : memref<8192xf32, #tpu.memory_space<vmem>>, vector<16xf32>,
        %parallel_loop3A_372 = arith.addf %parallel_loop3A_371, %parallel_loop3A_369 : vector<16xf32>
        %parallel_loop3A_373 = arith.index_cast %parallel_loop3A_349 : i32 to index
        %parallel_loop3A_374 = tpu.vector_load %arg12[%parallel_loop3A_373] {strides = array<i32>} : memref<8192xf32, #tpu.memory_space<vmem>>, vector<16xf32>,
        tpu.vector_store %arg12[%parallel_loop3A_373], %parallel_loop3A_372 {strides = array<i32>} : memref<8192xf32, #tpu.memory_space<vmem>>, vector<16xf32>,
      } {sc.loop_unroll_factor = 4 : i64, sc.parallel_access}
    } else {
    }
    %mul3A_143 = arith.constant 8 : i32
    %mul3A_144 = arith.muli %arg0, %mul3A_143 : i32
    %add3A_145 = arith.addi %mul3A_144, %rem3A_1 : i32
    %add3A_146 = arith.constant 48 : i32
    %add3A_147 = arith.addi %add3A_145, %add3A_146 : i32
    %lt3A_148 = arith.constant 52 : i32
    %lt3A_149 = arith.cmpi slt, %add3A_147, %lt3A_148 : i32
    %convert_element_type3A_150 = arith.extui %lt3A_149 : i1 to i32
    %cond3A_151 = arith.constant 0 : i32
    %cond3A_152 = arith.cmpi ne, %convert_element_type3A_150, %cond3A_151 : i32
    scf.if %cond3A_152 {
      %jit3A_307 = arith.constant 2 : i32
      %div3A_308 = arith.divsi %add3A_147, %jit3A_307 : i32
      %sign3A_309 = arith.constant 0 : i32
      %sign3A_310 = arith.cmpi sgt, %add3A_147, %sign3A_309 : i32
      %sign3A_311 = arith.extui %sign3A_310 : i1 to i32
      %sign3A_312 = arith.constant 0 : i32
      %sign3A_313 = arith.cmpi slt, %add3A_147, %sign3A_312 : i32
      %sign3A_314 = arith.extui %sign3A_313 : i1 to i32
      %sign3A_315 = arith.subi %sign3A_311, %sign3A_314 : i32
      %sign3A_316 = arith.constant 0 : i32
      %sign3A_317 = arith.cmpi sgt, %jit3A_307, %sign3A_316 : i32
      %sign3A_318 = arith.extui %sign3A_317 : i1 to i32
      %sign3A_319 = arith.constant 0 : i32
      %sign3A_320 = arith.cmpi slt, %jit3A_307, %sign3A_319 : i32
      %sign3A_321 = arith.extui %sign3A_320 : i1 to i32
      %sign3A_322 = arith.subi %sign3A_318, %sign3A_321 : i32
      %ne3A_323 = arith.cmpi ne, %sign3A_315, %sign3A_322 : i32
      %rem3A_324 = arith.remsi %add3A_147, %jit3A_307 : i32
      %ne3A_325 = arith.constant 0 : i32
      %ne3A_326 = arith.cmpi ne, %rem3A_324, %ne3A_325 : i32
      %and3A_327 = arith.andi %ne3A_323, %ne3A_326 : i1
      %sub3A_328 = arith.constant 1 : i32
      %sub3A_329 = arith.subi %div3A_308, %sub3A_328 : i32
      %select_n3A_330 = arith.select %and3A_327, %sub3A_329, %div3A_308 : i32
      %rem3A_331 = arith.constant 2 : i32
      %rem3A_332 = arith.remsi %add3A_147, %rem3A_331 : i32
      %mul3A_333 = arith.constant 50000 : i32
      %mul3A_334 = arith.muli %rem3A_332, %mul3A_333 : i32
      %mul3A_335 = arith.constant 100000 : i32
      %mul3A_336 = arith.muli %select_n3A_330, %mul3A_335 : i32
      %add3A_337 = arith.addi %mul3A_336, %mul3A_334 : i32
      %min3A_338 = arith.constant 2548800 : i32
      %min3A_339 = arith.minsi %add3A_337, %min3A_338 : i32
      %mul3A_340 = arith.constant 100000 : i32
      %mul3A_341 = arith.muli %select_n3A_330, %mul3A_340 : i32
      %sub3A_342 = arith.subi %mul3A_341, %min3A_339 : i32
      %mul3A_343 = arith.constant 16384 : i32
      %mul3A_344 = arith.muli %select_n3A_330, %mul3A_343 : i32
      %add3A_345 = arith.addi %mul3A_344, %mul3A_20 : i32
      "tpu.region"() ({
        %run_scoped3A = tpu.sem_alloc : memref<!tpu.dma_semaphore, #tpu.memory_space<semaphore_mem>>
        %dma_start3A_349 = tpu.memref_slice %arg2[%add3A_345] : memref<425984xi32, #tpu.memory_space<hbm>> -> memref<8192xi32, #tpu.memory_space<hbm>>
        %dma_start3A_350 = tpu.memref_slice %arg2[%add3A_345] : memref<425984xi32, #tpu.memory_space<hbm>> -> memref<8192xi32, #tpu.memory_space<hbm>>
        tpu.enqueue_dma source(%dma_start3A_350 : memref<8192xi32, #tpu.memory_space<hbm>>) target(%arg10 : memref<8192xi32, #tpu.memory_space<vmem>>) target_semaphore(%run_scoped3A : memref<!tpu.dma_semaphore, #tpu.memory_space<semaphore_mem>>)
        %dma_wait3A_351 = tpu.memref_slice %arg2[%add3A_345] : memref<425984xi32, #tpu.memory_space<hbm>> -> memref<8192xi32, #tpu.memory_space<hbm>>
        %dma_wait3A_352 = tpu.memref_slice %arg2[%add3A_345] : memref<425984xi32, #tpu.memory_space<hbm>> -> memref<8192xi32, #tpu.memory_space<hbm>>
        tpu.wait_dma2 semaphore(%run_scoped3A : memref<!tpu.dma_semaphore, #tpu.memory_space<semaphore_mem>>) src(%dma_wait3A_352 : memref<8192xi32, #tpu.memory_space<hbm>>) dst(%arg10 : memref<8192xi32, #tpu.memory_space<vmem>>)
        tpu.yield
      }) : () -> ()
      "tpu.region"() ({
        %run_scoped3A = tpu.sem_alloc : memref<!tpu.dma_semaphore, #tpu.memory_space<semaphore_mem>>
        %dma_start3A_349 = tpu.memref_slice %arg4[%min3A_339] : memref<2600000xf32, #tpu.memory_space<hbm>> -> memref<51200xf32, #tpu.memory_space<hbm>>
        %dma_start3A_350 = tpu.memref_slice %arg4[%min3A_339] : memref<2600000xf32, #tpu.memory_space<hbm>> -> memref<51200xf32, #tpu.memory_space<hbm>>
        tpu.enqueue_dma source(%dma_start3A_350 : memref<51200xf32, #tpu.memory_space<hbm>>) target(%arg9 : memref<51200xf32, #tpu.memory_space<vmem>>) target_semaphore(%run_scoped3A : memref<!tpu.dma_semaphore, #tpu.memory_space<semaphore_mem>>)
        %dma_wait3A_351 = tpu.memref_slice %arg4[%min3A_339] : memref<2600000xf32, #tpu.memory_space<hbm>> -> memref<51200xf32, #tpu.memory_space<hbm>>
        %dma_wait3A_352 = tpu.memref_slice %arg4[%min3A_339] : memref<2600000xf32, #tpu.memory_space<hbm>> -> memref<51200xf32, #tpu.memory_space<hbm>>
        tpu.wait_dma2 semaphore(%run_scoped3A : memref<!tpu.dma_semaphore, #tpu.memory_space<semaphore_mem>>) src(%dma_wait3A_352 : memref<51200xf32, #tpu.memory_space<hbm>>) dst(%arg9 : memref<51200xf32, #tpu.memory_space<vmem>>)
        tpu.yield
      }) : () -> ()
      %parallel_loop3A_346 = arith.constant 0 : i32
      %parallel_loop3A_347 = arith.constant 8192 : i32
      %parallel_loop3A_348 = arith.constant 16 : i32
      scf.for %parallel_loop3A_349 = %parallel_loop3A_346 to %parallel_loop3A_347 step %parallel_loop3A_348  : i32 {
        %parallel_loop3A_350 = arith.index_cast %parallel_loop3A_349 : i32 to index
        %parallel_loop3A_351 = tpu.vector_load %arg10[%parallel_loop3A_350] {strides = array<i32>} : memref<8192xi32, #tpu.memory_space<vmem>>, vector<16xi32>,
        %parallel_loop3A_352 = vector.broadcast %mul3A_334 : i32 to vector<16xi32>
        %parallel_loop3A_353 = arith.subi %parallel_loop3A_351, %parallel_loop3A_352 : vector<16xi32>
        %parallel_loop3A_354 = arith.constant 0 : i32
        %parallel_loop3A_355 = vector.broadcast %parallel_loop3A_354 : i32 to vector<16xi32>
        %parallel_loop3A_356 = arith.cmpi sge, %parallel_loop3A_353, %parallel_loop3A_355 : vector<16xi32>
        %parallel_loop3A_357 = arith.constant 50000 : i32
        %parallel_loop3A_358 = vector.broadcast %parallel_loop3A_357 : i32 to vector<16xi32>
        %parallel_loop3A_359 = arith.cmpi slt, %parallel_loop3A_353, %parallel_loop3A_358 : vector<16xi32>
        %parallel_loop3A_360 = arith.andi %parallel_loop3A_356, %parallel_loop3A_359 : vector<16xi1>
        %parallel_loop3A_361 = vector.broadcast %sub3A_342 : i32 to vector<16xi32>
        %parallel_loop3A_362 = arith.addi %parallel_loop3A_351, %parallel_loop3A_361 : vector<16xi32>
        %parallel_loop3A_363 = arith.constant 0 : i32
        %parallel_loop3A_364 = vector.broadcast %parallel_loop3A_363 : i32 to vector<16xi32>
        %parallel_loop3A_365 = arith.select %parallel_loop3A_360, %parallel_loop3A_362, %parallel_loop3A_364 : vector<16xi1>, vector<16xi32>
        %parallel_loop3A_366 = tpu.vector_load_idx %arg9[%parallel_loop3A_365] : memref<51200xf32, #tpu.memory_space<vmem>>[vector<16xi32>], vector<16xf32>,
        %parallel_loop3A_367 = arith.constant 0.000000e+00 : f32
        %parallel_loop3A_368 = vector.broadcast %parallel_loop3A_367 : f32 to vector<16xf32>
        %parallel_loop3A_369 = arith.select %parallel_loop3A_360, %parallel_loop3A_366, %parallel_loop3A_368 : vector<16xi1>, vector<16xf32>
        %parallel_loop3A_370 = arith.index_cast %parallel_loop3A_349 : i32 to index
        %parallel_loop3A_371 = tpu.vector_load %arg12[%parallel_loop3A_370] {strides = array<i32>} : memref<8192xf32, #tpu.memory_space<vmem>>, vector<16xf32>,
        %parallel_loop3A_372 = arith.addf %parallel_loop3A_371, %parallel_loop3A_369 : vector<16xf32>
        %parallel_loop3A_373 = arith.index_cast %parallel_loop3A_349 : i32 to index
        %parallel_loop3A_374 = tpu.vector_load %arg12[%parallel_loop3A_373] {strides = array<i32>} : memref<8192xf32, #tpu.memory_space<vmem>>, vector<16xf32>,
        tpu.vector_store %arg12[%parallel_loop3A_373], %parallel_loop3A_372 {strides = array<i32>} : memref<8192xf32, #tpu.memory_space<vmem>>, vector<16xf32>,
      } {sc.loop_unroll_factor = 4 : i64, sc.parallel_access}
    } else {
    }
    "tpu.region"() ({
      %run_scoped3A = tpu.sem_alloc : memref<!tpu.dma_semaphore, #tpu.memory_space<semaphore_mem>>
      %dma_start3A_307 = arith.constant 0 : i32
      %dma_start3A_308 = tpu.memref_slice %arg15[%add3A, %dma_start3A_307] : memref<32x8192xf32, #tpu.memory_space<hbm>> -> memref<1x8192xf32, #tpu.memory_space<hbm>>
      %dma_start3A_309 = tpu.memref_squeeze %dma_start3A_308 : memref<1x8192xf32, #tpu.memory_space<hbm>> -> memref<8192xf32, #tpu.memory_space<hbm>>
      %dma_start3A_310 = arith.constant 0 : i32
      %dma_start3A_311 = tpu.memref_slice %arg15[%add3A, %dma_start3A_310] : memref<32x8192xf32, #tpu.memory_space<hbm>> -> memref<1x8192xf32, #tpu.memory_space<hbm>>
      %dma_start3A_312 = tpu.memref_squeeze %dma_start3A_311 : memref<1x8192xf32, #tpu.memory_space<hbm>> -> memref<8192xf32, #tpu.memory_space<hbm>>
      tpu.enqueue_dma source(%arg11 : memref<8192xf32, #tpu.memory_space<vmem>>) target(%dma_start3A_312 : memref<8192xf32, #tpu.memory_space<hbm>>) target_semaphore(%run_scoped3A : memref<!tpu.dma_semaphore, #tpu.memory_space<semaphore_mem>>)
      %dma_wait3A_313 = arith.constant 0 : i32
      %dma_wait3A_314 = tpu.memref_slice %arg15[%add3A, %dma_wait3A_313] : memref<32x8192xf32, #tpu.memory_space<hbm>> -> memref<1x8192xf32, #tpu.memory_space<hbm>>
      %dma_wait3A_315 = tpu.memref_squeeze %dma_wait3A_314 : memref<1x8192xf32, #tpu.memory_space<hbm>> -> memref<8192xf32, #tpu.memory_space<hbm>>
      %dma_wait3A_316 = arith.constant 0 : i32
      %dma_wait3A_317 = tpu.memref_slice %arg15[%add3A, %dma_wait3A_316] : memref<32x8192xf32, #tpu.memory_space<hbm>> -> memref<1x8192xf32, #tpu.memory_space<hbm>>
      %dma_wait3A_318 = tpu.memref_squeeze %dma_wait3A_317 : memref<1x8192xf32, #tpu.memory_space<hbm>> -> memref<8192xf32, #tpu.memory_space<hbm>>
      tpu.wait_dma2 semaphore(%run_scoped3A : memref<!tpu.dma_semaphore, #tpu.memory_space<semaphore_mem>>) src(%arg11 : memref<8192xf32, #tpu.memory_space<vmem>>) dst(%dma_wait3A_318 : memref<8192xf32, #tpu.memory_space<hbm>>)
      tpu.yield
    }) : () -> ()
    "tpu.region"() ({
      %run_scoped3A = tpu.sem_alloc : memref<!tpu.dma_semaphore, #tpu.memory_space<semaphore_mem>>
      %dma_start3A_307 = arith.constant 0 : i32
      %dma_start3A_308 = tpu.memref_slice %arg16[%add3A, %dma_start3A_307] : memref<32x8192xf32, #tpu.memory_space<hbm>> -> memref<1x8192xf32, #tpu.memory_space<hbm>>
      %dma_start3A_309 = tpu.memref_squeeze %dma_start3A_308 : memref<1x8192xf32, #tpu.memory_space<hbm>> -> memref<8192xf32, #tpu.memory_space<hbm>>
      %dma_start3A_310 = arith.constant 0 : i32
      %dma_start3A_311 = tpu.memref_slice %arg16[%add3A, %dma_start3A_310] : memref<32x8192xf32, #tpu.memory_space<hbm>> -> memref<1x8192xf32, #tpu.memory_space<hbm>>
      %dma_start3A_312 = tpu.memref_squeeze %dma_start3A_311 : memref<1x8192xf32, #tpu.memory_space<hbm>> -> memref<8192xf32, #tpu.memory_space<hbm>>
      tpu.enqueue_dma source(%arg12 : memref<8192xf32, #tpu.memory_space<vmem>>) target(%dma_start3A_312 : memref<8192xf32, #tpu.memory_space<hbm>>) target_semaphore(%run_scoped3A : memref<!tpu.dma_semaphore, #tpu.memory_space<semaphore_mem>>)
      %dma_wait3A_313 = arith.constant 0 : i32
      %dma_wait3A_314 = tpu.memref_slice %arg16[%add3A, %dma_wait3A_313] : memref<32x8192xf32, #tpu.memory_space<hbm>> -> memref<1x8192xf32, #tpu.memory_space<hbm>>
      %dma_wait3A_315 = tpu.memref_squeeze %dma_wait3A_314 : memref<1x8192xf32, #tpu.memory_space<hbm>> -> memref<8192xf32, #tpu.memory_space<hbm>>
      %dma_wait3A_316 = arith.constant 0 : i32
      %dma_wait3A_317 = tpu.memref_slice %arg16[%add3A, %dma_wait3A_316] : memref<32x8192xf32, #tpu.memory_space<hbm>> -> memref<1x8192xf32, #tpu.memory_space<hbm>>
      %dma_wait3A_318 = tpu.memref_squeeze %dma_wait3A_317 : memref<1x8192xf32, #tpu.memory_space<hbm>> -> memref<8192xf32, #tpu.memory_space<hbm>>
      tpu.wait_dma2 semaphore(%run_scoped3A : memref<!tpu.dma_semaphore, #tpu.memory_space<semaphore_mem>>) src(%arg12 : memref<8192xf32, #tpu.memory_space<vmem>>) dst(%dma_wait3A_318 : memref<8192xf32, #tpu.memory_space<hbm>>)
      tpu.yield
    }) : () -> ()
    %barrier3A_153 = arith.constant 0 : index
    tpu.barrier barrier_id(%barrier3A_153)
    %mul3A_154 = arith.constant 1024 : i32
    %mul3A_155 = arith.muli %arg1, %mul3A_154 : i32
    %jit3A_156 = arith.constant 8 : i32
    %div3A_157 = arith.divsi %arg1, %jit3A_156 : i32
    %sign3A_158 = arith.constant 0 : i32
    %sign3A_159 = arith.cmpi sgt, %arg1, %sign3A_158 : i32
    %sign3A_160 = arith.extui %sign3A_159 : i1 to i32
    %sign3A_161 = arith.constant 0 : i32
    %sign3A_162 = arith.cmpi slt, %arg1, %sign3A_161 : i32
    %sign3A_163 = arith.extui %sign3A_162 : i1 to i32
    %sign3A_164 = arith.subi %sign3A_160, %sign3A_163 : i32
    %sign3A_165 = arith.constant 0 : i32
    %sign3A_166 = arith.cmpi sgt, %jit3A_156, %sign3A_165 : i32
    %sign3A_167 = arith.extui %sign3A_166 : i1 to i32
    %sign3A_168 = arith.constant 0 : i32
    %sign3A_169 = arith.cmpi slt, %jit3A_156, %sign3A_168 : i32
    %sign3A_170 = arith.extui %sign3A_169 : i1 to i32
    %sign3A_171 = arith.subi %sign3A_167, %sign3A_170 : i32
    %ne3A_172 = arith.cmpi ne, %sign3A_164, %sign3A_171 : i32
    %rem3A_173 = arith.remsi %arg1, %jit3A_156 : i32
    %ne3A_174 = arith.constant 0 : i32
    %ne3A_175 = arith.cmpi ne, %rem3A_173, %ne3A_174 : i32
    %and3A_176 = arith.andi %ne3A_172, %ne3A_175 : i1
    %sub3A_177 = arith.constant 1 : i32
    %sub3A_178 = arith.subi %div3A_157, %sub3A_177 : i32
    %select_n3A_179 = arith.select %and3A_176, %sub3A_178, %div3A_157 : i32
    %rem3A_180 = arith.constant 8 : i32
    %rem3A_181 = arith.remsi %arg1, %rem3A_180 : i32
    %mul3A_182 = arith.constant 1024 : i32
    %mul3A_183 = arith.muli %rem3A_181, %mul3A_182 : i32
    %mul3A_184 = arith.constant 16 : i32
    %mul3A_185 = arith.muli %arg0, %mul3A_184 : i32
    %mul3A_186 = arith.constant 8 : i32
    %mul3A_187 = arith.muli %select_n3A_179, %mul3A_186 : i32
    %add3A_188 = arith.addi %mul3A_185, %mul3A_187 : i32
    %add3A_189 = arith.constant 0 : i32
    %add3A_190 = arith.addi %add3A_188, %add3A_189 : i32
    "tpu.region"() ({
      %run_scoped3A = tpu.sem_alloc : memref<!tpu.dma_semaphore, #tpu.memory_space<semaphore_mem>>
      %dma_start3A_307 = arith.constant 0 : i32
      %dma_start3A_308 = tpu.memref_slice %arg9[%dma_start3A_307] : memref<51200xf32, #tpu.memory_space<vmem>> -> memref<1024xf32, #tpu.memory_space<vmem>>
      %dma_start3A_309 = tpu.memref_slice %arg16[%add3A_190, %mul3A_183] : memref<32x8192xf32, #tpu.memory_space<hbm>> -> memref<1x1024xf32, #tpu.memory_space<hbm>>
      %dma_start3A_310 = tpu.memref_squeeze %dma_start3A_309 : memref<1x1024xf32, #tpu.memory_space<hbm>> -> memref<1024xf32, #tpu.memory_space<hbm>>
      %dma_start3A_311 = arith.constant 0 : i32
      %dma_start3A_312 = tpu.memref_slice %arg9[%dma_start3A_311] : memref<51200xf32, #tpu.memory_space<vmem>> -> memref<1024xf32, #tpu.memory_space<vmem>>
      %dma_start3A_313 = tpu.memref_slice %arg16[%add3A_190, %mul3A_183] : memref<32x8192xf32, #tpu.memory_space<hbm>> -> memref<1x1024xf32, #tpu.memory_space<hbm>>
      %dma_start3A_314 = tpu.memref_squeeze %dma_start3A_313 : memref<1x1024xf32, #tpu.memory_space<hbm>> -> memref<1024xf32, #tpu.memory_space<hbm>>
      tpu.enqueue_dma source(%dma_start3A_314 : memref<1024xf32, #tpu.memory_space<hbm>>) target(%dma_start3A_312 : memref<1024xf32, #tpu.memory_space<vmem>>) target_semaphore(%run_scoped3A : memref<!tpu.dma_semaphore, #tpu.memory_space<semaphore_mem>>)
      %dma_wait3A_315 = arith.constant 0 : i32
      %dma_wait3A_316 = tpu.memref_slice %arg9[%dma_wait3A_315] : memref<51200xf32, #tpu.memory_space<vmem>> -> memref<1024xf32, #tpu.memory_space<vmem>>
      %dma_wait3A_317 = tpu.memref_slice %arg16[%add3A_190, %mul3A_183] : memref<32x8192xf32, #tpu.memory_space<hbm>> -> memref<1x1024xf32, #tpu.memory_space<hbm>>
      %dma_wait3A_318 = tpu.memref_squeeze %dma_wait3A_317 : memref<1x1024xf32, #tpu.memory_space<hbm>> -> memref<1024xf32, #tpu.memory_space<hbm>>
      %dma_wait3A_319 = arith.constant 0 : i32
      %dma_wait3A_320 = tpu.memref_slice %arg9[%dma_wait3A_319] : memref<51200xf32, #tpu.memory_space<vmem>> -> memref<1024xf32, #tpu.memory_space<vmem>>
      %dma_wait3A_321 = tpu.memref_slice %arg16[%add3A_190, %mul3A_183] : memref<32x8192xf32, #tpu.memory_space<hbm>> -> memref<1x1024xf32, #tpu.memory_space<hbm>>
      %dma_wait3A_322 = tpu.memref_squeeze %dma_wait3A_321 : memref<1x1024xf32, #tpu.memory_space<hbm>> -> memref<1024xf32, #tpu.memory_space<hbm>>
      tpu.wait_dma2 semaphore(%run_scoped3A : memref<!tpu.dma_semaphore, #tpu.memory_space<semaphore_mem>>) src(%dma_wait3A_322 : memref<1024xf32, #tpu.memory_space<hbm>>) dst(%dma_wait3A_320 : memref<1024xf32, #tpu.memory_space<vmem>>)
      tpu.yield
    }) : () -> ()
    %mul3A_191 = arith.constant 16 : i32
    %mul3A_192 = arith.muli %arg0, %mul3A_191 : i32
    %mul3A_193 = arith.constant 8 : i32
    %mul3A_194 = arith.muli %select_n3A_179, %mul3A_193 : i32
    %add3A_195 = arith.addi %mul3A_192, %mul3A_194 : i32
    %add3A_196 = arith.constant 1 : i32
    %add3A_197 = arith.addi %add3A_195, %add3A_196 : i32
    "tpu.region"() ({
      %run_scoped3A = tpu.sem_alloc : memref<!tpu.dma_semaphore, #tpu.memory_space<semaphore_mem>>
      %dma_start3A_307 = arith.constant 1024 : i32
      %dma_start3A_308 = tpu.memref_slice %arg9[%dma_start3A_307] : memref<51200xf32, #tpu.memory_space<vmem>> -> memref<1024xf32, #tpu.memory_space<vmem>>
      %dma_start3A_309 = tpu.memref_slice %arg16[%add3A_197, %mul3A_183] : memref<32x8192xf32, #tpu.memory_space<hbm>> -> memref<1x1024xf32, #tpu.memory_space<hbm>>
      %dma_start3A_310 = tpu.memref_squeeze %dma_start3A_309 : memref<1x1024xf32, #tpu.memory_space<hbm>> -> memref<1024xf32, #tpu.memory_space<hbm>>
      %dma_start3A_311 = arith.constant 1024 : i32
      %dma_start3A_312 = tpu.memref_slice %arg9[%dma_start3A_311] : memref<51200xf32, #tpu.memory_space<vmem>> -> memref<1024xf32, #tpu.memory_space<vmem>>
      %dma_start3A_313 = tpu.memref_slice %arg16[%add3A_197, %mul3A_183] : memref<32x8192xf32, #tpu.memory_space<hbm>> -> memref<1x1024xf32, #tpu.memory_space<hbm>>
      %dma_start3A_314 = tpu.memref_squeeze %dma_start3A_313 : memref<1x1024xf32, #tpu.memory_space<hbm>> -> memref<1024xf32, #tpu.memory_space<hbm>>
      tpu.enqueue_dma source(%dma_start3A_314 : memref<1024xf32, #tpu.memory_space<hbm>>) target(%dma_start3A_312 : memref<1024xf32, #tpu.memory_space<vmem>>) target_semaphore(%run_scoped3A : memref<!tpu.dma_semaphore, #tpu.memory_space<semaphore_mem>>)
      %dma_wait3A_315 = arith.constant 1024 : i32
      %dma_wait3A_316 = tpu.memref_slice %arg9[%dma_wait3A_315] : memref<51200xf32, #tpu.memory_space<vmem>> -> memref<1024xf32, #tpu.memory_space<vmem>>
      %dma_wait3A_317 = tpu.memref_slice %arg16[%add3A_197, %mul3A_183] : memref<32x8192xf32, #tpu.memory_space<hbm>> -> memref<1x1024xf32, #tpu.memory_space<hbm>>
      %dma_wait3A_318 = tpu.memref_squeeze %dma_wait3A_317 : memref<1x1024xf32, #tpu.memory_space<hbm>> -> memref<1024xf32, #tpu.memory_space<hbm>>
      %dma_wait3A_319 = arith.constant 1024 : i32
      %dma_wait3A_320 = tpu.memref_slice %arg9[%dma_wait3A_319] : memref<51200xf32, #tpu.memory_space<vmem>> -> memref<1024xf32, #tpu.memory_space<vmem>>
      %dma_wait3A_321 = tpu.memref_slice %arg16[%add3A_197, %mul3A_183] : memref<32x8192xf32, #tpu.memory_space<hbm>> -> memref<1x1024xf32, #tpu.memory_space<hbm>>
      %dma_wait3A_322 = tpu.memref_squeeze %dma_wait3A_321 : memref<1x1024xf32, #tpu.memory_space<hbm>> -> memref<1024xf32, #tpu.memory_space<hbm>>
      tpu.wait_dma2 semaphore(%run_scoped3A : memref<!tpu.dma_semaphore, #tpu.memory_space<semaphore_mem>>) src(%dma_wait3A_322 : memref<1024xf32, #tpu.memory_space<hbm>>) dst(%dma_wait3A_320 : memref<1024xf32, #tpu.memory_space<vmem>>)
      tpu.yield
    }) : () -> ()
    %mul3A_198 = arith.constant 16 : i32
    %mul3A_199 = arith.muli %arg0, %mul3A_198 : i32
    %mul3A_200 = arith.constant 8 : i32
    %mul3A_201 = arith.muli %select_n3A_179, %mul3A_200 : i32
    %add3A_202 = arith.addi %mul3A_199, %mul3A_201 : i32
    %add3A_203 = arith.constant 2 : i32
    %add3A_204 = arith.addi %add3A_202, %add3A_203 : i32
    "tpu.region"() ({
      %run_scoped3A = tpu.sem_alloc : memref<!tpu.dma_semaphore, #tpu.memory_space<semaphore_mem>>
      %dma_start3A_307 = arith.constant 2048 : i32
      %dma_start3A_308 = tpu.memref_slice %arg9[%dma_start3A_307] : memref<51200xf32, #tpu.memory_space<vmem>> -> memref<1024xf32, #tpu.memory_space<vmem>>
      %dma_start3A_309 = tpu.memref_slice %arg16[%add3A_204, %mul3A_183] : memref<32x8192xf32, #tpu.memory_space<hbm>> -> memref<1x1024xf32, #tpu.memory_space<hbm>>
      %dma_start3A_310 = tpu.memref_squeeze %dma_start3A_309 : memref<1x1024xf32, #tpu.memory_space<hbm>> -> memref<1024xf32, #tpu.memory_space<hbm>>
      %dma_start3A_311 = arith.constant 2048 : i32
      %dma_start3A_312 = tpu.memref_slice %arg9[%dma_start3A_311] : memref<51200xf32, #tpu.memory_space<vmem>> -> memref<1024xf32, #tpu.memory_space<vmem>>
      %dma_start3A_313 = tpu.memref_slice %arg16[%add3A_204, %mul3A_183] : memref<32x8192xf32, #tpu.memory_space<hbm>> -> memref<1x1024xf32, #tpu.memory_space<hbm>>
      %dma_start3A_314 = tpu.memref_squeeze %dma_start3A_313 : memref<1x1024xf32, #tpu.memory_space<hbm>> -> memref<1024xf32, #tpu.memory_space<hbm>>
      tpu.enqueue_dma source(%dma_start3A_314 : memref<1024xf32, #tpu.memory_space<hbm>>) target(%dma_start3A_312 : memref<1024xf32, #tpu.memory_space<vmem>>) target_semaphore(%run_scoped3A : memref<!tpu.dma_semaphore, #tpu.memory_space<semaphore_mem>>)
      %dma_wait3A_315 = arith.constant 2048 : i32
      %dma_wait3A_316 = tpu.memref_slice %arg9[%dma_wait3A_315] : memref<51200xf32, #tpu.memory_space<vmem>> -> memref<1024xf32, #tpu.memory_space<vmem>>
      %dma_wait3A_317 = tpu.memref_slice %arg16[%add3A_204, %mul3A_183] : memref<32x8192xf32, #tpu.memory_space<hbm>> -> memref<1x1024xf32, #tpu.memory_space<hbm>>
      %dma_wait3A_318 = tpu.memref_squeeze %dma_wait3A_317 : memref<1x1024xf32, #tpu.memory_space<hbm>> -> memref<1024xf32, #tpu.memory_space<hbm>>
      %dma_wait3A_319 = arith.constant 2048 : i32
      %dma_wait3A_320 = tpu.memref_slice %arg9[%dma_wait3A_319] : memref<51200xf32, #tpu.memory_space<vmem>> -> memref<1024xf32, #tpu.memory_space<vmem>>
      %dma_wait3A_321 = tpu.memref_slice %arg16[%add3A_204, %mul3A_183] : memref<32x8192xf32, #tpu.memory_space<hbm>> -> memref<1x1024xf32, #tpu.memory_space<hbm>>
      %dma_wait3A_322 = tpu.memref_squeeze %dma_wait3A_321 : memref<1x1024xf32, #tpu.memory_space<hbm>> -> memref<1024xf32, #tpu.memory_space<hbm>>
      tpu.wait_dma2 semaphore(%run_scoped3A : memref<!tpu.dma_semaphore, #tpu.memory_space<semaphore_mem>>) src(%dma_wait3A_322 : memref<1024xf32, #tpu.memory_space<hbm>>) dst(%dma_wait3A_320 : memref<1024xf32, #tpu.memory_space<vmem>>)
      tpu.yield
    }) : () -> ()
    %mul3A_205 = arith.constant 16 : i32
    %mul3A_206 = arith.muli %arg0, %mul3A_205 : i32
    %mul3A_207 = arith.constant 8 : i32
    %mul3A_208 = arith.muli %select_n3A_179, %mul3A_207 : i32
    %add3A_209 = arith.addi %mul3A_206, %mul3A_208 : i32
    %add3A_210 = arith.constant 3 : i32
    %add3A_211 = arith.addi %add3A_209, %add3A_210 : i32
    "tpu.region"() ({
      %run_scoped3A = tpu.sem_alloc : memref<!tpu.dma_semaphore, #tpu.memory_space<semaphore_mem>>
      %dma_start3A_307 = arith.constant 3072 : i32
      %dma_start3A_308 = tpu.memref_slice %arg9[%dma_start3A_307] : memref<51200xf32, #tpu.memory_space<vmem>> -> memref<1024xf32, #tpu.memory_space<vmem>>
      %dma_start3A_309 = tpu.memref_slice %arg16[%add3A_211, %mul3A_183] : memref<32x8192xf32, #tpu.memory_space<hbm>> -> memref<1x1024xf32, #tpu.memory_space<hbm>>
      %dma_start3A_310 = tpu.memref_squeeze %dma_start3A_309 : memref<1x1024xf32, #tpu.memory_space<hbm>> -> memref<1024xf32, #tpu.memory_space<hbm>>
      %dma_start3A_311 = arith.constant 3072 : i32
      %dma_start3A_312 = tpu.memref_slice %arg9[%dma_start3A_311] : memref<51200xf32, #tpu.memory_space<vmem>> -> memref<1024xf32, #tpu.memory_space<vmem>>
      %dma_start3A_313 = tpu.memref_slice %arg16[%add3A_211, %mul3A_183] : memref<32x8192xf32, #tpu.memory_space<hbm>> -> memref<1x1024xf32, #tpu.memory_space<hbm>>
      %dma_start3A_314 = tpu.memref_squeeze %dma_start3A_313 : memref<1x1024xf32, #tpu.memory_space<hbm>> -> memref<1024xf32, #tpu.memory_space<hbm>>
      tpu.enqueue_dma source(%dma_start3A_314 : memref<1024xf32, #tpu.memory_space<hbm>>) target(%dma_start3A_312 : memref<1024xf32, #tpu.memory_space<vmem>>) target_semaphore(%run_scoped3A : memref<!tpu.dma_semaphore, #tpu.memory_space<semaphore_mem>>)
      %dma_wait3A_315 = arith.constant 3072 : i32
      %dma_wait3A_316 = tpu.memref_slice %arg9[%dma_wait3A_315] : memref<51200xf32, #tpu.memory_space<vmem>> -> memref<1024xf32, #tpu.memory_space<vmem>>
      %dma_wait3A_317 = tpu.memref_slice %arg16[%add3A_211, %mul3A_183] : memref<32x8192xf32, #tpu.memory_space<hbm>> -> memref<1x1024xf32, #tpu.memory_space<hbm>>
      %dma_wait3A_318 = tpu.memref_squeeze %dma_wait3A_317 : memref<1x1024xf32, #tpu.memory_space<hbm>> -> memref<1024xf32, #tpu.memory_space<hbm>>
      %dma_wait3A_319 = arith.constant 3072 : i32
      %dma_wait3A_320 = tpu.memref_slice %arg9[%dma_wait3A_319] : memref<51200xf32, #tpu.memory_space<vmem>> -> memref<1024xf32, #tpu.memory_space<vmem>>
      %dma_wait3A_321 = tpu.memref_slice %arg16[%add3A_211, %mul3A_183] : memref<32x8192xf32, #tpu.memory_space<hbm>> -> memref<1x1024xf32, #tpu.memory_space<hbm>>
      %dma_wait3A_322 = tpu.memref_squeeze %dma_wait3A_321 : memref<1x1024xf32, #tpu.memory_space<hbm>> -> memref<1024xf32, #tpu.memory_space<hbm>>
      tpu.wait_dma2 semaphore(%run_scoped3A : memref<!tpu.dma_semaphore, #tpu.memory_space<semaphore_mem>>) src(%dma_wait3A_322 : memref<1024xf32, #tpu.memory_space<hbm>>) dst(%dma_wait3A_320 : memref<1024xf32, #tpu.memory_space<vmem>>)
      tpu.yield
    }) : () -> ()
    %mul3A_212 = arith.constant 16 : i32
    %mul3A_213 = arith.muli %arg0, %mul3A_212 : i32
    %mul3A_214 = arith.constant 8 : i32
    %mul3A_215 = arith.muli %select_n3A_179, %mul3A_214 : i32
    %add3A_216 = arith.addi %mul3A_213, %mul3A_215 : i32
    %add3A_217 = arith.constant 4 : i32
    %add3A_218 = arith.addi %add3A_216, %add3A_217 : i32
    "tpu.region"() ({
      %run_scoped3A = tpu.sem_alloc : memref<!tpu.dma_semaphore, #tpu.memory_space<semaphore_mem>>
      %dma_start3A_307 = arith.constant 4096 : i32
      %dma_start3A_308 = tpu.memref_slice %arg9[%dma_start3A_307] : memref<51200xf32, #tpu.memory_space<vmem>> -> memref<1024xf32, #tpu.memory_space<vmem>>
      %dma_start3A_309 = tpu.memref_slice %arg16[%add3A_218, %mul3A_183] : memref<32x8192xf32, #tpu.memory_space<hbm>> -> memref<1x1024xf32, #tpu.memory_space<hbm>>
      %dma_start3A_310 = tpu.memref_squeeze %dma_start3A_309 : memref<1x1024xf32, #tpu.memory_space<hbm>> -> memref<1024xf32, #tpu.memory_space<hbm>>
      %dma_start3A_311 = arith.constant 4096 : i32
      %dma_start3A_312 = tpu.memref_slice %arg9[%dma_start3A_311] : memref<51200xf32, #tpu.memory_space<vmem>> -> memref<1024xf32, #tpu.memory_space<vmem>>
      %dma_start3A_313 = tpu.memref_slice %arg16[%add3A_218, %mul3A_183] : memref<32x8192xf32, #tpu.memory_space<hbm>> -> memref<1x1024xf32, #tpu.memory_space<hbm>>
      %dma_start3A_314 = tpu.memref_squeeze %dma_start3A_313 : memref<1x1024xf32, #tpu.memory_space<hbm>> -> memref<1024xf32, #tpu.memory_space<hbm>>
      tpu.enqueue_dma source(%dma_start3A_314 : memref<1024xf32, #tpu.memory_space<hbm>>) target(%dma_start3A_312 : memref<1024xf32, #tpu.memory_space<vmem>>) target_semaphore(%run_scoped3A : memref<!tpu.dma_semaphore, #tpu.memory_space<semaphore_mem>>)
      %dma_wait3A_315 = arith.constant 4096 : i32
      %dma_wait3A_316 = tpu.memref_slice %arg9[%dma_wait3A_315] : memref<51200xf32, #tpu.memory_space<vmem>> -> memref<1024xf32, #tpu.memory_space<vmem>>
      %dma_wait3A_317 = tpu.memref_slice %arg16[%add3A_218, %mul3A_183] : memref<32x8192xf32, #tpu.memory_space<hbm>> -> memref<1x1024xf32, #tpu.memory_space<hbm>>
      %dma_wait3A_318 = tpu.memref_squeeze %dma_wait3A_317 : memref<1x1024xf32, #tpu.memory_space<hbm>> -> memref<1024xf32, #tpu.memory_space<hbm>>
      %dma_wait3A_319 = arith.constant 4096 : i32
      %dma_wait3A_320 = tpu.memref_slice %arg9[%dma_wait3A_319] : memref<51200xf32, #tpu.memory_space<vmem>> -> memref<1024xf32, #tpu.memory_space<vmem>>
      %dma_wait3A_321 = tpu.memref_slice %arg16[%add3A_218, %mul3A_183] : memref<32x8192xf32, #tpu.memory_space<hbm>> -> memref<1x1024xf32, #tpu.memory_space<hbm>>
      %dma_wait3A_322 = tpu.memref_squeeze %dma_wait3A_321 : memref<1x1024xf32, #tpu.memory_space<hbm>> -> memref<1024xf32, #tpu.memory_space<hbm>>
      tpu.wait_dma2 semaphore(%run_scoped3A : memref<!tpu.dma_semaphore, #tpu.memory_space<semaphore_mem>>) src(%dma_wait3A_322 : memref<1024xf32, #tpu.memory_space<hbm>>) dst(%dma_wait3A_320 : memref<1024xf32, #tpu.memory_space<vmem>>)
      tpu.yield
    }) : () -> ()
    %mul3A_219 = arith.constant 16 : i32
    %mul3A_220 = arith.muli %arg0, %mul3A_219 : i32
    %mul3A_221 = arith.constant 8 : i32
    %mul3A_222 = arith.muli %select_n3A_179, %mul3A_221 : i32
    %add3A_223 = arith.addi %mul3A_220, %mul3A_222 : i32
    %add3A_224 = arith.constant 5 : i32
    %add3A_225 = arith.addi %add3A_223, %add3A_224 : i32
    "tpu.region"() ({
      %run_scoped3A = tpu.sem_alloc : memref<!tpu.dma_semaphore, #tpu.memory_space<semaphore_mem>>
      %dma_start3A_307 = arith.constant 5120 : i32
      %dma_start3A_308 = tpu.memref_slice %arg9[%dma_start3A_307] : memref<51200xf32, #tpu.memory_space<vmem>> -> memref<1024xf32, #tpu.memory_space<vmem>>
      %dma_start3A_309 = tpu.memref_slice %arg16[%add3A_225, %mul3A_183] : memref<32x8192xf32, #tpu.memory_space<hbm>> -> memref<1x1024xf32, #tpu.memory_space<hbm>>
      %dma_start3A_310 = tpu.memref_squeeze %dma_start3A_309 : memref<1x1024xf32, #tpu.memory_space<hbm>> -> memref<1024xf32, #tpu.memory_space<hbm>>
      %dma_start3A_311 = arith.constant 5120 : i32
      %dma_start3A_312 = tpu.memref_slice %arg9[%dma_start3A_311] : memref<51200xf32, #tpu.memory_space<vmem>> -> memref<1024xf32, #tpu.memory_space<vmem>>
      %dma_start3A_313 = tpu.memref_slice %arg16[%add3A_225, %mul3A_183] : memref<32x8192xf32, #tpu.memory_space<hbm>> -> memref<1x1024xf32, #tpu.memory_space<hbm>>
      %dma_start3A_314 = tpu.memref_squeeze %dma_start3A_313 : memref<1x1024xf32, #tpu.memory_space<hbm>> -> memref<1024xf32, #tpu.memory_space<hbm>>
      tpu.enqueue_dma source(%dma_start3A_314 : memref<1024xf32, #tpu.memory_space<hbm>>) target(%dma_start3A_312 : memref<1024xf32, #tpu.memory_space<vmem>>) target_semaphore(%run_scoped3A : memref<!tpu.dma_semaphore, #tpu.memory_space<semaphore_mem>>)
      %dma_wait3A_315 = arith.constant 5120 : i32
      %dma_wait3A_316 = tpu.memref_slice %arg9[%dma_wait3A_315] : memref<51200xf32, #tpu.memory_space<vmem>> -> memref<1024xf32, #tpu.memory_space<vmem>>
      %dma_wait3A_317 = tpu.memref_slice %arg16[%add3A_225, %mul3A_183] : memref<32x8192xf32, #tpu.memory_space<hbm>> -> memref<1x1024xf32, #tpu.memory_space<hbm>>
      %dma_wait3A_318 = tpu.memref_squeeze %dma_wait3A_317 : memref<1x1024xf32, #tpu.memory_space<hbm>> -> memref<1024xf32, #tpu.memory_space<hbm>>
      %dma_wait3A_319 = arith.constant 5120 : i32
      %dma_wait3A_320 = tpu.memref_slice %arg9[%dma_wait3A_319] : memref<51200xf32, #tpu.memory_space<vmem>> -> memref<1024xf32, #tpu.memory_space<vmem>>
      %dma_wait3A_321 = tpu.memref_slice %arg16[%add3A_225, %mul3A_183] : memref<32x8192xf32, #tpu.memory_space<hbm>> -> memref<1x1024xf32, #tpu.memory_space<hbm>>
      %dma_wait3A_322 = tpu.memref_squeeze %dma_wait3A_321 : memref<1x1024xf32, #tpu.memory_space<hbm>> -> memref<1024xf32, #tpu.memory_space<hbm>>
      tpu.wait_dma2 semaphore(%run_scoped3A : memref<!tpu.dma_semaphore, #tpu.memory_space<semaphore_mem>>) src(%dma_wait3A_322 : memref<1024xf32, #tpu.memory_space<hbm>>) dst(%dma_wait3A_320 : memref<1024xf32, #tpu.memory_space<vmem>>)
      tpu.yield
    }) : () -> ()
    %mul3A_226 = arith.constant 16 : i32
    %mul3A_227 = arith.muli %arg0, %mul3A_226 : i32
    %mul3A_228 = arith.constant 8 : i32
    %mul3A_229 = arith.muli %select_n3A_179, %mul3A_228 : i32
    %add3A_230 = arith.addi %mul3A_227, %mul3A_229 : i32
    %add3A_231 = arith.constant 6 : i32
    %add3A_232 = arith.addi %add3A_230, %add3A_231 : i32
    "tpu.region"() ({
      %run_scoped3A = tpu.sem_alloc : memref<!tpu.dma_semaphore, #tpu.memory_space<semaphore_mem>>
      %dma_start3A_307 = arith.constant 6144 : i32
      %dma_start3A_308 = tpu.memref_slice %arg9[%dma_start3A_307] : memref<51200xf32, #tpu.memory_space<vmem>> -> memref<1024xf32, #tpu.memory_space<vmem>>
      %dma_start3A_309 = tpu.memref_slice %arg16[%add3A_232, %mul3A_183] : memref<32x8192xf32, #tpu.memory_space<hbm>> -> memref<1x1024xf32, #tpu.memory_space<hbm>>
      %dma_start3A_310 = tpu.memref_squeeze %dma_start3A_309 : memref<1x1024xf32, #tpu.memory_space<hbm>> -> memref<1024xf32, #tpu.memory_space<hbm>>
      %dma_start3A_311 = arith.constant 6144 : i32
      %dma_start3A_312 = tpu.memref_slice %arg9[%dma_start3A_311] : memref<51200xf32, #tpu.memory_space<vmem>> -> memref<1024xf32, #tpu.memory_space<vmem>>
      %dma_start3A_313 = tpu.memref_slice %arg16[%add3A_232, %mul3A_183] : memref<32x8192xf32, #tpu.memory_space<hbm>> -> memref<1x1024xf32, #tpu.memory_space<hbm>>
      %dma_start3A_314 = tpu.memref_squeeze %dma_start3A_313 : memref<1x1024xf32, #tpu.memory_space<hbm>> -> memref<1024xf32, #tpu.memory_space<hbm>>
      tpu.enqueue_dma source(%dma_start3A_314 : memref<1024xf32, #tpu.memory_space<hbm>>) target(%dma_start3A_312 : memref<1024xf32, #tpu.memory_space<vmem>>) target_semaphore(%run_scoped3A : memref<!tpu.dma_semaphore, #tpu.memory_space<semaphore_mem>>)
      %dma_wait3A_315 = arith.constant 6144 : i32
      %dma_wait3A_316 = tpu.memref_slice %arg9[%dma_wait3A_315] : memref<51200xf32, #tpu.memory_space<vmem>> -> memref<1024xf32, #tpu.memory_space<vmem>>
      %dma_wait3A_317 = tpu.memref_slice %arg16[%add3A_232, %mul3A_183] : memref<32x8192xf32, #tpu.memory_space<hbm>> -> memref<1x1024xf32, #tpu.memory_space<hbm>>
      %dma_wait3A_318 = tpu.memref_squeeze %dma_wait3A_317 : memref<1x1024xf32, #tpu.memory_space<hbm>> -> memref<1024xf32, #tpu.memory_space<hbm>>
      %dma_wait3A_319 = arith.constant 6144 : i32
      %dma_wait3A_320 = tpu.memref_slice %arg9[%dma_wait3A_319] : memref<51200xf32, #tpu.memory_space<vmem>> -> memref<1024xf32, #tpu.memory_space<vmem>>
      %dma_wait3A_321 = tpu.memref_slice %arg16[%add3A_232, %mul3A_183] : memref<32x8192xf32, #tpu.memory_space<hbm>> -> memref<1x1024xf32, #tpu.memory_space<hbm>>
      %dma_wait3A_322 = tpu.memref_squeeze %dma_wait3A_321 : memref<1x1024xf32, #tpu.memory_space<hbm>> -> memref<1024xf32, #tpu.memory_space<hbm>>
      tpu.wait_dma2 semaphore(%run_scoped3A : memref<!tpu.dma_semaphore, #tpu.memory_space<semaphore_mem>>) src(%dma_wait3A_322 : memref<1024xf32, #tpu.memory_space<hbm>>) dst(%dma_wait3A_320 : memref<1024xf32, #tpu.memory_space<vmem>>)
      tpu.yield
    }) : () -> ()
    %mul3A_233 = arith.constant 16 : i32
    %mul3A_234 = arith.muli %arg0, %mul3A_233 : i32
    %mul3A_235 = arith.constant 8 : i32
    %mul3A_236 = arith.muli %select_n3A_179, %mul3A_235 : i32
    %add3A_237 = arith.addi %mul3A_234, %mul3A_236 : i32
    %add3A_238 = arith.constant 7 : i32
    %add3A_239 = arith.addi %add3A_237, %add3A_238 : i32
    "tpu.region"() ({
      %run_scoped3A = tpu.sem_alloc : memref<!tpu.dma_semaphore, #tpu.memory_space<semaphore_mem>>
      %dma_start3A_307 = arith.constant 7168 : i32
      %dma_start3A_308 = tpu.memref_slice %arg9[%dma_start3A_307] : memref<51200xf32, #tpu.memory_space<vmem>> -> memref<1024xf32, #tpu.memory_space<vmem>>
      %dma_start3A_309 = tpu.memref_slice %arg16[%add3A_239, %mul3A_183] : memref<32x8192xf32, #tpu.memory_space<hbm>> -> memref<1x1024xf32, #tpu.memory_space<hbm>>
      %dma_start3A_310 = tpu.memref_squeeze %dma_start3A_309 : memref<1x1024xf32, #tpu.memory_space<hbm>> -> memref<1024xf32, #tpu.memory_space<hbm>>
      %dma_start3A_311 = arith.constant 7168 : i32
      %dma_start3A_312 = tpu.memref_slice %arg9[%dma_start3A_311] : memref<51200xf32, #tpu.memory_space<vmem>> -> memref<1024xf32, #tpu.memory_space<vmem>>
      %dma_start3A_313 = tpu.memref_slice %arg16[%add3A_239, %mul3A_183] : memref<32x8192xf32, #tpu.memory_space<hbm>> -> memref<1x1024xf32, #tpu.memory_space<hbm>>
      %dma_start3A_314 = tpu.memref_squeeze %dma_start3A_313 : memref<1x1024xf32, #tpu.memory_space<hbm>> -> memref<1024xf32, #tpu.memory_space<hbm>>
      tpu.enqueue_dma source(%dma_start3A_314 : memref<1024xf32, #tpu.memory_space<hbm>>) target(%dma_start3A_312 : memref<1024xf32, #tpu.memory_space<vmem>>) target_semaphore(%run_scoped3A : memref<!tpu.dma_semaphore, #tpu.memory_space<semaphore_mem>>)
      %dma_wait3A_315 = arith.constant 7168 : i32
      %dma_wait3A_316 = tpu.memref_slice %arg9[%dma_wait3A_315] : memref<51200xf32, #tpu.memory_space<vmem>> -> memref<1024xf32, #tpu.memory_space<vmem>>
      %dma_wait3A_317 = tpu.memref_slice %arg16[%add3A_239, %mul3A_183] : memref<32x8192xf32, #tpu.memory_space<hbm>> -> memref<1x1024xf32, #tpu.memory_space<hbm>>
      %dma_wait3A_318 = tpu.memref_squeeze %dma_wait3A_317 : memref<1x1024xf32, #tpu.memory_space<hbm>> -> memref<1024xf32, #tpu.memory_space<hbm>>
      %dma_wait3A_319 = arith.constant 7168 : i32
      %dma_wait3A_320 = tpu.memref_slice %arg9[%dma_wait3A_319] : memref<51200xf32, #tpu.memory_space<vmem>> -> memref<1024xf32, #tpu.memory_space<vmem>>
      %dma_wait3A_321 = tpu.memref_slice %arg16[%add3A_239, %mul3A_183] : memref<32x8192xf32, #tpu.memory_space<hbm>> -> memref<1x1024xf32, #tpu.memory_space<hbm>>
      %dma_wait3A_322 = tpu.memref_squeeze %dma_wait3A_321 : memref<1x1024xf32, #tpu.memory_space<hbm>> -> memref<1024xf32, #tpu.memory_space<hbm>>
      tpu.wait_dma2 semaphore(%run_scoped3A : memref<!tpu.dma_semaphore, #tpu.memory_space<semaphore_mem>>) src(%dma_wait3A_322 : memref<1024xf32, #tpu.memory_space<hbm>>) dst(%dma_wait3A_320 : memref<1024xf32, #tpu.memory_space<vmem>>)
      tpu.yield
    }) : () -> ()
    %mul3A_240 = arith.constant 16 : i32
    %mul3A_241 = arith.muli %arg0, %mul3A_240 : i32
    %mul3A_242 = arith.constant 8 : i32
    %mul3A_243 = arith.muli %select_n3A_179, %mul3A_242 : i32
    %add3A_244 = arith.addi %mul3A_241, %mul3A_243 : i32
    %add3A_245 = arith.constant 0 : i32
    %add3A_246 = arith.addi %add3A_244, %add3A_245 : i32
    "tpu.region"() ({
      %run_scoped3A = tpu.sem_alloc : memref<!tpu.dma_semaphore, #tpu.memory_space<semaphore_mem>>
      %dma_start3A_307 = arith.constant 8192 : i32
      %dma_start3A_308 = tpu.memref_slice %arg9[%dma_start3A_307] : memref<51200xf32, #tpu.memory_space<vmem>> -> memref<1024xf32, #tpu.memory_space<vmem>>
      %dma_start3A_309 = tpu.memref_slice %arg15[%add3A_246, %mul3A_183] : memref<32x8192xf32, #tpu.memory_space<hbm>> -> memref<1x1024xf32, #tpu.memory_space<hbm>>
      %dma_start3A_310 = tpu.memref_squeeze %dma_start3A_309 : memref<1x1024xf32, #tpu.memory_space<hbm>> -> memref<1024xf32, #tpu.memory_space<hbm>>
      %dma_start3A_311 = arith.constant 8192 : i32
      %dma_start3A_312 = tpu.memref_slice %arg9[%dma_start3A_311] : memref<51200xf32, #tpu.memory_space<vmem>> -> memref<1024xf32, #tpu.memory_space<vmem>>
      %dma_start3A_313 = tpu.memref_slice %arg15[%add3A_246, %mul3A_183] : memref<32x8192xf32, #tpu.memory_space<hbm>> -> memref<1x1024xf32, #tpu.memory_space<hbm>>
      %dma_start3A_314 = tpu.memref_squeeze %dma_start3A_313 : memref<1x1024xf32, #tpu.memory_space<hbm>> -> memref<1024xf32, #tpu.memory_space<hbm>>
      tpu.enqueue_dma source(%dma_start3A_314 : memref<1024xf32, #tpu.memory_space<hbm>>) target(%dma_start3A_312 : memref<1024xf32, #tpu.memory_space<vmem>>) target_semaphore(%run_scoped3A : memref<!tpu.dma_semaphore, #tpu.memory_space<semaphore_mem>>)
      %dma_wait3A_315 = arith.constant 8192 : i32
      %dma_wait3A_316 = tpu.memref_slice %arg9[%dma_wait3A_315] : memref<51200xf32, #tpu.memory_space<vmem>> -> memref<1024xf32, #tpu.memory_space<vmem>>
      %dma_wait3A_317 = tpu.memref_slice %arg15[%add3A_246, %mul3A_183] : memref<32x8192xf32, #tpu.memory_space<hbm>> -> memref<1x1024xf32, #tpu.memory_space<hbm>>
      %dma_wait3A_318 = tpu.memref_squeeze %dma_wait3A_317 : memref<1x1024xf32, #tpu.memory_space<hbm>> -> memref<1024xf32, #tpu.memory_space<hbm>>
      %dma_wait3A_319 = arith.constant 8192 : i32
      %dma_wait3A_320 = tpu.memref_slice %arg9[%dma_wait3A_319] : memref<51200xf32, #tpu.memory_space<vmem>> -> memref<1024xf32, #tpu.memory_space<vmem>>
      %dma_wait3A_321 = tpu.memref_slice %arg15[%add3A_246, %mul3A_183] : memref<32x8192xf32, #tpu.memory_space<hbm>> -> memref<1x1024xf32, #tpu.memory_space<hbm>>
      %dma_wait3A_322 = tpu.memref_squeeze %dma_wait3A_321 : memref<1x1024xf32, #tpu.memory_space<hbm>> -> memref<1024xf32, #tpu.memory_space<hbm>>
      tpu.wait_dma2 semaphore(%run_scoped3A : memref<!tpu.dma_semaphore, #tpu.memory_space<semaphore_mem>>) src(%dma_wait3A_322 : memref<1024xf32, #tpu.memory_space<hbm>>) dst(%dma_wait3A_320 : memref<1024xf32, #tpu.memory_space<vmem>>)
      tpu.yield
    }) : () -> ()
    %mul3A_247 = arith.constant 16 : i32
    %mul3A_248 = arith.muli %arg0, %mul3A_247 : i32
    %mul3A_249 = arith.constant 8 : i32
    %mul3A_250 = arith.muli %select_n3A_179, %mul3A_249 : i32
    %add3A_251 = arith.addi %mul3A_248, %mul3A_250 : i32
    %add3A_252 = arith.constant 1 : i32
    %add3A_253 = arith.addi %add3A_251, %add3A_252 : i32
    "tpu.region"() ({
      %run_scoped3A = tpu.sem_alloc : memref<!tpu.dma_semaphore, #tpu.memory_space<semaphore_mem>>
      %dma_start3A_307 = arith.constant 9216 : i32
      %dma_start3A_308 = tpu.memref_slice %arg9[%dma_start3A_307] : memref<51200xf32, #tpu.memory_space<vmem>> -> memref<1024xf32, #tpu.memory_space<vmem>>
      %dma_start3A_309 = tpu.memref_slice %arg15[%add3A_253, %mul3A_183] : memref<32x8192xf32, #tpu.memory_space<hbm>> -> memref<1x1024xf32, #tpu.memory_space<hbm>>
      %dma_start3A_310 = tpu.memref_squeeze %dma_start3A_309 : memref<1x1024xf32, #tpu.memory_space<hbm>> -> memref<1024xf32, #tpu.memory_space<hbm>>
      %dma_start3A_311 = arith.constant 9216 : i32
      %dma_start3A_312 = tpu.memref_slice %arg9[%dma_start3A_311] : memref<51200xf32, #tpu.memory_space<vmem>> -> memref<1024xf32, #tpu.memory_space<vmem>>
      %dma_start3A_313 = tpu.memref_slice %arg15[%add3A_253, %mul3A_183] : memref<32x8192xf32, #tpu.memory_space<hbm>> -> memref<1x1024xf32, #tpu.memory_space<hbm>>
      %dma_start3A_314 = tpu.memref_squeeze %dma_start3A_313 : memref<1x1024xf32, #tpu.memory_space<hbm>> -> memref<1024xf32, #tpu.memory_space<hbm>>
      tpu.enqueue_dma source(%dma_start3A_314 : memref<1024xf32, #tpu.memory_space<hbm>>) target(%dma_start3A_312 : memref<1024xf32, #tpu.memory_space<vmem>>) target_semaphore(%run_scoped3A : memref<!tpu.dma_semaphore, #tpu.memory_space<semaphore_mem>>)
      %dma_wait3A_315 = arith.constant 9216 : i32
      %dma_wait3A_316 = tpu.memref_slice %arg9[%dma_wait3A_315] : memref<51200xf32, #tpu.memory_space<vmem>> -> memref<1024xf32, #tpu.memory_space<vmem>>
      %dma_wait3A_317 = tpu.memref_slice %arg15[%add3A_253, %mul3A_183] : memref<32x8192xf32, #tpu.memory_space<hbm>> -> memref<1x1024xf32, #tpu.memory_space<hbm>>
      %dma_wait3A_318 = tpu.memref_squeeze %dma_wait3A_317 : memref<1x1024xf32, #tpu.memory_space<hbm>> -> memref<1024xf32, #tpu.memory_space<hbm>>
      %dma_wait3A_319 = arith.constant 9216 : i32
      %dma_wait3A_320 = tpu.memref_slice %arg9[%dma_wait3A_319] : memref<51200xf32, #tpu.memory_space<vmem>> -> memref<1024xf32, #tpu.memory_space<vmem>>
      %dma_wait3A_321 = tpu.memref_slice %arg15[%add3A_253, %mul3A_183] : memref<32x8192xf32, #tpu.memory_space<hbm>> -> memref<1x1024xf32, #tpu.memory_space<hbm>>
      %dma_wait3A_322 = tpu.memref_squeeze %dma_wait3A_321 : memref<1x1024xf32, #tpu.memory_space<hbm>> -> memref<1024xf32, #tpu.memory_space<hbm>>
      tpu.wait_dma2 semaphore(%run_scoped3A : memref<!tpu.dma_semaphore, #tpu.memory_space<semaphore_mem>>) src(%dma_wait3A_322 : memref<1024xf32, #tpu.memory_space<hbm>>) dst(%dma_wait3A_320 : memref<1024xf32, #tpu.memory_space<vmem>>)
      tpu.yield
    }) : () -> ()
    %mul3A_254 = arith.constant 16 : i32
    %mul3A_255 = arith.muli %arg0, %mul3A_254 : i32
    %mul3A_256 = arith.constant 8 : i32
    %mul3A_257 = arith.muli %select_n3A_179, %mul3A_256 : i32
    %add3A_258 = arith.addi %mul3A_255, %mul3A_257 : i32
    %add3A_259 = arith.constant 2 : i32
    %add3A_260 = arith.addi %add3A_258, %add3A_259 : i32
    "tpu.region"() ({
      %run_scoped3A = tpu.sem_alloc : memref<!tpu.dma_semaphore, #tpu.memory_space<semaphore_mem>>
      %dma_start3A_307 = arith.constant 10240 : i32
      %dma_start3A_308 = tpu.memref_slice %arg9[%dma_start3A_307] : memref<51200xf32, #tpu.memory_space<vmem>> -> memref<1024xf32, #tpu.memory_space<vmem>>
      %dma_start3A_309 = tpu.memref_slice %arg15[%add3A_260, %mul3A_183] : memref<32x8192xf32, #tpu.memory_space<hbm>> -> memref<1x1024xf32, #tpu.memory_space<hbm>>
      %dma_start3A_310 = tpu.memref_squeeze %dma_start3A_309 : memref<1x1024xf32, #tpu.memory_space<hbm>> -> memref<1024xf32, #tpu.memory_space<hbm>>
      %dma_start3A_311 = arith.constant 10240 : i32
      %dma_start3A_312 = tpu.memref_slice %arg9[%dma_start3A_311] : memref<51200xf32, #tpu.memory_space<vmem>> -> memref<1024xf32, #tpu.memory_space<vmem>>
      %dma_start3A_313 = tpu.memref_slice %arg15[%add3A_260, %mul3A_183] : memref<32x8192xf32, #tpu.memory_space<hbm>> -> memref<1x1024xf32, #tpu.memory_space<hbm>>
      %dma_start3A_314 = tpu.memref_squeeze %dma_start3A_313 : memref<1x1024xf32, #tpu.memory_space<hbm>> -> memref<1024xf32, #tpu.memory_space<hbm>>
      tpu.enqueue_dma source(%dma_start3A_314 : memref<1024xf32, #tpu.memory_space<hbm>>) target(%dma_start3A_312 : memref<1024xf32, #tpu.memory_space<vmem>>) target_semaphore(%run_scoped3A : memref<!tpu.dma_semaphore, #tpu.memory_space<semaphore_mem>>)
      %dma_wait3A_315 = arith.constant 10240 : i32
      %dma_wait3A_316 = tpu.memref_slice %arg9[%dma_wait3A_315] : memref<51200xf32, #tpu.memory_space<vmem>> -> memref<1024xf32, #tpu.memory_space<vmem>>
      %dma_wait3A_317 = tpu.memref_slice %arg15[%add3A_260, %mul3A_183] : memref<32x8192xf32, #tpu.memory_space<hbm>> -> memref<1x1024xf32, #tpu.memory_space<hbm>>
      %dma_wait3A_318 = tpu.memref_squeeze %dma_wait3A_317 : memref<1x1024xf32, #tpu.memory_space<hbm>> -> memref<1024xf32, #tpu.memory_space<hbm>>
      %dma_wait3A_319 = arith.constant 10240 : i32
      %dma_wait3A_320 = tpu.memref_slice %arg9[%dma_wait3A_319] : memref<51200xf32, #tpu.memory_space<vmem>> -> memref<1024xf32, #tpu.memory_space<vmem>>
      %dma_wait3A_321 = tpu.memref_slice %arg15[%add3A_260, %mul3A_183] : memref<32x8192xf32, #tpu.memory_space<hbm>> -> memref<1x1024xf32, #tpu.memory_space<hbm>>
      %dma_wait3A_322 = tpu.memref_squeeze %dma_wait3A_321 : memref<1x1024xf32, #tpu.memory_space<hbm>> -> memref<1024xf32, #tpu.memory_space<hbm>>
      tpu.wait_dma2 semaphore(%run_scoped3A : memref<!tpu.dma_semaphore, #tpu.memory_space<semaphore_mem>>) src(%dma_wait3A_322 : memref<1024xf32, #tpu.memory_space<hbm>>) dst(%dma_wait3A_320 : memref<1024xf32, #tpu.memory_space<vmem>>)
      tpu.yield
    }) : () -> ()
    %mul3A_261 = arith.constant 16 : i32
    %mul3A_262 = arith.muli %arg0, %mul3A_261 : i32
    %mul3A_263 = arith.constant 8 : i32
    %mul3A_264 = arith.muli %select_n3A_179, %mul3A_263 : i32
    %add3A_265 = arith.addi %mul3A_262, %mul3A_264 : i32
    %add3A_266 = arith.constant 3 : i32
    %add3A_267 = arith.addi %add3A_265, %add3A_266 : i32
    "tpu.region"() ({
      %run_scoped3A = tpu.sem_alloc : memref<!tpu.dma_semaphore, #tpu.memory_space<semaphore_mem>>
      %dma_start3A_307 = arith.constant 11264 : i32
      %dma_start3A_308 = tpu.memref_slice %arg9[%dma_start3A_307] : memref<51200xf32, #tpu.memory_space<vmem>> -> memref<1024xf32, #tpu.memory_space<vmem>>
      %dma_start3A_309 = tpu.memref_slice %arg15[%add3A_267, %mul3A_183] : memref<32x8192xf32, #tpu.memory_space<hbm>> -> memref<1x1024xf32, #tpu.memory_space<hbm>>
      %dma_start3A_310 = tpu.memref_squeeze %dma_start3A_309 : memref<1x1024xf32, #tpu.memory_space<hbm>> -> memref<1024xf32, #tpu.memory_space<hbm>>
      %dma_start3A_311 = arith.constant 11264 : i32
      %dma_start3A_312 = tpu.memref_slice %arg9[%dma_start3A_311] : memref<51200xf32, #tpu.memory_space<vmem>> -> memref<1024xf32, #tpu.memory_space<vmem>>
      %dma_start3A_313 = tpu.memref_slice %arg15[%add3A_267, %mul3A_183] : memref<32x8192xf32, #tpu.memory_space<hbm>> -> memref<1x1024xf32, #tpu.memory_space<hbm>>
      %dma_start3A_314 = tpu.memref_squeeze %dma_start3A_313 : memref<1x1024xf32, #tpu.memory_space<hbm>> -> memref<1024xf32, #tpu.memory_space<hbm>>
      tpu.enqueue_dma source(%dma_start3A_314 : memref<1024xf32, #tpu.memory_space<hbm>>) target(%dma_start3A_312 : memref<1024xf32, #tpu.memory_space<vmem>>) target_semaphore(%run_scoped3A : memref<!tpu.dma_semaphore, #tpu.memory_space<semaphore_mem>>)
      %dma_wait3A_315 = arith.constant 11264 : i32
      %dma_wait3A_316 = tpu.memref_slice %arg9[%dma_wait3A_315] : memref<51200xf32, #tpu.memory_space<vmem>> -> memref<1024xf32, #tpu.memory_space<vmem>>
      %dma_wait3A_317 = tpu.memref_slice %arg15[%add3A_267, %mul3A_183] : memref<32x8192xf32, #tpu.memory_space<hbm>> -> memref<1x1024xf32, #tpu.memory_space<hbm>>
      %dma_wait3A_318 = tpu.memref_squeeze %dma_wait3A_317 : memref<1x1024xf32, #tpu.memory_space<hbm>> -> memref<1024xf32, #tpu.memory_space<hbm>>
      %dma_wait3A_319 = arith.constant 11264 : i32
      %dma_wait3A_320 = tpu.memref_slice %arg9[%dma_wait3A_319] : memref<51200xf32, #tpu.memory_space<vmem>> -> memref<1024xf32, #tpu.memory_space<vmem>>
      %dma_wait3A_321 = tpu.memref_slice %arg15[%add3A_267, %mul3A_183] : memref<32x8192xf32, #tpu.memory_space<hbm>> -> memref<1x1024xf32, #tpu.memory_space<hbm>>
      %dma_wait3A_322 = tpu.memref_squeeze %dma_wait3A_321 : memref<1x1024xf32, #tpu.memory_space<hbm>> -> memref<1024xf32, #tpu.memory_space<hbm>>
      tpu.wait_dma2 semaphore(%run_scoped3A : memref<!tpu.dma_semaphore, #tpu.memory_space<semaphore_mem>>) src(%dma_wait3A_322 : memref<1024xf32, #tpu.memory_space<hbm>>) dst(%dma_wait3A_320 : memref<1024xf32, #tpu.memory_space<vmem>>)
      tpu.yield
    }) : () -> ()
    %mul3A_268 = arith.constant 16 : i32
    %mul3A_269 = arith.muli %arg0, %mul3A_268 : i32
    %mul3A_270 = arith.constant 8 : i32
    %mul3A_271 = arith.muli %select_n3A_179, %mul3A_270 : i32
    %add3A_272 = arith.addi %mul3A_269, %mul3A_271 : i32
    %add3A_273 = arith.constant 4 : i32
    %add3A_274 = arith.addi %add3A_272, %add3A_273 : i32
    "tpu.region"() ({
      %run_scoped3A = tpu.sem_alloc : memref<!tpu.dma_semaphore, #tpu.memory_space<semaphore_mem>>
      %dma_start3A_307 = arith.constant 12288 : i32
      %dma_start3A_308 = tpu.memref_slice %arg9[%dma_start3A_307] : memref<51200xf32, #tpu.memory_space<vmem>> -> memref<1024xf32, #tpu.memory_space<vmem>>
      %dma_start3A_309 = tpu.memref_slice %arg15[%add3A_274, %mul3A_183] : memref<32x8192xf32, #tpu.memory_space<hbm>> -> memref<1x1024xf32, #tpu.memory_space<hbm>>
      %dma_start3A_310 = tpu.memref_squeeze %dma_start3A_309 : memref<1x1024xf32, #tpu.memory_space<hbm>> -> memref<1024xf32, #tpu.memory_space<hbm>>
      %dma_start3A_311 = arith.constant 12288 : i32
      %dma_start3A_312 = tpu.memref_slice %arg9[%dma_start3A_311] : memref<51200xf32, #tpu.memory_space<vmem>> -> memref<1024xf32, #tpu.memory_space<vmem>>
      %dma_start3A_313 = tpu.memref_slice %arg15[%add3A_274, %mul3A_183] : memref<32x8192xf32, #tpu.memory_space<hbm>> -> memref<1x1024xf32, #tpu.memory_space<hbm>>
      %dma_start3A_314 = tpu.memref_squeeze %dma_start3A_313 : memref<1x1024xf32, #tpu.memory_space<hbm>> -> memref<1024xf32, #tpu.memory_space<hbm>>
      tpu.enqueue_dma source(%dma_start3A_314 : memref<1024xf32, #tpu.memory_space<hbm>>) target(%dma_start3A_312 : memref<1024xf32, #tpu.memory_space<vmem>>) target_semaphore(%run_scoped3A : memref<!tpu.dma_semaphore, #tpu.memory_space<semaphore_mem>>)
      %dma_wait3A_315 = arith.constant 12288 : i32
      %dma_wait3A_316 = tpu.memref_slice %arg9[%dma_wait3A_315] : memref<51200xf32, #tpu.memory_space<vmem>> -> memref<1024xf32, #tpu.memory_space<vmem>>
      %dma_wait3A_317 = tpu.memref_slice %arg15[%add3A_274, %mul3A_183] : memref<32x8192xf32, #tpu.memory_space<hbm>> -> memref<1x1024xf32, #tpu.memory_space<hbm>>
      %dma_wait3A_318 = tpu.memref_squeeze %dma_wait3A_317 : memref<1x1024xf32, #tpu.memory_space<hbm>> -> memref<1024xf32, #tpu.memory_space<hbm>>
      %dma_wait3A_319 = arith.constant 12288 : i32
      %dma_wait3A_320 = tpu.memref_slice %arg9[%dma_wait3A_319] : memref<51200xf32, #tpu.memory_space<vmem>> -> memref<1024xf32, #tpu.memory_space<vmem>>
      %dma_wait3A_321 = tpu.memref_slice %arg15[%add3A_274, %mul3A_183] : memref<32x8192xf32, #tpu.memory_space<hbm>> -> memref<1x1024xf32, #tpu.memory_space<hbm>>
      %dma_wait3A_322 = tpu.memref_squeeze %dma_wait3A_321 : memref<1x1024xf32, #tpu.memory_space<hbm>> -> memref<1024xf32, #tpu.memory_space<hbm>>
      tpu.wait_dma2 semaphore(%run_scoped3A : memref<!tpu.dma_semaphore, #tpu.memory_space<semaphore_mem>>) src(%dma_wait3A_322 : memref<1024xf32, #tpu.memory_space<hbm>>) dst(%dma_wait3A_320 : memref<1024xf32, #tpu.memory_space<vmem>>)
      tpu.yield
    }) : () -> ()
    %mul3A_275 = arith.constant 16 : i32
    %mul3A_276 = arith.muli %arg0, %mul3A_275 : i32
    %mul3A_277 = arith.constant 8 : i32
    %mul3A_278 = arith.muli %select_n3A_179, %mul3A_277 : i32
    %add3A_279 = arith.addi %mul3A_276, %mul3A_278 : i32
    %add3A_280 = arith.constant 5 : i32
    %add3A_281 = arith.addi %add3A_279, %add3A_280 : i32
    "tpu.region"() ({
      %run_scoped3A = tpu.sem_alloc : memref<!tpu.dma_semaphore, #tpu.memory_space<semaphore_mem>>
      %dma_start3A_307 = arith.constant 13312 : i32
      %dma_start3A_308 = tpu.memref_slice %arg9[%dma_start3A_307] : memref<51200xf32, #tpu.memory_space<vmem>> -> memref<1024xf32, #tpu.memory_space<vmem>>
      %dma_start3A_309 = tpu.memref_slice %arg15[%add3A_281, %mul3A_183] : memref<32x8192xf32, #tpu.memory_space<hbm>> -> memref<1x1024xf32, #tpu.memory_space<hbm>>
      %dma_start3A_310 = tpu.memref_squeeze %dma_start3A_309 : memref<1x1024xf32, #tpu.memory_space<hbm>> -> memref<1024xf32, #tpu.memory_space<hbm>>
      %dma_start3A_311 = arith.constant 13312 : i32
      %dma_start3A_312 = tpu.memref_slice %arg9[%dma_start3A_311] : memref<51200xf32, #tpu.memory_space<vmem>> -> memref<1024xf32, #tpu.memory_space<vmem>>
      %dma_start3A_313 = tpu.memref_slice %arg15[%add3A_281, %mul3A_183] : memref<32x8192xf32, #tpu.memory_space<hbm>> -> memref<1x1024xf32, #tpu.memory_space<hbm>>
      %dma_start3A_314 = tpu.memref_squeeze %dma_start3A_313 : memref<1x1024xf32, #tpu.memory_space<hbm>> -> memref<1024xf32, #tpu.memory_space<hbm>>
      tpu.enqueue_dma source(%dma_start3A_314 : memref<1024xf32, #tpu.memory_space<hbm>>) target(%dma_start3A_312 : memref<1024xf32, #tpu.memory_space<vmem>>) target_semaphore(%run_scoped3A : memref<!tpu.dma_semaphore, #tpu.memory_space<semaphore_mem>>)
      %dma_wait3A_315 = arith.constant 13312 : i32
      %dma_wait3A_316 = tpu.memref_slice %arg9[%dma_wait3A_315] : memref<51200xf32, #tpu.memory_space<vmem>> -> memref<1024xf32, #tpu.memory_space<vmem>>
      %dma_wait3A_317 = tpu.memref_slice %arg15[%add3A_281, %mul3A_183] : memref<32x8192xf32, #tpu.memory_space<hbm>> -> memref<1x1024xf32, #tpu.memory_space<hbm>>
      %dma_wait3A_318 = tpu.memref_squeeze %dma_wait3A_317 : memref<1x1024xf32, #tpu.memory_space<hbm>> -> memref<1024xf32, #tpu.memory_space<hbm>>
      %dma_wait3A_319 = arith.constant 13312 : i32
      %dma_wait3A_320 = tpu.memref_slice %arg9[%dma_wait3A_319] : memref<51200xf32, #tpu.memory_space<vmem>> -> memref<1024xf32, #tpu.memory_space<vmem>>
      %dma_wait3A_321 = tpu.memref_slice %arg15[%add3A_281, %mul3A_183] : memref<32x8192xf32, #tpu.memory_space<hbm>> -> memref<1x1024xf32, #tpu.memory_space<hbm>>
      %dma_wait3A_322 = tpu.memref_squeeze %dma_wait3A_321 : memref<1x1024xf32, #tpu.memory_space<hbm>> -> memref<1024xf32, #tpu.memory_space<hbm>>
      tpu.wait_dma2 semaphore(%run_scoped3A : memref<!tpu.dma_semaphore, #tpu.memory_space<semaphore_mem>>) src(%dma_wait3A_322 : memref<1024xf32, #tpu.memory_space<hbm>>) dst(%dma_wait3A_320 : memref<1024xf32, #tpu.memory_space<vmem>>)
      tpu.yield
    }) : () -> ()
    %mul3A_282 = arith.constant 16 : i32
    %mul3A_283 = arith.muli %arg0, %mul3A_282 : i32
    %mul3A_284 = arith.constant 8 : i32
    %mul3A_285 = arith.muli %select_n3A_179, %mul3A_284 : i32
    %add3A_286 = arith.addi %mul3A_283, %mul3A_285 : i32
    %add3A_287 = arith.constant 6 : i32
    %add3A_288 = arith.addi %add3A_286, %add3A_287 : i32
    "tpu.region"() ({
      %run_scoped3A = tpu.sem_alloc : memref<!tpu.dma_semaphore, #tpu.memory_space<semaphore_mem>>
      %dma_start3A_307 = arith.constant 14336 : i32
      %dma_start3A_308 = tpu.memref_slice %arg9[%dma_start3A_307] : memref<51200xf32, #tpu.memory_space<vmem>> -> memref<1024xf32, #tpu.memory_space<vmem>>
      %dma_start3A_309 = tpu.memref_slice %arg15[%add3A_288, %mul3A_183] : memref<32x8192xf32, #tpu.memory_space<hbm>> -> memref<1x1024xf32, #tpu.memory_space<hbm>>
      %dma_start3A_310 = tpu.memref_squeeze %dma_start3A_309 : memref<1x1024xf32, #tpu.memory_space<hbm>> -> memref<1024xf32, #tpu.memory_space<hbm>>
      %dma_start3A_311 = arith.constant 14336 : i32
      %dma_start3A_312 = tpu.memref_slice %arg9[%dma_start3A_311] : memref<51200xf32, #tpu.memory_space<vmem>> -> memref<1024xf32, #tpu.memory_space<vmem>>
      %dma_start3A_313 = tpu.memref_slice %arg15[%add3A_288, %mul3A_183] : memref<32x8192xf32, #tpu.memory_space<hbm>> -> memref<1x1024xf32, #tpu.memory_space<hbm>>
      %dma_start3A_314 = tpu.memref_squeeze %dma_start3A_313 : memref<1x1024xf32, #tpu.memory_space<hbm>> -> memref<1024xf32, #tpu.memory_space<hbm>>
      tpu.enqueue_dma source(%dma_start3A_314 : memref<1024xf32, #tpu.memory_space<hbm>>) target(%dma_start3A_312 : memref<1024xf32, #tpu.memory_space<vmem>>) target_semaphore(%run_scoped3A : memref<!tpu.dma_semaphore, #tpu.memory_space<semaphore_mem>>)
      %dma_wait3A_315 = arith.constant 14336 : i32
      %dma_wait3A_316 = tpu.memref_slice %arg9[%dma_wait3A_315] : memref<51200xf32, #tpu.memory_space<vmem>> -> memref<1024xf32, #tpu.memory_space<vmem>>
      %dma_wait3A_317 = tpu.memref_slice %arg15[%add3A_288, %mul3A_183] : memref<32x8192xf32, #tpu.memory_space<hbm>> -> memref<1x1024xf32, #tpu.memory_space<hbm>>
      %dma_wait3A_318 = tpu.memref_squeeze %dma_wait3A_317 : memref<1x1024xf32, #tpu.memory_space<hbm>> -> memref<1024xf32, #tpu.memory_space<hbm>>
      %dma_wait3A_319 = arith.constant 14336 : i32
      %dma_wait3A_320 = tpu.memref_slice %arg9[%dma_wait3A_319] : memref<51200xf32, #tpu.memory_space<vmem>> -> memref<1024xf32, #tpu.memory_space<vmem>>
      %dma_wait3A_321 = tpu.memref_slice %arg15[%add3A_288, %mul3A_183] : memref<32x8192xf32, #tpu.memory_space<hbm>> -> memref<1x1024xf32, #tpu.memory_space<hbm>>
      %dma_wait3A_322 = tpu.memref_squeeze %dma_wait3A_321 : memref<1x1024xf32, #tpu.memory_space<hbm>> -> memref<1024xf32, #tpu.memory_space<hbm>>
      tpu.wait_dma2 semaphore(%run_scoped3A : memref<!tpu.dma_semaphore, #tpu.memory_space<semaphore_mem>>) src(%dma_wait3A_322 : memref<1024xf32, #tpu.memory_space<hbm>>) dst(%dma_wait3A_320 : memref<1024xf32, #tpu.memory_space<vmem>>)
      tpu.yield
    }) : () -> ()
    %mul3A_289 = arith.constant 16 : i32
    %mul3A_290 = arith.muli %arg0, %mul3A_289 : i32
    %mul3A_291 = arith.constant 8 : i32
    %mul3A_292 = arith.muli %select_n3A_179, %mul3A_291 : i32
    %add3A_293 = arith.addi %mul3A_290, %mul3A_292 : i32
    %add3A_294 = arith.constant 7 : i32
    %add3A_295 = arith.addi %add3A_293, %add3A_294 : i32
    "tpu.region"() ({
      %run_scoped3A = tpu.sem_alloc : memref<!tpu.dma_semaphore, #tpu.memory_space<semaphore_mem>>
      %dma_start3A_307 = arith.constant 15360 : i32
      %dma_start3A_308 = tpu.memref_slice %arg9[%dma_start3A_307] : memref<51200xf32, #tpu.memory_space<vmem>> -> memref<1024xf32, #tpu.memory_space<vmem>>
      %dma_start3A_309 = tpu.memref_slice %arg15[%add3A_295, %mul3A_183] : memref<32x8192xf32, #tpu.memory_space<hbm>> -> memref<1x1024xf32, #tpu.memory_space<hbm>>
      %dma_start3A_310 = tpu.memref_squeeze %dma_start3A_309 : memref<1x1024xf32, #tpu.memory_space<hbm>> -> memref<1024xf32, #tpu.memory_space<hbm>>
      %dma_start3A_311 = arith.constant 15360 : i32
      %dma_start3A_312 = tpu.memref_slice %arg9[%dma_start3A_311] : memref<51200xf32, #tpu.memory_space<vmem>> -> memref<1024xf32, #tpu.memory_space<vmem>>
      %dma_start3A_313 = tpu.memref_slice %arg15[%add3A_295, %mul3A_183] : memref<32x8192xf32, #tpu.memory_space<hbm>> -> memref<1x1024xf32, #tpu.memory_space<hbm>>
      %dma_start3A_314 = tpu.memref_squeeze %dma_start3A_313 : memref<1x1024xf32, #tpu.memory_space<hbm>> -> memref<1024xf32, #tpu.memory_space<hbm>>
      tpu.enqueue_dma source(%dma_start3A_314 : memref<1024xf32, #tpu.memory_space<hbm>>) target(%dma_start3A_312 : memref<1024xf32, #tpu.memory_space<vmem>>) target_semaphore(%run_scoped3A : memref<!tpu.dma_semaphore, #tpu.memory_space<semaphore_mem>>)
      %dma_wait3A_315 = arith.constant 15360 : i32
      %dma_wait3A_316 = tpu.memref_slice %arg9[%dma_wait3A_315] : memref<51200xf32, #tpu.memory_space<vmem>> -> memref<1024xf32, #tpu.memory_space<vmem>>
      %dma_wait3A_317 = tpu.memref_slice %arg15[%add3A_295, %mul3A_183] : memref<32x8192xf32, #tpu.memory_space<hbm>> -> memref<1x1024xf32, #tpu.memory_space<hbm>>
      %dma_wait3A_318 = tpu.memref_squeeze %dma_wait3A_317 : memref<1x1024xf32, #tpu.memory_space<hbm>> -> memref<1024xf32, #tpu.memory_space<hbm>>
      %dma_wait3A_319 = arith.constant 15360 : i32
      %dma_wait3A_320 = tpu.memref_slice %arg9[%dma_wait3A_319] : memref<51200xf32, #tpu.memory_space<vmem>> -> memref<1024xf32, #tpu.memory_space<vmem>>
      %dma_wait3A_321 = tpu.memref_slice %arg15[%add3A_295, %mul3A_183] : memref<32x8192xf32, #tpu.memory_space<hbm>> -> memref<1x1024xf32, #tpu.memory_space<hbm>>
      %dma_wait3A_322 = tpu.memref_squeeze %dma_wait3A_321 : memref<1x1024xf32, #tpu.memory_space<hbm>> -> memref<1024xf32, #tpu.memory_space<hbm>>
      tpu.wait_dma2 semaphore(%run_scoped3A : memref<!tpu.dma_semaphore, #tpu.memory_space<semaphore_mem>>) src(%dma_wait3A_322 : memref<1024xf32, #tpu.memory_space<hbm>>) dst(%dma_wait3A_320 : memref<1024xf32, #tpu.memory_space<vmem>>)
      tpu.yield
    }) : () -> ()
    %get3A = arith.constant 0 : index
    %get3A_296 = tpu.vector_load %arg14[%get3A] {strides = array<i32>} : memref<16xf32, #tpu.memory_space<vmem>>, vector<16xf32>,
    %slice3A = vector.extract_strided_slice %get3A_296 {offsets = [0], sizes = [1], strides = [1]} : vector<16xf32> to vector<1xf32>
    %squeeze3A = vector.extract %slice3A[0] : f32 from vector<1xf32>
    %eq3A = arith.constant 0 : i32
    %eq3A_297 = arith.cmpi eq, %arg0, %eq3A : i32
    %jit3A_298 = arith.constant 0.000000e+00 : f32
    %select_n3A_299 = arith.select %eq3A_297, %squeeze3A, %jit3A_298 : f32
    %scan3A_300 = arith.constant 0 : i32
    %scan3A_301 = arith.constant 5.000000e-01 : f32
    %scan3A_302 = arith.constant 0 : i32
    %scan3A_303 = arith.constant 64 : i32
    %scan3A_304 = arith.addi %scan3A_302, %scan3A_303 : i32
    %scan3A_305 = arith.constant 1 : i32
    scf.for %scan3A_307 = %scan3A_302 to %scan3A_304 step %scan3A_305  : i32 {
      %broadcast_in_dim3A = vector.broadcast %select_n3A_299 : f32 to vector<16xf32>
      %mul3A_308 = arith.constant 16 : i32
      %mul3A_309 = arith.muli %scan3A_307, %mul3A_308 : i32
      %add3A_310 = arith.constant 0 : i32
      %add3A_311 = arith.addi %add3A_310, %mul3A_309 : i32
      %get3A_312 = arith.index_cast %add3A_311 : i32 to index
      %get3A_313 = tpu.vector_load %arg9[%get3A_312] {strides = array<i32>} : memref<51200xf32, #tpu.memory_space<vmem>>, vector<16xf32>,
      %add3A_314 = arith.addf %broadcast_in_dim3A, %get3A_313 : vector<16xf32>
      %mul3A_315 = arith.constant 16 : i32
      %mul3A_316 = arith.muli %scan3A_307, %mul3A_315 : i32
      %add3A_317 = arith.constant 1024 : i32
      %add3A_318 = arith.addi %add3A_317, %mul3A_316 : i32
      %get3A_319 = arith.index_cast %add3A_318 : i32 to index
      %get3A_320 = tpu.vector_load %arg9[%get3A_319] {strides = array<i32>} : memref<51200xf32, #tpu.memory_space<vmem>>, vector<16xf32>,
      %add3A_321 = arith.addf %add3A_314, %get3A_320 : vector<16xf32>
      %mul3A_322 = arith.constant 16 : i32
      %mul3A_323 = arith.muli %scan3A_307, %mul3A_322 : i32
      %add3A_324 = arith.constant 2048 : i32
      %add3A_325 = arith.addi %add3A_324, %mul3A_323 : i32
      %get3A_326 = arith.index_cast %add3A_325 : i32 to index
      %get3A_327 = tpu.vector_load %arg9[%get3A_326] {strides = array<i32>} : memref<51200xf32, #tpu.memory_space<vmem>>, vector<16xf32>,
      %add3A_328 = arith.addf %add3A_321, %get3A_327 : vector<16xf32>
      %mul3A_329 = arith.constant 16 : i32
      %mul3A_330 = arith.muli %scan3A_307, %mul3A_329 : i32
      %add3A_331 = arith.constant 3072 : i32
      %add3A_332 = arith.addi %add3A_331, %mul3A_330 : i32
      %get3A_333 = arith.index_cast %add3A_332 : i32 to index
      %get3A_334 = tpu.vector_load %arg9[%get3A_333] {strides = array<i32>} : memref<51200xf32, #tpu.memory_space<vmem>>, vector<16xf32>,
      %add3A_335 = arith.addf %add3A_328, %get3A_334 : vector<16xf32>
      %mul3A_336 = arith.constant 16 : i32
      %mul3A_337 = arith.muli %scan3A_307, %mul3A_336 : i32
      %add3A_338 = arith.constant 4096 : i32
      %add3A_339 = arith.addi %add3A_338, %mul3A_337 : i32
      %get3A_340 = arith.index_cast %add3A_339 : i32 to index
      %get3A_341 = tpu.vector_load %arg9[%get3A_340] {strides = array<i32>} : memref<51200xf32, #tpu.memory_space<vmem>>, vector<16xf32>,
      %add3A_342 = arith.addf %add3A_335, %get3A_341 : vector<16xf32>
      %mul3A_343 = arith.constant 16 : i32
      %mul3A_344 = arith.muli %scan3A_307, %mul3A_343 : i32
      %add3A_345 = arith.constant 5120 : i32
      %add3A_346 = arith.addi %add3A_345, %mul3A_344 : i32
      %get3A_347 = arith.index_cast %add3A_346 : i32 to index
      %get3A_348 = tpu.vector_load %arg9[%get3A_347] {strides = array<i32>} : memref<51200xf32, #tpu.memory_space<vmem>>, vector<16xf32>,
      %add3A_349 = arith.addf %add3A_342, %get3A_348 : vector<16xf32>
      %mul3A_350 = arith.constant 16 : i32
      %mul3A_351 = arith.muli %scan3A_307, %mul3A_350 : i32
      %add3A_352 = arith.constant 6144 : i32
      %add3A_353 = arith.addi %add3A_352, %mul3A_351 : i32
      %get3A_354 = arith.index_cast %add3A_353 : i32 to index
      %get3A_355 = tpu.vector_load %arg9[%get3A_354] {strides = array<i32>} : memref<51200xf32, #tpu.memory_space<vmem>>, vector<16xf32>,
      %add3A_356 = arith.addf %add3A_349, %get3A_355 : vector<16xf32>
      %mul3A_357 = arith.constant 16 : i32
      %mul3A_358 = arith.muli %scan3A_307, %mul3A_357 : i32
      %add3A_359 = arith.constant 7168 : i32
      %add3A_360 = arith.addi %add3A_359, %mul3A_358 : i32
      %get3A_361 = arith.index_cast %add3A_360 : i32 to index
      %get3A_362 = tpu.vector_load %arg9[%get3A_361] {strides = array<i32>} : memref<51200xf32, #tpu.memory_space<vmem>>, vector<16xf32>,
      %add3A_363 = arith.addf %add3A_356, %get3A_362 : vector<16xf32>
      %mul3A_364 = arith.constant 16 : i32
      %mul3A_365 = arith.muli %scan3A_307, %mul3A_364 : i32
      %add3A_366 = arith.constant 8192 : i32
      %add3A_367 = arith.addi %add3A_366, %mul3A_365 : i32
      %get3A_368 = arith.index_cast %add3A_367 : i32 to index
      %get3A_369 = tpu.vector_load %arg9[%get3A_368] {strides = array<i32>} : memref<51200xf32, #tpu.memory_space<vmem>>, vector<16xf32>,
      %mul3A_370 = arith.mulf %get3A_369, %get3A_369 : vector<16xf32>
      %mul3A_371 = vector.broadcast %scan3A_301 : f32 to vector<16xf32>
      %mul3A_372 = arith.mulf %mul3A_371, %mul3A_370 : vector<16xf32>
      %add3A_373 = arith.addf %add3A_363, %mul3A_372 : vector<16xf32>
      %mul3A_374 = arith.constant 16 : i32
      %mul3A_375 = arith.muli %scan3A_307, %mul3A_374 : i32
      %add3A_376 = arith.constant 9216 : i32
      %add3A_377 = arith.addi %add3A_376, %mul3A_375 : i32
      %get3A_378 = arith.index_cast %add3A_377 : i32 to index
      %get3A_379 = tpu.vector_load %arg9[%get3A_378] {strides = array<i32>} : memref<51200xf32, #tpu.memory_space<vmem>>, vector<16xf32>,
      %mul3A_380 = arith.mulf %get3A_379, %get3A_379 : vector<16xf32>
      %mul3A_381 = vector.broadcast %scan3A_301 : f32 to vector<16xf32>
      %mul3A_382 = arith.mulf %mul3A_381, %mul3A_380 : vector<16xf32>
      %add3A_383 = arith.addf %add3A_373, %mul3A_382 : vector<16xf32>
      %mul3A_384 = arith.constant 16 : i32
      %mul3A_385 = arith.muli %scan3A_307, %mul3A_384 : i32
      %add3A_386 = arith.constant 10240 : i32
      %add3A_387 = arith.addi %add3A_386, %mul3A_385 : i32
      %get3A_388 = arith.index_cast %add3A_387 : i32 to index
      %get3A_389 = tpu.vector_load %arg9[%get3A_388] {strides = array<i32>} : memref<51200xf32, #tpu.memory_space<vmem>>, vector<16xf32>,
      %mul3A_390 = arith.mulf %get3A_389, %get3A_389 : vector<16xf32>
      %mul3A_391 = vector.broadcast %scan3A_301 : f32 to vector<16xf32>
      %mul3A_392 = arith.mulf %mul3A_391, %mul3A_390 : vector<16xf32>
      %add3A_393 = arith.addf %add3A_383, %mul3A_392 : vector<16xf32>
      %mul3A_394 = arith.constant 16 : i32
      %mul3A_395 = arith.muli %scan3A_307, %mul3A_394 : i32
      %add3A_396 = arith.constant 11264 : i32
      %add3A_397 = arith.addi %add3A_396, %mul3A_395 : i32
      %get3A_398 = arith.index_cast %add3A_397 : i32 to index
      %get3A_399 = tpu.vector_load %arg9[%get3A_398] {strides = array<i32>} : memref<51200xf32, #tpu.memory_space<vmem>>, vector<16xf32>,
      %mul3A_400 = arith.mulf %get3A_399, %get3A_399 : vector<16xf32>
      %mul3A_401 = vector.broadcast %scan3A_301 : f32 to vector<16xf32>
      %mul3A_402 = arith.mulf %mul3A_401, %mul3A_400 : vector<16xf32>
      %add3A_403 = arith.addf %add3A_393, %mul3A_402 : vector<16xf32>
      %mul3A_404 = arith.constant 16 : i32
      %mul3A_405 = arith.muli %scan3A_307, %mul3A_404 : i32
      %add3A_406 = arith.constant 12288 : i32
      %add3A_407 = arith.addi %add3A_406, %mul3A_405 : i32
      %get3A_408 = arith.index_cast %add3A_407 : i32 to index
      %get3A_409 = tpu.vector_load %arg9[%get3A_408] {strides = array<i32>} : memref<51200xf32, #tpu.memory_space<vmem>>, vector<16xf32>,
      %mul3A_410 = arith.mulf %get3A_409, %get3A_409 : vector<16xf32>
      %mul3A_411 = vector.broadcast %scan3A_301 : f32 to vector<16xf32>
      %mul3A_412 = arith.mulf %mul3A_411, %mul3A_410 : vector<16xf32>
      %add3A_413 = arith.addf %add3A_403, %mul3A_412 : vector<16xf32>
      %mul3A_414 = arith.constant 16 : i32
      %mul3A_415 = arith.muli %scan3A_307, %mul3A_414 : i32
      %add3A_416 = arith.constant 13312 : i32
      %add3A_417 = arith.addi %add3A_416, %mul3A_415 : i32
      %get3A_418 = arith.index_cast %add3A_417 : i32 to index
      %get3A_419 = tpu.vector_load %arg9[%get3A_418] {strides = array<i32>} : memref<51200xf32, #tpu.memory_space<vmem>>, vector<16xf32>,
      %mul3A_420 = arith.mulf %get3A_419, %get3A_419 : vector<16xf32>
      %mul3A_421 = vector.broadcast %scan3A_301 : f32 to vector<16xf32>
      %mul3A_422 = arith.mulf %mul3A_421, %mul3A_420 : vector<16xf32>
      %add3A_423 = arith.addf %add3A_413, %mul3A_422 : vector<16xf32>
      %mul3A_424 = arith.constant 16 : i32
      %mul3A_425 = arith.muli %scan3A_307, %mul3A_424 : i32
      %add3A_426 = arith.constant 14336 : i32
      %add3A_427 = arith.addi %add3A_426, %mul3A_425 : i32
      %get3A_428 = arith.index_cast %add3A_427 : i32 to index
      %get3A_429 = tpu.vector_load %arg9[%get3A_428] {strides = array<i32>} : memref<51200xf32, #tpu.memory_space<vmem>>, vector<16xf32>,
      %mul3A_430 = arith.mulf %get3A_429, %get3A_429 : vector<16xf32>
      %mul3A_431 = vector.broadcast %scan3A_301 : f32 to vector<16xf32>
      %mul3A_432 = arith.mulf %mul3A_431, %mul3A_430 : vector<16xf32>
      %add3A_433 = arith.addf %add3A_423, %mul3A_432 : vector<16xf32>
      %mul3A_434 = arith.constant 16 : i32
      %mul3A_435 = arith.muli %scan3A_307, %mul3A_434 : i32
      %add3A_436 = arith.constant 15360 : i32
      %add3A_437 = arith.addi %add3A_436, %mul3A_435 : i32
      %get3A_438 = arith.index_cast %add3A_437 : i32 to index
      %get3A_439 = tpu.vector_load %arg9[%get3A_438] {strides = array<i32>} : memref<51200xf32, #tpu.memory_space<vmem>>, vector<16xf32>,
      %mul3A_440 = arith.mulf %get3A_439, %get3A_439 : vector<16xf32>
      %mul3A_441 = vector.broadcast %scan3A_301 : f32 to vector<16xf32>
      %mul3A_442 = arith.mulf %mul3A_441, %mul3A_440 : vector<16xf32>
      %add3A_443 = arith.addf %add3A_433, %mul3A_442 : vector<16xf32>
      %mul3A_444 = arith.constant 16 : i32
      %mul3A_445 = arith.muli %scan3A_307, %mul3A_444 : i32
      %swap3A = arith.index_cast %mul3A_445 : i32 to index
      %swap3A_446 = tpu.vector_load %arg13[%swap3A] {strides = array<i32>} : memref<1024xf32, #tpu.memory_space<vmem>>, vector<16xf32>,
      tpu.vector_store %arg13[%swap3A], %add3A_443 {strides = array<i32>} : memref<1024xf32, #tpu.memory_space<vmem>>, vector<16xf32>,
    }
    %scan3A_306 = arith.constant 64 : i32
    "tpu.region"() ({
      %run_scoped3A = tpu.sem_alloc : memref<!tpu.dma_semaphore, #tpu.memory_space<semaphore_mem>>
      %dma_start3A_307 = tpu.memref_slice %arg6[%arg0, %mul3A_155] : memref<2x16384xf32, #tpu.memory_space<hbm>> -> memref<1x1024xf32, #tpu.memory_space<hbm>>
      %dma_start3A_308 = tpu.memref_squeeze %dma_start3A_307 : memref<1x1024xf32, #tpu.memory_space<hbm>> -> memref<1024xf32, #tpu.memory_space<hbm>>
      %dma_start3A_309 = tpu.memref_slice %arg6[%arg0, %mul3A_155] : memref<2x16384xf32, #tpu.memory_space<hbm>> -> memref<1x1024xf32, #tpu.memory_space<hbm>>
      %dma_start3A_310 = tpu.memref_squeeze %dma_start3A_309 : memref<1x1024xf32, #tpu.memory_space<hbm>> -> memref<1024xf32, #tpu.memory_space<hbm>>
      tpu.enqueue_dma source(%arg13 : memref<1024xf32, #tpu.memory_space<vmem>>) target(%dma_start3A_310 : memref<1024xf32, #tpu.memory_space<hbm>>) target_semaphore(%run_scoped3A : memref<!tpu.dma_semaphore, #tpu.memory_space<semaphore_mem>>)
      %dma_wait3A_311 = tpu.memref_slice %arg6[%arg0, %mul3A_155] : memref<2x16384xf32, #tpu.memory_space<hbm>> -> memref<1x1024xf32, #tpu.memory_space<hbm>>
      %dma_wait3A_312 = tpu.memref_squeeze %dma_wait3A_311 : memref<1x1024xf32, #tpu.memory_space<hbm>> -> memref<1024xf32, #tpu.memory_space<hbm>>
      %dma_wait3A_313 = tpu.memref_slice %arg6[%arg0, %mul3A_155] : memref<2x16384xf32, #tpu.memory_space<hbm>> -> memref<1x1024xf32, #tpu.memory_space<hbm>>
      %dma_wait3A_314 = tpu.memref_squeeze %dma_wait3A_313 : memref<1x1024xf32, #tpu.memory_space<hbm>> -> memref<1024xf32, #tpu.memory_space<hbm>>
      tpu.wait_dma2 semaphore(%run_scoped3A : memref<!tpu.dma_semaphore, #tpu.memory_space<semaphore_mem>>) src(%arg13 : memref<1024xf32, #tpu.memory_space<vmem>>) dst(%dma_wait3A_314 : memref<1024xf32, #tpu.memory_space<hbm>>)
      tpu.yield
    }) : () -> ()
    return
  }
}

</mosaic_0001>

<sc_bundles>
// kernel: kernel.3.cloned.1.call-start
scs
__scs_entry_jumppad:
0x0: {  	(pc) =	sbr.rel $0x88, $3  }
0x1: {  	(tag) =	ssettag $0x0;
	lr =	simm.s32 $0x1  }
0x2: {  	[smem:$0x3F9D] =	sst lr;
	_ =	strace $0xD0000000  }
0x3: {  	_ = 	snop  }
0x4: {  	_ = 	snop  }
0x5: {  	_ = 	snop  }
0x6: {  	_ = 	snop  }
0x7: {  	_ = 	snop  }
__scs_overlays_trampoline_lowered:
0x8: {  	[smem:$0x3FAC] =	sst s0  }
0x9: {  	[smem:$0x3FAD] =	sst s1  }
0xa: {  	[smem:$0x3FAE] =	sst s2  }
0xb: {  	[smem:$0x3FAF] =	sst s3  }
0xc: {  	[smem:$0x3FB0] =	sst s4  }
0xd: {  	[smem:$0x3FB1] =	sst s5  }
0xe: {  	[smem:$0x3FB2] =	sst s6  }
0xf: {  	[smem:$0x3FB3] =	sst s7  }
0x10: {  	[smem:$0x3FB4] =	sst s8  }
0x11: {  	[smem:$0x3FB5] =	sst s9;
	s0 =	simm.s32 @!p0 $0x0  }
0x12: {  	s1 =	sld [smem:$0x3F9B];
	s0 =	simm.s32 @p0 $0x1  }
0x13: {  	[smem:$0x3FB6] =	sst s0;
	s0 =	simm.s32 @!p1 $0x0  }
0x14: {  	s2 =	sld [smem:$0x3F9A];
	s0 =	simm.s32 @p1 $0x1  }
0x15: {  	[smem:$0x3FB7] =	sst s0;
	s0 =	simm.s32 @!p2 $0x0  }
0x16: {  	s3 =	sld [smem:$0x3FDB];
	s0 =	simm.s32 @p2 $0x1  }
0x17: {  	s4 =	simm.s32 $0x1BF5;
	[smem:$0x3FB9] =	sst s0  }
0x18: {  	s0 =	sld [smem:$0x3F9C];
	_ =	swait.ge [sflag:s4], $0x0  }
0x19: {  	s7 =	sld [smem:$0x3F9D]  }
0x1a: {  	s8 =	sadd.s32 $0xFFFFE003, lr  }
0x1b: {  	s9 =	sadd.s32 $0xFFFFFEF7, lr;
	s5 =	simm.s32 $0xFFFFFFFF;
	p2 =	slt.u32 s8, $0xFFFFF086  }
0x1c: {  	p1 =	slt.u32 s9, $0xF7A;
	s5 =	simm.s32 @!p2 $0x0  }
0x1d: {  	s5 =	simm.s32 @p1 $0x1;
	p0 =	seq.s32 s7, s2  }
0x1e: {  	s7 =	smul.u32 @!p0 $0xF7A, s2;
	p2 =	seq.s32 @!p0 s5, $0x0  }
0x1f: {  	s9 =	smul.u32 $0xF7A, s1;
	s8 =	simm.s32 @!p0 $0x1BF5;
	p2 =	por !p2, p0  }
0x20: {  	[sflag:s8] =	ssyncset.s32 @!p0 $0xFFFFF086;
	s6 =	sadd.s32 @!p0 s3, s7;
	s7 =	simm.s32 @!p0 $0x108  }
0x21: {  	s3 =	sadd.s32 s3, s9;
	s6 =	sadd.s32 @!p0 $0x88, s6;
	s7 =	simm.s32 @p2 $0x1082  }
0x22: {  	[simem:s7], [sflag:s8] =	dma.local @!p0 [hbm:s6], $0xF7A  }
0x23: {  	s9 =	sor.u32 $0xD0000000, s2;
	s6 =	simm.s32 $0x108;
	_ =	swait.ge @!p0 [sflag:s8], $0x0  }
0x24: {  	s3 =	sadd.s32 $0x88, s3;
	s6 =	simm.s32 @!p1 $0x1082;
	[sflag:s4] =	ssyncset.s32 $0xFFFFF086  }
0x25: {  	[simem:s6], [sflag:s4] =	dma.local [hbm:s3], $0xF7A  }
0x26: {  	[smem:$0x3F9D] =	sst s1;
	(tag) =	ssettag s2;
	_ =	strace s9  }
0x27: {  	s1 =	sld [smem:$0x3FAD]  }
0x28: {  	s2 =	sld [smem:$0x3FAE]  }
0x29: {  	s4 =	sld [smem:$0x3FB0]  }
0x2a: {  	p0 =	seq.s32 s5, $0x0;
	s5 =	sld [smem:$0x3FB1]  }
0x2b: {  	s6 =	sld [smem:$0x3FB2]  }
0x2c: {  	s7 =	sld [smem:$0x3FB3]  }
0x2d: {  	s3 =	simm.s32 $0x108;
	s8 =	sld [smem:$0x3FB4]  }
0x2e: {  	s3 =	simm.s32 @!p0 $0x1082;
	s9 =	sld [smem:$0x3FB5]  }
0x2f: {  	lr =	sadd.s32 s0, s3;
	s0 =	sld [smem:$0x3FAC]  }
0x30: {  	s3 =	sld [smem:$0x3FAF]  }
0x31: {  	[smem:$0x3FB8] =	sst s10  }
0x32: {  	s10 =	sld [smem:$0x3FB6];
	_ =	sdelay $0x3  }
0x33: {  	p0 =	seq.s32 s10, $0x1;
	s10 =	sld [smem:$0x3FB8];
	_ =	sdelay $0x3  }
0x34: {  	[smem:$0x3FB8] =	sst s10  }
0x35: {  	s10 =	sld [smem:$0x3FB7];
	_ =	sdelay $0x3  }
0x36: {  	p1 =	seq.s32 s10, $0x1;
	s10 =	sld [smem:$0x3FB8];
	_ =	sdelay $0x3  }
0x37: {  	[smem:$0x3FB8] =	sst s10  }
0x38: {  	s10 =	sld [smem:$0x3FB9]  }
0x39: {  	_ = 	snop;
	(pc) =	sbr.ind lr, $3  }
0x3a: {  	_ = 	snop  }
0x3b: {  	_ = 	snop  }
0x3c: {  	p2 =	seq.s32 s10, $0x1;
	s10 =	sld [smem:$0x3FB8]  }
0x3d: {  	_ =	shalt  }
0x3e: {  	_ =	shalt  }
0x3f: {  	_ =	shalt  }
0x40: {  	_ =	shalt  }
0x41: {  	_ =	shalt  }
0x42: {  	_ =	shalt  }
0x43: {  	_ =	shalt  }
0x44: {  	_ =	shalt  }
0x45: {  	_ =	shalt  }
0x46: {  	_ =	shalt  }
0x47: {  	_ =	shalt  }
0x48: {  	_ =	shalt  }
0x49: {  	_ =	shalt  }
0x4a: {  	_ =	shalt  }
0x4b: {  	_ =	shalt  }
0x4c: {  	_ =	shalt  }
0x4d: {  	_ =	shalt  }
0x4e: {  	_ =	shalt  }
0x4f: {  	_ =	shalt  }
0x50: {  	_ =	shalt  }
0x51: {  	_ =	shalt  }
0x52: {  	_ =	shalt  }
0x53: {  	_ =	shalt  }
0x54: {  	_ =	shalt  }
0x55: {  	_ =	shalt  }
0x56: {  	_ =	shalt  }
0x57: {  	_ =	shalt  }
0x58: {  	_ =	shalt  }
0x59: {  	_ =	shalt  }
0x5a: {  	_ =	shalt  }
0x5b: {  	_ =	shalt  }
0x5c: {  	_ =	shalt  }
0x5d: {  	_ =	shalt  }
0x5e: {  	_ =	shalt  }
0x5f: {  	_ =	shalt  }
0x60: {  	_ =	shalt  }
0x61: {  	_ =	shalt  }
0x62: {  	_ =	shalt  }
0x63: {  	_ =	shalt  }
0x64: {  	_ =	shalt  }
0x65: {  	_ =	shalt  }
0x66: {  	_ =	shalt  }
0x67: {  	_ =	shalt  }
0x68: {  	_ =	shalt  }
0x69: {  	_ =	shalt  }
0x6a: {  	_ =	shalt  }
0x6b: {  	_ =	shalt  }
0x6c: {  	_ =	shalt  }
0x6d: {  	_ =	shalt  }
0x6e: {  	_ =	shalt  }
0x6f: {  	_ =	shalt  }
0x70: {  	_ =	shalt  }
0x71: {  	_ =	shalt  }
0x72: {  	_ =	shalt  }
0x73: {  	_ =	shalt  }
0x74: {  	_ =	shalt  }
0x75: {  	_ =	shalt  }
0x76: {  	_ =	shalt  }
0x77: {  	_ =	shalt  }
0x78: {  	_ =	shalt  }
0x79: {  	_ =	shalt  }
0x7a: {  	_ =	shalt  }
0x7b: {  	_ =	shalt  }
0x7c: {  	_ =	shalt  }
0x7d: {  	_ =	shalt  }
0x7e: {  	_ =	shalt  }
0x7f: {  	_ =	shalt  }
0x80: {  	_ =	shalt  }
0x81: {  	_ =	shalt  }
0x82: {  	_ =	shalt  }
0x83: {  	_ =	shalt  }
0x84: {  	_ =	shalt  }
0x85: {  	_ =	shalt  }
0x86: {  	_ =	shalt  }
0x87: {  	_ =	shalt  }
.Lfunc_end0:
.L_simem_size_0:
called_computation_lowered:
.L_overlay_start_0:
0x88: {  	s2 =	sld [smem:$0x3FD9]  }
0x89: {  	s3 =	sld [smem:$0x3FFE];
	_ =	sdelay $0x1  }
0x8a: {  	s1 =	srdreg.scid  }
0x8b: {  	s0 =	sand.u32 $0x1, s1  }
0x8c: {  	s17 =	sshll.u32 s0, $0xA;
	s2 =	sadd.s32 s3, s2  }
0x8d: {  	s3 =	sadd.s32 s2, s17  }
0x8e: {  	[smem:$0x3FC4] =	sst s3  }
0x8f: {  	_ = 	snop  }
0x90: {  	s3 =	sld [smem:$0x3FC8]  }
0x91: {  	s4 =	sld [smem:$0x3FC6];
	(tm) =	ssettm $0x1  }
0x92: {  	s5 =	sld [smem:$0x3FFB];
	_ =	sdelay $0x3  }
0x93: {  	_ =	strace s5  }
0x94: {  	s5 =	sld [smem:$0x3FFC];
	_ =	sdelay $0x3  }
0x95: {  	_ =	strace s5  }
0x96: {  	s5 =	sld [smem:$0x3FFD];
	_ =	sdelay $0x3  }
0x97: {  	_ =	strace s5  }
0x98: {  	_ =	strace $0x8FFFFFFF  }
0x99: {  	s18 =	sld [smem:$0x3FDB];
	_ =	sdelay $0x1  }
0x9a: {  	s6 =	simm.s32 $_scs_section_size  }
0x9b: {  	s7 =	simm.s32 $_size__tile_overlayer_lowered;
	s8 =	simm.s32 $_tile_overlayer_lowered  }
0x9c: {  	s21 =	simm.s32 $0x1BFF;
	s20 =	sshll.u32 s8, $0x1;
	s5 =	sadd.s32 s6, s18  }
0x9d: {  	s9 =	simm.s32 $0x0;
	s19 =	sshll.u32 s7, $0x1;
	s7 =	sadd.s32 s20, s5  }
0x9e: {  	[timem:s9], [sflag:s21] =	dma.local [hbm:s7], s19  }
0x9f: {  	_ =	swait.ge [sflag:s21], s19  }
0xa0: {  	s6 =	ssub.s32 $0x0, s19;
	[sflag:s21] =	ssyncset.done $0x0  }
0xa1: {  	[sflag:s21] =	ssyncadd.s32 s6;
	_ =	sdelay $0x1  }
0xa2: {  	s22 =	simm.s32 $0x1B8B  }
0xa3: {  	_ =	swait.ge [sflag:s22], $0x1  }
0xa4: {  	[sflag:s22] =	ssyncset.done $0x0  }
0xa5: {  	s24 =	simm.s32 $0x1B8E;
	s23 =	sld [smem:$0x3FFE];
	[sflag:s22] =	ssyncadd.s32 $0xFFFFFFFF  }
0xa6: {  	s25 =	simm.s32 $execute0_lowered;
	[smem:$0x3FD2] =	sst s24  }
0xa7: {  	s7 =	sshll.u32 s25, $0x1;
	_ =	strace $0x80000046;
	[dreg:$0x1] =	wrdreg $0xFFFFFFFF  }
0xa8: {  	s26 =	simm.s32 $_size_execute0_lowered;
	s5 =	sadd.s32 s5, s7;
	[dreg:$0x0] =	wrdreg $0x0  }
0xa9: {  	s7 =	sshll.u32 s26, $0x1;
	[dreg:$0x2] =	wrdreg s5  }
0xaa: {  	[dreg:$0x3] =	wrdreg s7  }
0xab: {  	[dreg:$0x4] =	wrdreg $0xC0  }
0xac: {  	_ =	task [dreg:s9], $0x5FFFF  }
0xad: {  	[dreg:$0x1] =	wrdreg $0xFFFFFFFF  }
0xae: {  	[dreg:$0x0] =	wrdreg $0x60  }
0xaf: {  	[dreg:$0x2] =	wrdreg s23  }
0xb0: {  	[dreg:$0x3] =	wrdreg s3  }
0xb1: {  	[dreg:$0x4] =	wrdreg s4  }
0xb2: {  	[dreg:$0x5] =	wrdreg $0x0  }
0xb3: {  	s28 =	sadd.s32 $0x800, s2;
	[dreg:$0x6] =	wrdreg $0x64000  }
0xb4: {  	s2 =	sadd.s32 $0x8800, s2;
	[dreg:$0x7] =	wrdreg s28  }
0xb5: {  	[dreg:$0x8] =	wrdreg s2  }
0xb6: {  	[dreg:$0x9] =	wrdreg $0x9  }
0xb7: {  	_ =	task.clear_ibuf [dreg:s9], $0xAFFFF;
	_ =	strace $0x90000046  }
0xb8: {  	s29 =	simm.s32 $0x9;
	_ =	strace $0x80000048  }
0xb9: {  	_ =	swait.ge [sflag:s29], $0x1  }
0xba: {  	[sflag:s29] =	ssyncadd.s32 $0xFFFFFFFF  }
0xbb: {  	_ =	strace $0x90000048  }
0xbc: {  	_ =	sfence  }
0xbd: {  	s30 =	sld [smem:$0x0];
	_ =	sdelay $0x2  }
0xbe: {  	s31 =	sshll.u32 s1, $0xD;
	s1 =	sshrl.u32 s1, $0x2  }
0xbf: {  	s3 =	sand.u32 $0x4000, s31;
	s1 =	sadd.s32 s1, s30  }
0xc0: {  	s0 =	sor.u32 s3, s0;
	s1 =	sshll.u32 s1, $0x11  }
0xc1: {  	s0 =	sor.u32 s1, s0  }
0xc2: {  	s0 =	sadd.s32 $0x8F2B, s0  }
0xc3: {  	[sflag:s0] =	ssyncadd.remote.s32 $0x1  }
0xc4: {  	_ =	sfence.sel $0xFFFF  }
0xc5: {  	[dreg:$0x0] =	wrdreg $0xFFFFFFFF;
	(pc) =	sbr.abs _section_cstart, $3  }
0xc6: {  	[dreg:$0x1] =	wrdreg $0xFFFFFFFF  }
0xc7: {  	_ =	task.clear_ibuf [dreg:s9], $0x2FFFF;
	_ =	strace $0x9FFFFFFF  }
0xc8: {  	(tm) =	ssettm $0x7FFFFFFF  }
0xc9: {  	_ =	shalt  }
tec
execute0_lowered:
.L_overlay_start_1:
0x0: {  	(tag) =	ssettag $0x1  }
0x1: {  	s0 =	rddreg [dreg:$0x0]  }
0x2: {  	s4 =	rddreg [dreg:$0x2];
	s1 =	srdreg.scid  }
0x3: {  	s5 =	rddreg [dreg:$0x3];
	s23 =	stileid.u32  }
0x4: {  	s6 =	rddreg [dreg:$0x4];
	s2 =	sand.u32 $0x1, s1;
	s7 =	smul.u32 $0x6400, s23  }
0x5: {  	s10 =	sadd.s32 $0xD000, s0;
	s13 =	sand.u32 $0x7, s23;
	s15 =	smul.u32 $0xC80, s23  }
0x6: {  	s22 =	sand.u32 $0x1, s23;
	s24 =	sshll.u32 s23, $0x7;
	s1 =	ssub.s32 $0x2, s2  }
0x7: {  	s8 =	sshll.u32 s2, $0x4;
	s9 =	smul.u32 $0x13D6400, s2;
	s14 =	sshll.u32 s2, $0x3  }
0x8: {  	p2 =	seq.s32 s22, $0x1;
	s19 =	sshrl.u32 s13, $0x1;
	p1 =	seq.s32 s2, $0x0  }
0x9: {  	s3 =	sshrl.u32 s1, $0x1;
	s11 =	sadd.s32 s8, s0;
	s12 =	sor.u32 s23, s8  }
0xa: {  	s14 =	sor.u32 s13, s14;
	s19 =	sor.u32 $0x18, s19;
	s1 =	ssub.s32 s1, s3  }
0xb: {  	s21 =	sadd.s32 s7, s9;
	s9 =	sshrl.u32 s9, $0x3;
	p0 =	seq.s32 s14, $0x0  }
0xc: {  	s16 =	sshrl.u32 s14, $0x1;
	s25 =	smul.u32 $0x186A0, s19;
	s12 =	sshll.u32 s12, $0xA  }
0xd: {  	s3 =	sshrl.u32 s21, $0x3;
	p0 =	por !p0, !p2;
	s18 =	sor.u32 $0x8, s16  }
0xe: {  	s21 =	sor.u32 $0x10, s16;
	s1 =	smax.u32 s1, $0x1;
	s3 =	sadd.s32 s4, s3  }
0xf: {  	s4 =	sadd.s32 s4, s15;
	p0 =	por !p0, !p0;
	s20 =	smul.u32 $0x186A0, s18  }
0x10: {  	s15 =	simm.s32 $0x1;
	s22 =	smul.u32 $0x186A0, s21;
	[dreg:$0x8] =	wrdreg s3  }
0x11: {  	s3 =	sadd.s32 s7, s5;
	s4 =	sadd.s32 s9, s4;
	s9 =	sand.u32 $0x380, s24  }
0x12: {  	s7 =	sadd.s32 s7, s6;
	s15 =	simm.s32 @!p0 $0x0;
	s5 =	sadd.s32 s9, s5  }
0x13: {  	s6 =	sadd.s32 s9, s6;
	s15 =	ssub.s32 s16, s15;
	s9 =	simm.s32 $0xC350  }
0x14: {  	s18 =	sshll.u32 s18, $0xE;
	s17 =	smul.u32 $0x186A0, s15;
	s9 =	simm.s32 @!p2 $0x0  }
0x15: {  	p0 =	sgt.u32 s14, $0x3;
	s16 =	rddreg [dreg:$0x6];
	s20 =	sadd.s32 s9, s20  }
0x16: {  	s28 =	sadd.s32 s9, s25;
	s29 =	sadd.s32 s9, s22;
	s17 =	sadd.s32 s9, s17  }
0x17: {  	s26 =	sshrl.u32 s20, $0x3;
	s20 =	smin.u32 s28, $0x26E440;
	s22 =	sshrl.u32 s29, $0x3  }
0x18: {  	s28 =	sshll.u32 s23, $0x8;
	s17 =	sshrl.u32 s17, $0x3;
	s24 =	sadd.s32 s10, s22  }
0x19: {  	s29 =	sshll.u32 s23, $0xA;
	s17 =	sadd.s32 s10, s17;
	[dreg:$0xb] =	wrdreg s24  }
0x1a: {  	s30 =	sshrl.u32 s20, $0x3;
	[dreg:$0x9] =	wrdreg s17;
	s17 =	sadd.s32 s10, s26  }
0x1b: {  	s10 =	sadd.s32 s10, s30;
	s30 =	sshll.u32 s15, $0xE;
	s15 =	rddreg [dreg:$0x5]  }
0x1c: {  	v0 =	vmov s9;
	s9 =	simm.s32 $0x0;
	s11 =	sadd.s32 s28, s11;
	[dreg:$0xa] =	wrdreg s17  }
0x1d: {  	s26 =	sshll.u32 s23, $0x4;
	s17 =	ssub.s32 s25, s20;
	[dreg:$0xc] =	wrdreg s10  }
0x1e: {  	s25 =	sand.u32 $0x8, s23;
	s10 =	sor.u32 s26, s12;
	s12 =	simm.s32 $0x0  }
0x1f: {  	s23 =	simm.s32 $0xFFFF3CB0;
	s20 =	sshll.u32 s21, $0xE;
	s21 =	sshll.u32 s19, $0xE  }
0x20: {  	s8 =	sor.u32 s25, s8;
	[smem:$0x7FF] =	sst s12;
	s25 =	sand.u32 $0x6070, s10  }
0x21: {  	s26 =	sadd.s32 $0x5C600, s11;
	_ =	strace $0x80000047;
	[dreg:$0x11] =	wrdreg s25  }
0x22: {  	s23 =	simm.s32 @!p2 $0x0;
	s8 =	sor.u32 s13, s8;
	[dreg:$0x12] =	wrdreg s26  }
0x23: {  	s13 =	sand.u32 $0x2000, s29;
	[dreg:$0x13] =	wrdreg s1;
	s25 =	sshrl.u32 s7, $0x3  }
0x24: {  	s26 =	simm.s32 $0x1;
	s1 =	simm.s32 $0x19000;
	s14 =	sor.u32 s13, s30  }
0x25: {  	s7 =	simm.s32 $0x400;
	s2 =	sshrl.u32 s14, $0x3;
	s14 =	sor.u32 s13, s20  }
0x26: {  	s20 =	simm.s32 $0x2;
	s2 =	sadd.s32 s0, s2;
	s14 =	sshrl.u32 s14, $0x3  }
0x27: {  	[dreg:$0xd] =	wrdreg s2;
	s2 =	sor.u32 s13, s18;
	s18 =	sor.u32 s13, s21  }
0x28: {  	s22 =	sadd.s32 s0, s14;
	s2 =	sshrl.u32 s2, $0x3;
	s18 =	sshrl.u32 s18, $0x3  }
0x29: {  	[dreg:$0xf] =	wrdreg s22;
	s22 =	sshll.u32 s8, $0xA;
	s2 =	sadd.s32 s0, s2  }
0x2a: {  	s8 =	simm.s32 $0xC800;
	s24 =	sadd.s32 s0, s18;
	[dreg:$0xe] =	wrdreg s2  }
0x2b: {  	s28 =	sor.u32 $0x10, s22;
	s29 =	sor.u32 $0x20, s22;
	[dreg:$0x10] =	wrdreg s24  }
0x2c: {  	s30 =	sor.u32 $0x30, s22;
	s31 =	sor.u32 $0x40, s22;
	[dreg:$0x14] =	wrdreg s28  }
0x2d: {  	s14 =	sor.u32 $0x50, s22;
	s11 =	sor.u32 $0x60, s22;
	[dreg:$0x15] =	wrdreg s29  }
0x2e: {  	v3 =	vimm.f32 $0.0e+00;
	v2 =	vmov s17;
	v1 =	vmov s23;
	s10 =	sor.u32 $0x70, s22;
	[dreg:$0x16] =	wrdreg s30;
	s2 =	simm.s32 $0x80  }
.LBB2_1:
0x2f: {  	s17 =	rddreg [dreg:$0x1];
	s18 =	simm.s32 $0x1F400  }
0x30: {  	[tilespmem:s18], [sflag:$0x2] =	stream.linear.gather [hbm4b:s17+s12], $0x1, $0x38;
	[tilespmem:$0x1F480] =	vst v63  }
0x31: {  	_ =	swait.ge [sflag:s20], $0x1  }
0x32: {  	[sflag:s20] =	ssyncset.done $0x0  }
0x33: {  	s30 =	simm.s32 $0x1B020;
	[sflag:s20] =	ssyncadd.s32 $0xFFFFFFFF  }
0x34: {  	[tilespmem:s30+$0xFFFFFFF0] =	vst v3  }
0x35: {  	[tilespmem:s30+$0x0] =	vst v3  }
0x36: {  	[tilespmem:s30+$0x10] =	vst v3  }
0x37: {  	s17 =	simm.s32 $0x1D020;
	[tilespmem:s30+$0xFFFFFFE0] =	vst v3  }
0x38: {  	[tilespmem:s17+$0xFFFFFFF0] =	vst v3  }
0x39: {  	[tilespmem:s17+$0x0] =	vst v3  }
0x3a: {  	[tilespmem:s17+$0x10] =	vst v3  }
0x3b: {  	s19 =	simm.s32 $0x1B060;
	s18 =	simm.s32 $0x0;
	[tilespmem:s17+$0xFFFFFFE0] =	vst v3  }
.LBB2_2:
0x3c: {  	[tilespmem:s19+$0xFFFFFFF0] =	vst v3;
	s17 =	sadd.s32 $0x40, s17  }
0x3d: {  	s18 =	sadd.s32 $0x40, s18;
	[tilespmem:s17+$0xFFFFFFF0] =	vst v3  }
0x3e: {  	p2 =	slt.u32 s18, $0x1FC0;
	[tilespmem:s19+$0x0] =	vst v3  }
.Ltmp0:
0x3f: {  	[tilespmem:s17+$0x0] =	vst v3;
	(pc) =	sbr.rel @p2 .LBB2_2-.Ltmp0, $4  }
0x40: {  	[tilespmem:s19+$0x10] =	vst v3  }
0x41: {  	[tilespmem:s17+$0x10] =	vst v3  }
0x42: {  	[tilespmem:s19+$0xFFFFFFE0] =	vst v3  }
0x43: {  	s19 =	sadd.s32 $0x40, s19;
	[tilespmem:s17+$0xFFFFFFE0] =	vst v3  }
0x44: {  	s17 =	stileid.u32  }
0x45: {  	s17 =	sshll.u32 s17, $0x6  }
0x46: {  	s18 =	sshrl.u32 s3, $0x3;
	s19 =	rddreg [dreg:$0x8];
	s17 =	sor.u32 $0x1C01, s17  }
0x47: {  	[spmem:s18], [sflag:s17] =	dma.local [hbm:s19], $0xC80  }
0x48: {  	_ =	swait.ge [sflag:s26], $0xC80  }
0x49: {  	[sflag:s26] =	ssyncset.done $0x0  }
0x4a: {  	[sflag:s26] =	ssyncadd.s32 $0xFFFFF380  }
0x4b: {  	s18 =	simm.s32 $0x0;
	[bflag:$0x0] =	sbarrier.arrive $0xFFFF  }
.LBB2_4:
0x4c: {  	s19 =	smul.u32 $0x186A0, s18;
	_ =	sdelay $0x1  }
0x4d: {  	s21 =	sadd.s32 $0xC340, s19  }
0x4e: {  	s21 =	sand.u32 $0x7FFF80, s21  }
0x4f: {  	s23 =	smin.u32 s21, $0x26E480  }
0x50: {  	s24 =	sshll.u32 s18, $0xE;
	s21 =	sadd.s32 s23, s4  }
0x51: {  	[spmem:s25], [sflag:s17] =	dma.local [hbm:s21], $0xC80  }
0x52: {  	s21 =	sor.u32 s13, s24  }
0x53: {  	s21 =	sshrl.u32 s21, $0x3  }
0x54: {  	s21 =	sadd.s32 s0, s21  }
0x55: {  	[tilespmem:s1], [sflag:$0x2] =	stream.linear.gather [hbm4b:s21+s12], $0x2000, $0x38;
	[tilespmem:$0x1F480] =	vst v63  }
0x56: {  	_ =	swait.ge [sflag:s20], $0x2000  }
0x57: {  	[sflag:s20] =	ssyncset.done $0x0  }
0x58: {  	[sflag:s20] =	ssyncadd.s32 $0xFFFFE000  }
0x59: {  	[tilespmem:s8], [sflag:$0x2] =	stream.strided.gather [spmem:s5], $0xC800, s7, s2, $0x38;
	[tilespmem:$0x1F480] =	vst v63  }
0x5a: {  	_ =	swait.ge [sflag:s20], $0xC800  }
0x5b: {  	[sflag:s20] =	ssyncset.done $0x0  }
0x5c: {  	s21 =	simm.s32 $0x19040;
	[sflag:s20] =	ssyncadd.s32 $0xFFFF3800  }
0x5d: {  	v5 =	vld [tilespmem:s21+$0x30]  }
0x5e: {  	v6 =	vld [tilespmem:s21+$0xFFFFFFD0]  }
0x5f: {  	v7 =	vld [tilespmem:s21+$0xFFFFFFE0]  }
0x60: {  	v8 =	vld [tilespmem:s21+$0xFFFFFFF0]  }
0x61: {  	v9 =	vld [tilespmem:s21+$0x0]  }
0x62: {  	v10 =	vld [tilespmem:s21+$0x10]  }
0x63: {  	v11 =	vld [tilespmem:s21+$0xFFFFFFC0]  }
0x64: {  	s28 =	simm.s32 $0x1B040;
	v12 =	vld [tilespmem:s21+$0x20]  }
0x65: {  	v13 =	vld [tilespmem:s28+$0x30]  }
0x66: {  	v14 =	vld [tilespmem:s28+$0xFFFFFFC0]  }
0x67: {  	v15 =	vld [tilespmem:s28+$0xFFFFFFD0]  }
0x68: {  	v17 =	vld [tilespmem:s28+$0xFFFFFFF0]  }
0x69: {  	v18 =	vld [tilespmem:s28+$0x0]  }
0x6a: {  	s24 =	sand.u32 $0x60, s19;
	v19 =	vld [tilespmem:s28+$0x10];
	s21 =	simm.s32 $0x190C0  }
0x6b: {  	v4 =	vmov s24;
	v21 =	vld [tilespmem:s21+$0x30]  }
0x6c: {  	v22 =	vld [tilespmem:s21+$0xFFFFFFD0];
	vm6 =	vlt.u32 v5, $0xC350;
	v5 =	vadd.s32 v4, v5  }
0x6d: {  	v23 =	vld [tilespmem:s21+$0xFFFFFFE0];
	vm4 =	vlt.u32 v6, $0xC350;
	v6 =	vadd.s32 v4, v6;
	v5 =	vnsel vm6, $0x0, v5  }
0x6e: {  	v24 =	vld [tilespmem:s21+$0xFFFFFFF0];
	vm5 =	vlt.u32 v7, $0xC350;
	v7 =	vadd.s32 v4, v7;
	v6 =	vnsel vm4, $0x0, v6  }
0x6f: {  	v25 =	vld [tilespmem:s21+$0x0];
	vm7 =	vlt.u32 v11, $0xC350;
	v11 =	vadd.s32 v4, v11;
	v7 =	vnsel vm5, $0x0, v7  }
0x70: {  	v26 =	vld [tilespmem:s21+$0x10];
	vm1 =	vlt.u32 v8, $0xC350;
	v8 =	vadd.s32 v4, v8;
	v11 =	vnsel vm7, $0x0, v11  }
0x71: {  	v27 =	vld [tilespmem:s21+$0x20];
	vm2 =	vlt.u32 v9, $0xC350;
	v9 =	vadd.s32 v4, v9;
	v8 =	vnsel vm1, $0x0, v8  }
0x72: {  	vm3 =	vlt.u32 v10, $0xC350;
	v10 =	vadd.s32 v4, v10;
	v9 =	vnsel vm2, $0x0, v9;
	v5 =	vld.idx.msk [tilespmem:v5+s8+$0x0], $0xffff  }
0x73: {  	vm0 =	vlt.u32 v12, $0xC350;
	v12 =	vadd.s32 v4, v12;
	v10 =	vnsel vm3, $0x0, v10;
	v6 =	vld.idx.msk [tilespmem:v6+s8+$0x0], $0xffff  }
0x74: {  	v12 =	vnsel vm0, $0x0, v12;
	vm8 =	vlt.u32 v21, $0xC350;
	v21 =	vadd.s32 v4, v21;
	v7 =	vld.idx.msk [tilespmem:v7+s8+$0x0], $0xffff  }
0x75: {  	vm9 =	vlt.u32 v22, $0xC350;
	v22 =	vadd.s32 v4, v22;
	v21 =	vnsel vm8, $0x0, v21;
	v11 =	vld.idx.msk [tilespmem:v11+s8+$0x0], $0xffff  }
0x76: {  	v22 =	vnsel vm9, $0x0, v22;
	v8 =	vld.idx.msk [tilespmem:v8+s8+$0x0], $0xffff  }
0x77: {  	v9 =	vld.idx.msk [tilespmem:v9+s8+$0x0], $0xffff  }
0x78: {  	v10 =	vld.idx.msk [tilespmem:v10+s8+$0x0], $0xffff  }
0x79: {  	v12 =	vld.idx.msk [tilespmem:v12+s8+$0x0], $0xffff;
	v5 =	vnsel vm6, $0x0, v5  }
0x7a: {  	v21 =	vld.idx.msk [tilespmem:v21+s8+$0x0], $0xffff;
	v11 =	vnsel vm7, $0x0, v11;
	v13 =	vadd.f32 v5, v13  }
0x7b: {  	vm10 =	vlt.u32 v23, $0xC350;
	v22 =	vld.idx.msk [tilespmem:v22+s8+$0x0], $0xffff;
	v8 =	vnsel vm1, $0x0, v8;
	v14 =	vadd.f32 v11, v14  }
0x7c: {  	vm11 =	vlt.u32 v24, $0xC350;
	vm12 =	vlt.u32 v25, $0xC350;
	v17 =	vadd.f32 v8, v17;
	[tilespmem:s28+$0x30] =	vst v13;
	v13 =	vld [tilespmem:s28+$0xFFFFFFE0]  }
0x7d: {  	v25 =	vadd.s32 v4, v25;
	v6 =	vnsel vm4, $0x0, v6;
	v10 =	vnsel vm3, $0x0, v10;
	[tilespmem:s28+$0xFFFFFFC0] =	vst v14;
	v14 =	vld [tilespmem:s28+$0x20]  }
0x7e: {  	s24 =	simm.s32 $0x1D040;
	v9 =	vnsel vm2, $0x0, v9;
	v15 =	vadd.f32 v6, v15;
	[tilespmem:s28+$0xFFFFFFF0] =	vst v17;
	v17 =	vadd.f32 v10, v19;
	v19 =	vld [tilespmem:s21+$0xFFFFFFC0]  }
0x7f: {  	vm13 =	vlt.u32 v26, $0xC350;
	v26 =	vadd.s32 v4, v26;
	v18 =	vadd.f32 v9, v18;
	v16 =	vld [tilespmem:s24+$0x30]  }
0x80: {  	vm15 =	vlt.u32 v27, $0xC350;
	v27 =	vadd.s32 v4, v27;
	v25 =	vnsel vm12, $0x0, v25;
	[tilespmem:s28+$0xFFFFFFD0] =	vst v15;
	v20 =	vld [tilespmem:s24+$0xFFFFFFC0]  }
0x81: {  	v26 =	vnsel vm13, $0x0, v26;
	v27 =	vnsel vm15, $0x0, v27;
	[tilespmem:s28+$0x0] =	vst v18;
	v18 =	vadd.s32 v4, v23;
	v15 =	vld [tilespmem:s24+$0xFFFFFFD0]  }
0x82: {  	v6 =	vmul.f32 v6, v6;
	v5 =	vmul.f32 v5, v5;
	v23 =	vld [tilespmem:s24+$0xFFFFFFF0];
	[tilespmem:s28+$0x10] =	vst v17;
	v17 =	vnsel vm10, $0x0, v18  }
0x83: {  	v7 =	vnsel vm5, $0x0, v7;
	v11 =	vmul.f32 v11, v11;
	s21 =	simm.s32 $0x1B0C0;
	v58 =	vld [tilespmem:s24+$0x0];
	v18 =	vadd.s32 v4, v24  }
0x84: {  	v5 =	vmul.f32 $5.000000000e-01, v5;
	v6 =	vmul.f32 $5.000000000e-01, v6;
	v29 =	vld [tilespmem:s21+$0x30];
	v18 =	vnsel vm11, $0x0, v18  }
0x85: {  	v28 =	vld [tilespmem:s24+$0x10];
	v13 =	vadd.f32 v7, v13;
	vm14 =	vlt.u32 v19, $0xC350;
	v19 =	vadd.s32 v4, v19  }
0x86: {  	v6 =	vsub.f32 v15, v6;
	v15 =	vnsel vm8, $0x0, v21;
	v21 =	vnsel vm9, $0x0, v22;
	v22 =	vld [tilespmem:s21+$0xFFFFFFD0]  }
0x87: {  	v11 =	vmul.f32 $5.000000000e-01, v11;
	v10 =	vmul.f32 v10, v10;
	v19 =	vnsel vm14, $0x0, v19;
	[tilespmem:s28+$0xFFFFFFE0] =	vst v13;
	v17 =	vld.idx.msk [tilespmem:v17+s8+$0x0], $0xffff  }
0x88: {  	v12 =	vnsel vm0, $0x0, v12;
	v7 =	vmul.f32 v7, v7;
	v5 =	vsub.f32 v16, v5;
	v13 =	vld [tilespmem:s24+$0xFFFFFFE0]  }
0x89: {  	v8 =	vmul.f32 v8, v8;
	v10 =	vmul.f32 $5.000000000e-01, v10;
	v11 =	vsub.f32 v20, v11;
	v16 =	vld.idx.msk [tilespmem:v18+s8+$0x0], $0xffff  }
0x8a: {  	v20 =	vadd.f32 v15, v29;
	v18 =	vld.idx.msk [tilespmem:v25+s8+$0x0], $0xffff;
	[tilespmem:s24+$0x30] =	vst v5;
	v5 =	vmul.f32 $5.000000000e-01, v7;
	v7 =	vmul.f32 v9, v9  }
0x8b: {  	v9 =	vadd.f32 v12, v14;
	v14 =	vld.idx.msk [tilespmem:v26+s8+$0x0], $0xffff;
	v12 =	vmul.f32 v12, v12;
	[tilespmem:s24+$0xFFFFFFD0] =	vst v6  }
0x8c: {  	v8 =	vmul.f32 $5.000000000e-01, v8;
	v6 =	vsub.f32 v28, v10;
	[tilespmem:s21+$0x30] =	vst v20;
	v19 =	vld.idx.msk [tilespmem:v19+s8+$0x0], $0xffff  }
0x8d: {  	v10 =	vmul.f32 v15, v15;
	[tilespmem:s28+$0x20] =	vst v9;
	s28 =	simm.s32 $0x1D0C0;
	v9 =	vsub.f32 v13, v5;
	v5 =	vmul.f32 $5.000000000e-01, v12;
	v12 =	vld [tilespmem:s21+$0xFFFFFFC0]  }
0x8e: {  	v7 =	vmul.f32 $5.000000000e-01, v7;
	v20 =	vld [tilespmem:s28+$0x30]  }
0x8f: {  	v8 =	vsub.f32 v23, v8;
	[tilespmem:s24+$0xFFFFFFC0] =	vst v11;
	v59 =	vmul.f32 $5.000000000e-01, v10;
	v17 =	vnsel vm10, $0x0, v17;
	v13 =	vld.idx.msk [tilespmem:v27+s8+$0x0], $0xffff  }
0x90: {  	v23 =	vld [tilespmem:s21+$0xFFFFFFE0];
	v11 =	vsub.f32 v58, v7;
	v7 =	vmul.f32 v21, v21;
	[tilespmem:s24+$0xFFFFFFE0] =	vst v9;
	v9 =	vmul.f32 v17, v17  }
0x91: {  	[tilespmem:s24+$0xFFFFFFF0] =	vst v8;
	v16 =	vnsel vm11, $0x0, v16;
	v18 =	vnsel vm12, $0x0, v18;
	v15 =	vnsel vm14, $0x0, v19;
	v19 =	vld [tilespmem:s21+$0xFFFFFFF0]  }
0x92: {  	v60 =	vld [tilespmem:s21+$0x0];
	[tilespmem:s24+$0x10] =	vst v6;
	v26 =	vnsel vm13, $0x0, v14;
	v10 =	vmul.f32 $5.000000000e-01, v9;
	v9 =	vadd.f32 v15, v12  }
0x93: {  	v61 =	vld [tilespmem:s21+$0x10];
	v7 =	vmul.f32 $5.000000000e-01, v7;
	v8 =	vmul.f32 v16, v16;
	[tilespmem:s24+$0x0] =	vst v11;
	v20 =	vsub.f32 v20, v59  }
0x94: {  	v63 =	vmul.f32 v15, v15;
	v15 =	vld [tilespmem:s21+$0x20];
	v11 =	vnsel vm15, $0x0, v13;
	[tilespmem:s21+$0xFFFFFFC0] =	vst v9;
	v9 =	vadd.f32 v21, v22  }
0x95: {  	v12 =	vmul.f32 v18, v18;
	[tilespmem:s28+$0x30] =	vst v20;
	v20 =	vmul.f32 v11, v11;
	v21 =	vadd.f32 v17, v23;
	v14 =	vld [tilespmem:s28+$0xFFFFFFC0]  }
0x96: {  	v62 =	vmul.f32 v26, v26;
	v6 =	vmul.f32 $5.000000000e-01, v8;
	v17 =	vld [tilespmem:s24+$0x20];
	v19 =	vadd.f32 v16, v19;
	[tilespmem:s21+$0xFFFFFFD0] =	vst v9  }
0x97: {  	v8 =	vmul.f32 $5.000000000e-01, v12;
	v12 =	vmul.f32 $5.000000000e-01, v20;
	v20 =	vadd.f32 v18, v60;
	[tilespmem:s21+$0xFFFFFFE0] =	vst v21;
	v16 =	vld [tilespmem:s28+$0xFFFFFFD0]  }
0x98: {  	s29 =	simm.s32 $0x80;
	s30 =	simm.s32 $0x19140;
	v13 =	vmul.f32 $5.000000000e-01, v63;
	v9 =	vmul.f32 $5.000000000e-01, v62;
	v18 =	vld [tilespmem:s28+$0xFFFFFFE0];
	[tilespmem:s21+$0xFFFFFFF0] =	vst v19;
	v19 =	vadd.f32 v26, v61  }
.LBB2_5:
0x99: {  	v21 =	vld [tilespmem:s30+$0x30];
	s29 =	sadd.s32 $0x80, s29;
	[tilespmem:s21+$0x0] =	vst v20;
	v11 =	vadd.f32 v11, v15  }
0x9a: {  	v15 =	vld [tilespmem:s30+$0xFFFFFFD0];
	p2 =	slt.u32 s29, $0x1F80;
	v13 =	vsub.f32 v14, v13;
	[tilespmem:s21+$0x10] =	vst v19  }
0x9b: {  	v14 =	vld [tilespmem:s30+$0xFFFFFFE0];
	[tilespmem:s21+$0x20] =	vst v11;
	v11 =	vsub.f32 v17, v5;
	v5 =	vmov v12  }
0x9c: {  	v12 =	vld [tilespmem:s30+$0xFFFFFFF0];
	[tilespmem:s28+$0xFFFFFFC0] =	vst v13;
	v7 =	vsub.f32 v16, v7  }
0x9d: {  	v13 =	vld [tilespmem:s30+$0x0];
	v10 =	vsub.f32 v18, v10;
	[tilespmem:s24+$0x20] =	vst v11;
	s24 =	smov.u32 s28  }
0x9e: {  	v11 =	vld [tilespmem:s30+$0x10];
	vm5 =	vlt.u32 v21, $0xC350;
	v16 =	vadd.s32 v4, v21;
	[tilespmem:s28+$0xFFFFFFD0] =	vst v7  }
0x9f: {  	vm4 =	vlt.u32 v15, $0xC350;
	v7 =	vadd.s32 v4, v15;
	v15 =	vld [tilespmem:s30+$0x20];
	v16 =	vnsel vm5, $0x0, v16;
	[tilespmem:s28+$0xFFFFFFE0] =	vst v10  }
0xa0: {  	v10 =	vld [tilespmem:s30+$0xFFFFFFC0];
	v7 =	vnsel vm4, $0x0, v7;
	vm6 =	vlt.u32 v14, $0xC350;
	v14 =	vadd.s32 v4, v14  }
0xa1: {  	v14 =	vnsel vm6, $0x0, v14;
	vm2 =	vlt.u32 v12, $0xC350;
	v12 =	vadd.s32 v4, v12;
	v17 =	vld [tilespmem:s28+$0xFFFFFFF0]  }
0xa2: {  	v12 =	vnsel vm2, $0x0, v12;
	vm3 =	vlt.u32 v13, $0xC350;
	v13 =	vadd.s32 v4, v13;
	v18 =	vld [tilespmem:s28+$0x0]  }
0xa3: {  	v13 =	vnsel vm3, $0x0, v13;
	vm1 =	vlt.u32 v11, $0xC350;
	v11 =	vadd.s32 v4, v11;
	v19 =	vld [tilespmem:s28+$0x10]  }
0xa4: {  	v11 =	vnsel vm1, $0x0, v11;
	vm0 =	vlt.u32 v15, $0xC350;
	v15 =	vadd.s32 v4, v15;
	v16 =	vld.idx.msk [tilespmem:v16+s8+$0x0], $0xffff  }
0xa5: {  	s21 =	sadd.s32 $0x80, s21;
	vm7 =	vlt.u32 v10, $0xC350;
	v10 =	vadd.s32 v4, v10;
	v7 =	vld.idx.msk [tilespmem:v7+s8+$0x0], $0xffff;
	v15 =	vnsel vm0, $0x0, v15  }
0xa6: {  	v10 =	vnsel vm7, $0x0, v10;
	v20 =	vld [tilespmem:s21+$0x30];
	v6 =	vsub.f32 v17, v6  }
0xa7: {  	v14 =	vld.idx.msk [tilespmem:v14+s8+$0x0], $0xffff;
	v8 =	vsub.f32 v18, v8  }
0xa8: {  	v12 =	vld.idx.msk [tilespmem:v12+s8+$0x0], $0xffff;
	[tilespmem:s28+$0xFFFFFFF0] =	vst v6;
	v6 =	vsub.f32 v19, v9  }
0xa9: {  	v9 =	vld.idx.msk [tilespmem:v13+s8+$0x0], $0xffff;
	[tilespmem:s28+$0x0] =	vst v8  }
0xaa: {  	v8 =	vld.idx.msk [tilespmem:v11+s8+$0x0], $0xffff;
	v11 =	vnsel vm5, $0x0, v16;
	[tilespmem:s28+$0x10] =	vst v6  }
0xab: {  	v16 =	vnsel vm4, $0x0, v7;
	v6 =	vld.idx.msk [tilespmem:v10+s8+$0x0], $0xffff;
	v7 =	vadd.f32 v11, v20  }
0xac: {  	v10 =	vmul.f32 v16, v16;
	v13 =	vld.idx.msk [tilespmem:v15+s8+$0x0], $0xffff  }
0xad: {  	s28 =	sadd.s32 $0x80, s28;
	v17 =	vnsel vm6, $0x0, v14;
	v15 =	vld [tilespmem:s21+$0xFFFFFFC0];
	[tilespmem:s21+$0x30] =	vst v7  }
0xae: {  	v7 =	vmul.f32 $5.000000000e-01, v10;
	v10 =	vmul.f32 v17, v17;
	v18 =	vnsel vm2, $0x0, v12;
	v12 =	vld [tilespmem:s28+$0x30]  }
0xaf: {  	v19 =	vmul.f32 v18, v18;
	v20 =	vnsel vm3, $0x0, v9;
	v9 =	vmul.f32 v11, v11;
	v14 =	vld [tilespmem:s21+$0xFFFFFFD0]  }
0xb0: {  	v10 =	vmul.f32 $5.000000000e-01, v10;
	v22 =	vmul.f32 v20, v20;
	v23 =	vnsel vm1, $0x0, v8;
	v21 =	vld [tilespmem:s21+$0xFFFFFFE0]  }
0xb1: {  	v6 =	vnsel vm7, $0x0, v6;
	v25 =	vmul.f32 v23, v23;
	v8 =	vmul.f32 $5.000000000e-01, v9;
	v24 =	vld [tilespmem:s21+$0xFFFFFFF0]  }
0xb2: {  	v11 =	vnsel vm0, $0x0, v13;
	v9 =	vadd.f32 v6, v15;
	v15 =	vmul.f32 v6, v6;
	v26 =	vld [tilespmem:s21+$0x0]  }
0xb3: {  	v6 =	vmul.f32 $5.000000000e-01, v19;
	v27 =	vmul.f32 v11, v11;
	v19 =	vld [tilespmem:s21+$0x10];
	v28 =	vsub.f32 v12, v8  }
.Ltmp1:
0xb4: {  	v8 =	vmul.f32 $5.000000000e-01, v22;
	[tilespmem:s21+$0xFFFFFFC0] =	vst v9;
	v13 =	vmul.f32 $5.000000000e-01, v15;
	v16 =	vadd.f32 v16, v14;
	v15 =	vld [tilespmem:s21+$0x20];
	(pc) =	sbr.rel @p2 .LBB2_5-.Ltmp1, $4  }
0xb5: {  	v9 =	vmul.f32 $5.000000000e-01, v25;
	v12 =	vmul.f32 $5.000000000e-01, v27;
	v14 =	vld [tilespmem:s28+$0xFFFFFFC0];
	v21 =	vadd.f32 v17, v21;
	[tilespmem:s28+$0x30] =	vst v28  }
0xb6: {  	[tilespmem:s21+$0xFFFFFFD0] =	vst v16;
	v22 =	vadd.f32 v18, v24;
	v17 =	vld [tilespmem:s24+$0x20]  }
0xb7: {  	v16 =	vld [tilespmem:s28+$0xFFFFFFD0];
	[tilespmem:s21+$0xFFFFFFE0] =	vst v21;
	v20 =	vadd.f32 v20, v26  }
0xb8: {  	s30 =	sadd.s32 $0x80, s30;
	v18 =	vld [tilespmem:s28+$0xFFFFFFE0];
	[tilespmem:s21+$0xFFFFFFF0] =	vst v22;
	v19 =	vadd.f32 v23, v19  }
0xb9: {  	[tilespmem:s21+$0x0] =	vst v20;
	v4 =	vadd.f32 v11, v15;
	v11 =	vld [tilespmem:s28+$0xFFFFFFF0]  }
0xba: {  	v13 =	vsub.f32 v14, v13;
	[tilespmem:s21+$0x10] =	vst v19;
	v14 =	vld [tilespmem:s28+$0x0]  }
0xbb: {  	[tilespmem:s21+$0x20] =	vst v4;
	v4 =	vsub.f32 v17, v5;
	v5 =	vld [tilespmem:s28+$0x10]  }
0xbc: {  	[tilespmem:s28+$0xFFFFFFC0] =	vst v13;
	v7 =	vsub.f32 v16, v7;
	v13 =	vld [tilespmem:s28+$0x20]  }
0xbd: {  	v10 =	vsub.f32 v18, v10;
	[tilespmem:s24+$0x20] =	vst v4  }
0xbe: {  	[tilespmem:s28+$0xFFFFFFD0] =	vst v7;
	v4 =	vsub.f32 v11, v6  }
0xbf: {  	[tilespmem:s28+$0xFFFFFFE0] =	vst v10;
	v6 =	vsub.f32 v14, v8  }
0xc0: {  	[tilespmem:s28+$0xFFFFFFF0] =	vst v4;
	v4 =	vsub.f32 v5, v9  }
0xc1: {  	[tilespmem:s28+$0x0] =	vst v6;
	v5 =	vsub.f32 v13, v12  }
0xc2: {  	[tilespmem:s28+$0x10] =	vst v4  }
0xc3: {  	p2 =	seq.s32 s18, $0x19;
	[tilespmem:s28+$0x20] =	vst v5  }
0xc4: {  	s21 =	sadd.s32 @!p2 $0x186A0, s19;
	_ =	swait.ge [sflag:s26], $0xC80  }
0xc5: {  	s21 =	sand.u32 @!p2 $0x7FFF80, s21;
	[sflag:s26] =	ssyncset.done $0x0  }
0xc6: {  	s21 =	smin.u32 @!p2 s21, $0x26E480;
	[sflag:s26] =	ssyncadd.s32 $0xFFFFF380  }
0xc7: {  	s24 =	sshrl.u32 @!p2 s3, $0x3;
	s21 =	sadd.s32 @!p2 s21, s4;
	[bflag:$0x0] =	sbarrier.arrive $0xFFFF  }
0xc8: {  	[spmem:s24], [sflag:s17] =	dma.local @!p2 [hbm:s21], $0xC80  }
0xc9: {  	[tilespmem:s8], [sflag:$0x2] =	stream.strided.gather [spmem:s6], $0xC800, s7, s2, $0x38;
	[tilespmem:$0x1F480] =	vst v63  }
0xca: {  	_ =	swait.ge [sflag:s20], $0xC800  }
0xcb: {  	[sflag:s20] =	ssyncset.done $0x0  }
0xcc: {  	s29 =	simm.s32 $0x19040;
	[sflag:s20] =	ssyncadd.s32 $0xFFFF3800  }
0xcd: {  	v5 =	vld [tilespmem:s29+$0x30];
	_ =	sdelay $0x3  }
0xce: {  	s30 =	ssub.s32 s19, s23;
	v6 =	vld [tilespmem:s29+$0xFFFFFFD0]  }
0xcf: {  	v4 =	vmov s30;
	v7 =	vld [tilespmem:s29+$0xFFFFFFE0];
	v8 =	vadd.s32 $0xFFFF3CB0, v5  }
0xd0: {  	v12 =	vld [tilespmem:s29+$0x10];
	v5 =	vadd.s32 v4, v5;
	vm0 =	vlt.u32 v8, $0xC350  }
0xd1: {  	v8 =	vld [tilespmem:s29+$0xFFFFFFC0];
	v5 =	vnsel vm0, $0x0, v5  }
0xd2: {  	v9 =	vld [tilespmem:s29+$0xFFFFFFF0]  }
0xd3: {  	s19 =	simm.s32 $0x1B040;
	v10 =	vld [tilespmem:s29+$0x0];
	v11 =	vadd.s32 $0xFFFF3CB0, v6  }
0xd4: {  	v15 =	vld [tilespmem:s19+$0xFFFFFFC0];
	v13 =	vadd.s32 $0xFFFF3CB0, v7;
	v6 =	vadd.s32 v4, v6;
	v7 =	vadd.s32 v4, v7  }
0xd5: {  	v16 =	vadd.s32 $0xFFFF3CB0, v12;
	v12 =	vadd.s32 v4, v12;
	vm1 =	vlt.u32 v11, $0xC350;
	v11 =	vld [tilespmem:s29+$0x20]  }
0xd6: {  	vm5 =	vlt.u32 v13, $0xC350;
	v6 =	vnsel vm1, $0x0, v6;
	v14 =	vadd.s32 $0xFFFF3CB0, v8;
	v5 =	vld.idx.msk [tilespmem:v5+s8+$0x0], $0xffff  }
0xd7: {  	v7 =	vnsel vm5, $0x0, v7;
	v8 =	vadd.s32 v4, v8;
	vm6 =	vlt.u32 v14, $0xC350;
	v14 =	vld [tilespmem:s19+$0x30]  }
0xd8: {  	v17 =	vld [tilespmem:s19+$0xFFFFFFD0];
	v13 =	vadd.s32 $0xFFFF3CB0, v9;
	vm2 =	vlt.u32 v16, $0xC350;
	v8 =	vnsel vm6, $0x0, v8  }
0xd9: {  	v18 =	vld [tilespmem:s19+$0xFFFFFFF0];
	vm3 =	vlt.u32 v13, $0xC350;
	v13 =	vadd.s32 $0xFFFF3CB0, v10;
	v12 =	vnsel vm2, $0x0, v12  }
0xda: {  	v9 =	vadd.s32 v4, v9;
	vm4 =	vlt.u32 v13, $0xC350;
	v13 =	vld [tilespmem:s19+$0xFFFFFFE0]  }
0xdb: {  	v10 =	vadd.s32 v4, v10;
	v9 =	vnsel vm3, $0x0, v9;
	v6 =	vld.idx.msk [tilespmem:v6+s8+$0x0], $0xffff;
	v5 =	vnsel vm0, $0x0, v5  }
0xdc: {  	v10 =	vnsel vm4, $0x0, v10;
	v16 =	vadd.s32 $0xFFFF3CB0, v11;
	v7 =	vld.idx.msk [tilespmem:v7+s8+$0x0], $0xffff;
	v14 =	vadd.f32 v5, v14  }
0xdd: {  	v11 =	vadd.s32 v4, v11;
	vm0 =	vlt.u32 v16, $0xC350;
	v8 =	vld.idx.msk [tilespmem:v8+s8+$0x0], $0xffff  }
0xde: {  	s21 =	simm.s32 $0x1D040;
	v19 =	vld.idx.msk [tilespmem:v12+s8+$0x0], $0xffff;
	v11 =	vnsel vm0, $0x0, v11;
	[tilespmem:s19+$0x30] =	vst v14  }
0xdf: {  	v14 =	vld [tilespmem:s21+$0x30]  }
0xe0: {  	v9 =	vld.idx.msk [tilespmem:v9+s8+$0x0], $0xffff;
	v5 =	vmul.f32 v5, v5  }
0xe1: {  	v16 =	vld.idx.msk [tilespmem:v10+s8+$0x0], $0xffff;
	v7 =	vnsel vm5, $0x0, v7  }
0xe2: {  	v10 =	vld [tilespmem:s19+$0x0];
	v20 =	vadd.f32 v7, v13;
	v12 =	vmul.f32 $5.000000000e-01, v5;
	v8 =	vnsel vm6, $0x0, v8  }
0xe3: {  	v6 =	vnsel vm1, $0x0, v6;
	v5 =	vld.idx.msk [tilespmem:v11+s8+$0x0], $0xffff;
	v15 =	vadd.f32 v8, v15;
	v8 =	vmul.f32 v8, v8  }
0xe4: {  	v13 =	vld [tilespmem:s19+$0x10];
	v7 =	vmul.f32 v7, v7;
	[tilespmem:s19+$0xFFFFFFE0] =	vst v20;
	v12 =	vsub.f32 v14, v12;
	v14 =	vadd.f32 v6, v17  }
0xe5: {  	v9 =	vnsel vm3, $0x0, v9;
	v11 =	vld [tilespmem:s19+$0x20];
	[tilespmem:s19+$0xFFFFFFC0] =	vst v15;
	v15 =	vmul.f32 v6, v6;
	v6 =	vmul.f32 $5.000000000e-01, v8  }
0xe6: {  	v17 =	vadd.f32 v9, v18;
	v18 =	vnsel vm4, $0x0, v16;
	v8 =	vld [tilespmem:s21+$0xFFFFFFC0];
	[tilespmem:s19+$0xFFFFFFD0] =	vst v14;
	v14 =	vmul.f32 v9, v9  }
0xe7: {  	s23 =	simm.s32 $0x1D040;
	s28 =	simm.s32 $0x190C0;
	s24 =	simm.s32 $0x0;
	v16 =	vnsel vm2, $0x0, v19;
	[tilespmem:s21+$0x30] =	vst v12;
	v12 =	vmul.f32 $5.000000000e-01, v15;
	v15 =	vmul.f32 v18, v18;
	v9 =	vld [tilespmem:s21+$0xFFFFFFD0]  }
.LBB2_7:
0xe8: {  	v19 =	vld [tilespmem:s28+$0x30];
	s24 =	sadd.s32 $0x80, s24;
	[tilespmem:s19+$0xFFFFFFF0] =	vst v17;
	v10 =	vadd.f32 v18, v10;
	v17 =	vmul.f32 v16, v16;
	v5 =	vnsel vm0, $0x0, v5  }
0xe9: {  	v7 =	vmul.f32 $5.000000000e-01, v7;
	v18 =	vld [tilespmem:s28+$0xFFFFFFD0];
	p3 =	slt.u32 s24, $0x1F80;
	v13 =	vadd.f32 v16, v13;
	v16 =	vmul.f32 v5, v5  }
0xea: {  	v14 =	vmul.f32 $5.000000000e-01, v14;
	v20 =	vld [tilespmem:s28+$0xFFFFFFE0];
	[tilespmem:s19+$0x0] =	vst v10;
	v10 =	vmul.f32 $5.000000000e-01, v15;
	v5 =	vadd.f32 v5, v11  }
0xeb: {  	v11 =	vld [tilespmem:s28+$0xFFFFFFF0];
	v6 =	vsub.f32 v8, v6;
	[tilespmem:s19+$0x10] =	vst v13;
	v8 =	vmul.f32 $5.000000000e-01, v17;
	v13 =	vmul.f32 $5.000000000e-01, v16  }
0xec: {  	v15 =	vld [tilespmem:s28+$0x0];
	v9 =	vsub.f32 v9, v12;
	[tilespmem:s19+$0x20] =	vst v5  }
0xed: {  	v5 =	vld [tilespmem:s28+$0x10];
	v12 =	vadd.s32 $0xFFFF3CB0, v19;
	[tilespmem:s21+$0xFFFFFFC0] =	vst v6  }
0xee: {  	v6 =	vadd.s32 $0xFFFF3CB0, v18;
	v16 =	vld [tilespmem:s28+$0x20];
	vm6 =	vlt.u32 v12, $0xC350;
	v12 =	vadd.s32 v4, v19;
	[tilespmem:s21+$0xFFFFFFD0] =	vst v9  }
0xef: {  	v9 =	vld [tilespmem:s28+$0xFFFFFFC0];
	vm4 =	vlt.u32 v6, $0xC350;
	v6 =	vadd.s32 $0xFFFF3CB0, v20;
	v12 =	vnsel vm6, $0x0, v12  }
0xf0: {  	v17 =	vadd.s32 v4, v18;
	vm5 =	vlt.u32 v6, $0xC350;
	v6 =	vadd.s32 $0xFFFF3CB0, v11;
	v18 =	vld [tilespmem:s21+$0xFFFFFFE0]  }
0xf1: {  	v19 =	vadd.s32 v4, v20;
	vm3 =	vlt.u32 v6, $0xC350;
	v6 =	vadd.s32 $0xFFFF3CB0, v15;
	v20 =	vld [tilespmem:s21+$0xFFFFFFF0]  }
0xf2: {  	v11 =	vadd.s32 v4, v11;
	vm2 =	vlt.u32 v6, $0xC350;
	v6 =	vadd.s32 $0xFFFF3CB0, v5;
	v21 =	vld [tilespmem:s21+$0x0]  }
0xf3: {  	v15 =	vadd.s32 v4, v15;
	vm1 =	vlt.u32 v6, $0xC350;
	v6 =	vadd.s32 $0xFFFF3CB0, v16;
	v22 =	vld [tilespmem:s21+$0x10]  }
0xf4: {  	v23 =	vadd.s32 $0xFFFF3CB0, v9;
	v9 =	vadd.s32 v4, v9;
	vm0 =	vlt.u32 v6, $0xC350;
	v6 =	vld.idx.msk [tilespmem:v12+s8+$0x0], $0xffff  }
0xf5: {  	s19 =	sadd.s32 $0x80, s19;
	v5 =	vadd.s32 v4, v5;
	v12 =	vadd.s32 v4, v16;
	vm7 =	vlt.u32 v23, $0xC350;
	v16 =	vld [tilespmem:s21+$0x20]  }
0xf6: {  	v17 =	vnsel vm4, $0x0, v17;
	v19 =	vnsel vm5, $0x0, v19;
	v9 =	vnsel vm7, $0x0, v9;
	v23 =	vld [tilespmem:s19+$0x30]  }
0xf7: {  	v11 =	vnsel vm3, $0x0, v11;
	v15 =	vnsel vm2, $0x0, v15;
	v5 =	vnsel vm1, $0x0, v5;
	v24 =	vld [tilespmem:s19+$0xFFFFFFC0]  }
0xf8: {  	v12 =	vnsel vm0, $0x0, v12;
	v7 =	vsub.f32 v18, v7;
	v14 =	vsub.f32 v20, v14;
	v25 =	vld [tilespmem:s19+$0xFFFFFFD0]  }
0xf9: {  	v10 =	vsub.f32 v21, v10;
	v8 =	vsub.f32 v22, v8;
	v18 =	vld [tilespmem:s19+$0xFFFFFFE0]  }
0xfa: {  	v6 =	vnsel vm6, $0x0, v6;
	v20 =	vld [tilespmem:s19+$0xFFFFFFF0];
	[tilespmem:s21+$0xFFFFFFE0] =	vst v7;
	v7 =	vsub.f32 v16, v13  }
0xfb: {  	v9 =	vld.idx.msk [tilespmem:v9+s8+$0x0], $0xffff;
	v13 =	vadd.f32 v6, v23;
	[tilespmem:s21+$0xFFFFFFF0] =	vst v14  }
0xfc: {  	v14 =	vld.idx.msk [tilespmem:v17+s8+$0x0], $0xffff;
	[tilespmem:s21+$0x0] =	vst v10  }
0xfd: {  	s21 =	sadd.s32 $0x80, s21;
	v10 =	vld.idx.msk [tilespmem:v19+s8+$0x0], $0xffff;
	[tilespmem:s19+$0x30] =	vst v13  }
0xfe: {  	v13 =	vld [tilespmem:s21+$0x30];
	[tilespmem:s23+$0x10] =	vst v8  }
0xff: {  	v6 =	vmul.f32 v6, v6;
	v8 =	vld.idx.msk [tilespmem:v11+s8+$0x0], $0xffff;
	[tilespmem:s23+$0x20] =	vst v7;
	s23 =	smov.u32 s21  }
0x100: {  	v15 =	vld.idx.msk [tilespmem:v15+s8+$0x0], $0xffff  }
0x101: {  	v6 =	vmul.f32 $5.000000000e-01, v6;
	v7 =	vnsel vm7, $0x0, v9;
	v16 =	vld.idx.msk [tilespmem:v5+s8+$0x0], $0xffff  }
0x102: {  	v9 =	vadd.f32 v7, v24;
	v11 =	vmul.f32 v7, v7;
	v7 =	vnsel vm4, $0x0, v14;
	v5 =	vld.idx.msk [tilespmem:v12+s8+$0x0], $0xffff  }
.Ltmp2:
0x103: {  	v12 =	vadd.f32 v7, v25;
	v14 =	vnsel vm5, $0x0, v10;
	v10 =	vld [tilespmem:s19+$0x0];
	v17 =	vsub.f32 v13, v6;
	(pc) =	sbr.rel @p3 .LBB2_7-.Ltmp2, $4  }
0x104: {  	v19 =	vmul.f32 v7, v7;
	v21 =	vadd.f32 v14, v18;
	v7 =	vmul.f32 v14, v14;
	[tilespmem:s19+$0xFFFFFFC0] =	vst v9;
	v13 =	vld [tilespmem:s19+$0x10]  }
0x105: {  	v6 =	vmul.f32 $5.000000000e-01, v11;
	v9 =	vnsel vm3, $0x0, v8;
	v11 =	vld [tilespmem:s19+$0x20];
	[tilespmem:s21+$0x30] =	vst v17  }
0x106: {  	v17 =	vadd.f32 v9, v20;
	v14 =	vmul.f32 v9, v9;
	v18 =	vnsel vm2, $0x0, v15;
	v8 =	vld [tilespmem:s21+$0xFFFFFFC0];
	[tilespmem:s19+$0xFFFFFFD0] =	vst v12  }
0x107: {  	s28 =	sadd.s32 $0x80, s28;
	v12 =	vmul.f32 $5.000000000e-01, v19;
	v15 =	vmul.f32 v18, v18;
	v16 =	vnsel vm1, $0x0, v16;
	v9 =	vld [tilespmem:s21+$0xFFFFFFD0];
	[tilespmem:s19+$0xFFFFFFE0] =	vst v21  }
0x108: {  	v4 =	vadd.f32 v18, v10  }
0x109: {  	[tilespmem:s19+$0xFFFFFFF0] =	vst v17;
	v5 =	vnsel vm0, $0x0, v5;
	v55 =	vld [tilespmem:s21+$0xFFFFFFE0];
	v54 =	vadd.f32 v16, v13  }
0x10a: {  	v56 =	vld [tilespmem:s21+$0xFFFFFFF0];
	[tilespmem:s19+$0x0] =	vst v4;
	v4 =	vadd.f32 v5, v11  }
0x10b: {  	[tilespmem:s19+$0x10] =	vst v54;
	v57 =	vld [tilespmem:s21+$0x0]  }
0x10c: {  	v7 =	vmul.f32 $5.000000000e-01, v7;
	v6 =	vsub.f32 v8, v6;
	[tilespmem:s19+$0x20] =	vst v4;
	v4 =	vld [tilespmem:s21+$0x10]  }
0x10d: {  	v58 =	vmul.f32 v16, v16;
	v14 =	vmul.f32 $5.000000000e-01, v14;
	v9 =	vsub.f32 v9, v12;
	v59 =	vld [tilespmem:s21+$0x20]  }
0x10e: {  	v15 =	vmul.f32 $5.000000000e-01, v15;
	v5 =	vmul.f32 v5, v5;
	[tilespmem:s21+$0xFFFFFFC0] =	vst v6;
	v60 =	vsub.f32 v55, v7  }
0x10f: {  	v61 =	vmul.f32 $5.000000000e-01, v58;
	[tilespmem:s21+$0xFFFFFFD0] =	vst v9;
	v62 =	vsub.f32 v56, v14  }
.Ltmp3:
0x110: {  	v5 =	vmul.f32 $5.000000000e-01, v5;
	[tilespmem:s21+$0xFFFFFFE0] =	vst v60;
	v63 =	vsub.f32 v57, v15;
	(pc) =	sbr.rel @p2 .LBB2_10-.Ltmp3, $4  }
0x111: {  	[tilespmem:s21+$0xFFFFFFF0] =	vst v62;
	v4 =	vsub.f32 v4, v61  }
0x112: {  	v5 =	vsub.f32 v59, v5;
	[tilespmem:s21+$0x0] =	vst v63  }
0x113: {  	[tilespmem:s23+$0x10] =	vst v4  }
0x114: {  	[tilespmem:s23+$0x20] =	vst v5  }
.Ltmp4:
0x115: {  	_ =	swait.ge [sflag:s26], $0xC80;
	(pc) =	sbr.rel .LBB2_4-.Ltmp4, $4  }
0x116: {  	[sflag:s26] =	ssyncset.done $0x0  }
0x117: {  	[sflag:s26] =	ssyncadd.s32 $0xFFFFF380  }
0x118: {  	[bflag:$0x0] =	sbarrier.arrive $0xFFFF  }
0x119: {  	s18 =	sadd.s32 $0x1, s18  }
.LBB2_10:
0x11a: {  	[bflag:$0x0] =	sbarrier.arrive $0xFFFF  }
0x11b: {  	s17 =	rddreg [dreg:$0xd]  }
0x11c: {  	[tilespmem:s1], [sflag:$0x2] =	stream.linear.gather [hbm4b:s17+s12], $0x2000, $0x38;
	[tilespmem:$0x1F480] =	vst v63  }
0x11d: {  	_ =	swait.ge [sflag:s20], $0x2000  }
0x11e: {  	[sflag:s20] =	ssyncset.done $0x0  }
0x11f: {  	s29 =	rddreg [dreg:$0x9];
	[sflag:s20] =	ssyncadd.s32 $0xFFFFE000  }
0x120: {  	[tilespmem:s8], [sflag:$0x2] =	stream.linear.gather [hbm4b:s29+s12], $0xC800, $0x38;
	[tilespmem:$0x1F480] =	vst v63  }
0x121: {  	_ =	swait.ge [sflag:s20], $0xC800  }
0x122: {  	[sflag:s20] =	ssyncset.done $0x0  }
0x123: {  	s30 =	simm.s32 $0x19020;
	[sflag:s20] =	ssyncadd.s32 $0xFFFF3800  }
0x124: {  	v4 =	vld [tilespmem:s30+$0x10];
	_ =	sdelay $0x2  }
0x125: {  	v5 =	vld [tilespmem:s30+$0xFFFFFFF0]  }
0x126: {  	v6 =	vld [tilespmem:s30+$0xFFFFFFE0]  }
0x127: {  	v7 =	vsub.s32 v4, v0  }
0x128: {  	v4 =	vadd.s32 v1, v4;
	vm4 =	vlt.u32 v7, $0xC350;
	v7 =	vld [tilespmem:s30+$0x0]  }
0x129: {  	v4 =	vnsel vm4, $0x0, v4;
	_ =	sdelay $0x1  }
0x12a: {  	s18 =	simm.s32 $0x19060;
	v8 =	vsub.s32 v5, v0;
	v9 =	vsub.s32 v6, v0  }
0x12b: {  	s17 =	simm.s32 $0x1D020;
	v6 =	vadd.s32 v1, v6;
	v5 =	vadd.s32 v1, v5;
	vm0 =	vlt.u32 v8, $0xC350;
	v8 =	vld [tilespmem:s18+$0x10]  }
0x12c: {  	v11 =	vld [tilespmem:s17+$0x10];
	vm2 =	vlt.u32 v9, $0xC350;
	v5 =	vnsel vm0, $0x0, v5;
	v9 =	vsub.s32 v7, v0  }
0x12d: {  	v6 =	vnsel vm2, $0x0, v6;
	v10 =	vld.idx.msk [tilespmem:v4+s8+$0x0], $0xffff;
	vm5 =	vlt.u32 v9, $0xC350;
	v4 =	vadd.s32 v1, v7  }
0x12e: {  	v7 =	vld [tilespmem:s18+$0xFFFFFFF0];
	v9 =	vnsel vm5, $0x0, v4  }
0x12f: {  	v13 =	vld [tilespmem:s18+$0x0]  }
0x130: {  	v12 =	vld [tilespmem:s18+$0xFFFFFFE0];
	v14 =	vsub.s32 v8, v0  }
0x131: {  	vm1 =	vmmov vm0;
	vm3 =	vmmov vm2;
	vm0 =	vlt.u32 v14, $0xC350;
	v5 =	vld.idx.msk [tilespmem:v5+s8+$0x0], $0xffff  }
0x132: {  	vm2 =	vmmov vm5;
	v4 =	vld.idx.msk [tilespmem:v6+s8+$0x0], $0xffff;
	v6 =	vadd.s32 v1, v8;
	v8 =	vnsel vm4, $0x0, v10  }
0x133: {  	v14 =	vsub.s32 v7, v0;
	v10 =	vnsel vm0, $0x0, v6;
	v6 =	vld.idx.msk [tilespmem:v9+s8+$0x0], $0xffff;
	v9 =	vadd.f32 v8, v11  }
0x134: {  	vm4 =	vlt.u32 v14, $0xC350;
	v11 =	vadd.s32 v1, v7;
	v8 =	vsub.s32 v13, v0;
	v7 =	vld [tilespmem:s17+$0xFFFFFFE0]  }
0x135: {  	v14 =	vsub.s32 v12, v0;
	v12 =	vadd.s32 v1, v12;
	vm5 =	vlt.u32 v8, $0xC350;
	v8 =	vld [tilespmem:s17+$0xFFFFFFF0]  }
0x136: {  	s19 =	simm.s32 $0x40;
	s21 =	simm.s32 $0x190A0;
	s18 =	simm.s32 $0x1D020;
	v13 =	vadd.s32 v1, v13;
	vm6 =	vlt.u32 v14, $0xC350;
	[tilespmem:s17+$0x10] =	vst v9;
	v9 =	vnsel vm4, $0x0, v11;
	v11 =	vld [tilespmem:s17+$0x0]  }
.LBB2_11:
0x137: {  	v14 =	vld [tilespmem:s21+$0x10];
	v12 =	vnsel vm6, $0x0, v12;
	v13 =	vnsel vm5, $0x0, v13;
	v4 =	vnsel vm3, $0x0, v4  }
0x138: {  	s19 =	sadd.s32 $0x40, s19;
	v5 =	vnsel vm1, $0x0, v5;
	vm1 =	vmmov vm4;
	vm3 =	vmmov vm6;
	v10 =	vld.idx.msk [tilespmem:v10+s8+$0x0], $0xffff  }
0x139: {  	s17 =	sadd.s32 $0x40, s17;
	p2 =	slt.u32 s19, $0x1FC0;
	v6 =	vnsel vm2, $0x0, v6;
	vm2 =	vmmov vm5;
	v15 =	vld [tilespmem:s21+$0xFFFFFFF0];
	v4 =	vadd.f32 v4, v7  }
0x13a: {  	v7 =	vld [tilespmem:s17+$0x10];
	v5 =	vadd.f32 v5, v8  }
0x13b: {  	v16 =	vld [tilespmem:s21+$0x0];
	[tilespmem:s18+$0xFFFFFFE0] =	vst v4;
	v6 =	vadd.f32 v6, v11  }
0x13c: {  	v8 =	vld [tilespmem:s21+$0xFFFFFFE0];
	[tilespmem:s18+$0xFFFFFFF0] =	vst v5  }
0x13d: {  	v11 =	vsub.s32 v14, v0;
	v4 =	vld.idx.msk [tilespmem:v12+s8+$0x0], $0xffff;
	[tilespmem:s18+$0x0] =	vst v6;
	s18 =	smov.u32 s17  }
.Ltmp5:
0x13e: {  	v6 =	vadd.s32 v1, v14;
	v5 =	vld.idx.msk [tilespmem:v9+s8+$0x0], $0xffff;
	v9 =	vnsel vm0, $0x0, v10;
	vm0 =	vlt.u32 v11, $0xC350;
	(pc) =	sbr.rel @p2 .LBB2_11-.Ltmp5, $4  }
0x13f: {  	v11 =	vsub.s32 v15, v0;
	v10 =	vnsel vm0, $0x0, v6;
	v6 =	vld.idx.msk [tilespmem:v13+s8+$0x0], $0xffff;
	v9 =	vadd.f32 v9, v7  }
0x140: {  	vm4 =	vlt.u32 v11, $0xC350;
	v11 =	vadd.s32 v1, v15;
	v13 =	vsub.s32 v16, v0;
	v7 =	vld [tilespmem:s17+$0xFFFFFFE0]  }
0x141: {  	v14 =	vsub.s32 v8, v0;
	v12 =	vadd.s32 v1, v8;
	vm5 =	vlt.u32 v13, $0xC350;
	v8 =	vld [tilespmem:s17+$0xFFFFFFF0];
	[tilespmem:s17+$0x10] =	vst v9  }
0x142: {  	s21 =	sadd.s32 $0x40, s21;
	v9 =	vnsel vm4, $0x0, v11;
	v13 =	vadd.s32 v1, v16;
	vm6 =	vlt.u32 v14, $0xC350;
	v11 =	vld [tilespmem:s17+$0x0]  }
0x143: {  	_ =	sdelay $0x3  }
0x144: {  	v12 =	vnsel vm6, $0x0, v12;
	v10 =	vld.idx.msk [tilespmem:v10+s8+$0x0], $0xffff  }
0x145: {  	v13 =	vnsel vm5, $0x0, v13;
	s17 =	sadd.s32 $0x40, s17;
	v9 =	vld.idx.msk [tilespmem:v9+s8+$0x0], $0xffff  }
0x146: {  	v14 =	vld [tilespmem:s17+$0x10]  }
0x147: {  	v4 =	vnsel vm3, $0x0, v4;
	v15 =	vld [tilespmem:s17+$0xFFFFFFE0]  }
0x148: {  	v4 =	vadd.f32 v4, v7;
	v7 =	vld [tilespmem:s17+$0xFFFFFFF0]  }
0x149: {  	v5 =	vnsel vm1, $0x0, v5;
	v12 =	vld.idx.msk [tilespmem:v12+s8+$0x0], $0xffff  }
0x14a: {  	v6 =	vnsel vm2, $0x0, v6;
	v5 =	vadd.f32 v5, v8;
	v13 =	vld.idx.msk [tilespmem:v13+s8+$0x0], $0xffff  }
0x14b: {  	v8 =	vld [tilespmem:s17+$0x0];
	[tilespmem:s18+$0xFFFFFFE0] =	vst v4;
	v4 =	vadd.f32 v6, v11  }
0x14c: {  	v6 =	vnsel vm0, $0x0, v10;
	vm0 =	vmmov vm4;
	[tilespmem:s18+$0xFFFFFFF0] =	vst v5  }
0x14d: {  	vm1 =	vmmov vm6;
	v5 =	vadd.f32 v6, v14;
	[tilespmem:s18+$0x0] =	vst v4;
	v4 =	vnsel vm0, $0x0, v9  }
0x14e: {  	v4 =	vadd.f32 v4, v7;
	v6 =	vnsel vm1, $0x0, v12;
	vm1 =	vmmov vm5  }
0x14f: {  	[tilespmem:s17+$0x10] =	vst v5;
	v6 =	vadd.f32 v6, v15;
	v5 =	vnsel vm1, $0x0, v13  }
0x150: {  	[tilespmem:s17+$0xFFFFFFF0] =	vst v4;
	v5 =	vadd.f32 v5, v8  }
0x151: {  	[tilespmem:s17+$0xFFFFFFE0] =	vst v6  }
0x152: {  	[tilespmem:s17+$0x0] =	vst v5  }
0x153: {  	s17 =	rddreg [dreg:$0xe]  }
0x154: {  	[tilespmem:s1], [sflag:$0x2] =	stream.linear.gather [hbm4b:s17+s12], $0x2000, $0x38;
	[tilespmem:$0x1F480] =	vst v63  }
0x155: {  	_ =	swait.ge [sflag:s20], $0x2000  }
0x156: {  	[sflag:s20] =	ssyncset.done $0x0  }
0x157: {  	s28 =	rddreg [dreg:$0xa];
	[sflag:s20] =	ssyncadd.s32 $0xFFFFE000  }
0x158: {  	[tilespmem:s8], [sflag:$0x2] =	stream.linear.gather [hbm4b:s28+s12], $0xC800, $0x38;
	[tilespmem:$0x1F480] =	vst v63  }
0x159: {  	_ =	swait.ge [sflag:s20], $0xC800  }
0x15a: {  	[sflag:s20] =	ssyncset.done $0x0  }
0x15b: {  	s29 =	simm.s32 $0x19020;
	[sflag:s20] =	ssyncadd.s32 $0xFFFF3800  }
0x15c: {  	v4 =	vld [tilespmem:s29+$0x10];
	_ =	sdelay $0x2  }
0x15d: {  	v5 =	vld [tilespmem:s29+$0xFFFFFFF0]  }
0x15e: {  	v6 =	vld [tilespmem:s29+$0xFFFFFFE0]  }
0x15f: {  	v7 =	vsub.s32 v4, v0  }
0x160: {  	v4 =	vadd.s32 v1, v4;
	vm4 =	vlt.u32 v7, $0xC350;
	v7 =	vld [tilespmem:s29+$0x0]  }
0x161: {  	v4 =	vnsel vm4, $0x0, v4;
	_ =	sdelay $0x1  }
0x162: {  	s30 =	simm.s32 $0x19060;
	v8 =	vsub.s32 v5, v0;
	v9 =	vsub.s32 v6, v0  }
0x163: {  	s17 =	simm.s32 $0x1D020;
	v6 =	vadd.s32 v1, v6;
	v5 =	vadd.s32 v1, v5;
	vm0 =	vlt.u32 v8, $0xC350;
	v8 =	vld [tilespmem:s30+$0x10]  }
0x164: {  	v11 =	vld [tilespmem:s17+$0x10];
	vm2 =	vlt.u32 v9, $0xC350;
	v5 =	vnsel vm0, $0x0, v5;
	v9 =	vsub.s32 v7, v0  }
0x165: {  	v6 =	vnsel vm2, $0x0, v6;
	v10 =	vld.idx.msk [tilespmem:v4+s8+$0x0], $0xffff;
	vm5 =	vlt.u32 v9, $0xC350;
	v4 =	vadd.s32 v1, v7  }
0x166: {  	v7 =	vld [tilespmem:s30+$0xFFFFFFF0];
	v9 =	vnsel vm5, $0x0, v4  }
0x167: {  	v13 =	vld [tilespmem:s30+$0x0]  }
0x168: {  	v12 =	vld [tilespmem:s30+$0xFFFFFFE0];
	v14 =	vsub.s32 v8, v0  }
0x169: {  	vm1 =	vmmov vm0;
	vm3 =	vmmov vm2;
	vm0 =	vlt.u32 v14, $0xC350;
	v5 =	vld.idx.msk [tilespmem:v5+s8+$0x0], $0xffff  }
0x16a: {  	vm2 =	vmmov vm5;
	v4 =	vld.idx.msk [tilespmem:v6+s8+$0x0], $0xffff;
	v6 =	vadd.s32 v1, v8;
	v8 =	vnsel vm4, $0x0, v10  }
0x16b: {  	v14 =	vsub.s32 v7, v0;
	v10 =	vnsel vm0, $0x0, v6;
	v6 =	vld.idx.msk [tilespmem:v9+s8+$0x0], $0xffff;
	v9 =	vadd.f32 v8, v11  }
0x16c: {  	vm4 =	vlt.u32 v14, $0xC350;
	v11 =	vadd.s32 v1, v7;
	v8 =	vsub.s32 v13, v0;
	v7 =	vld [tilespmem:s17+$0xFFFFFFE0]  }
0x16d: {  	v14 =	vsub.s32 v12, v0;
	v12 =	vadd.s32 v1, v12;
	vm5 =	vlt.u32 v8, $0xC350;
	v8 =	vld [tilespmem:s17+$0xFFFFFFF0]  }
0x16e: {  	s19 =	simm.s32 $0x40;
	s21 =	simm.s32 $0x190A0;
	s18 =	simm.s32 $0x1D020;
	v13 =	vadd.s32 v1, v13;
	vm6 =	vlt.u32 v14, $0xC350;
	[tilespmem:s17+$0x10] =	vst v9;
	v9 =	vnsel vm4, $0x0, v11;
	v11 =	vld [tilespmem:s17+$0x0]  }
.LBB2_13:
0x16f: {  	v14 =	vld [tilespmem:s21+$0x10];
	v12 =	vnsel vm6, $0x0, v12;
	v13 =	vnsel vm5, $0x0, v13;
	v4 =	vnsel vm3, $0x0, v4  }
0x170: {  	s19 =	sadd.s32 $0x40, s19;
	v5 =	vnsel vm1, $0x0, v5;
	vm1 =	vmmov vm4;
	vm3 =	vmmov vm6;
	v10 =	vld.idx.msk [tilespmem:v10+s8+$0x0], $0xffff  }
0x171: {  	s17 =	sadd.s32 $0x40, s17;
	p2 =	slt.u32 s19, $0x1FC0;
	v6 =	vnsel vm2, $0x0, v6;
	vm2 =	vmmov vm5;
	v15 =	vld [tilespmem:s21+$0xFFFFFFF0];
	v4 =	vadd.f32 v4, v7  }
0x172: {  	v7 =	vld [tilespmem:s17+$0x10];
	v5 =	vadd.f32 v5, v8  }
0x173: {  	v16 =	vld [tilespmem:s21+$0x0];
	[tilespmem:s18+$0xFFFFFFE0] =	vst v4;
	v6 =	vadd.f32 v6, v11  }
0x174: {  	v8 =	vld [tilespmem:s21+$0xFFFFFFE0];
	[tilespmem:s18+$0xFFFFFFF0] =	vst v5  }
0x175: {  	v11 =	vsub.s32 v14, v0;
	v4 =	vld.idx.msk [tilespmem:v12+s8+$0x0], $0xffff;
	[tilespmem:s18+$0x0] =	vst v6;
	s18 =	smov.u32 s17  }
.Ltmp6:
0x176: {  	v6 =	vadd.s32 v1, v14;
	v5 =	vld.idx.msk [tilespmem:v9+s8+$0x0], $0xffff;
	v9 =	vnsel vm0, $0x0, v10;
	vm0 =	vlt.u32 v11, $0xC350;
	(pc) =	sbr.rel @p2 .LBB2_13-.Ltmp6, $4  }
0x177: {  	v11 =	vsub.s32 v15, v0;
	v10 =	vnsel vm0, $0x0, v6;
	v6 =	vld.idx.msk [tilespmem:v13+s8+$0x0], $0xffff;
	v9 =	vadd.f32 v9, v7  }
0x178: {  	vm4 =	vlt.u32 v11, $0xC350;
	v11 =	vadd.s32 v1, v15;
	v13 =	vsub.s32 v16, v0;
	v7 =	vld [tilespmem:s17+$0xFFFFFFE0]  }
0x179: {  	v14 =	vsub.s32 v8, v0;
	v12 =	vadd.s32 v1, v8;
	vm5 =	vlt.u32 v13, $0xC350;
	v8 =	vld [tilespmem:s17+$0xFFFFFFF0];
	[tilespmem:s17+$0x10] =	vst v9  }
0x17a: {  	s21 =	sadd.s32 $0x40, s21;
	v9 =	vnsel vm4, $0x0, v11;
	v13 =	vadd.s32 v1, v16;
	vm6 =	vlt.u32 v14, $0xC350;
	v11 =	vld [tilespmem:s17+$0x0]  }
0x17b: {  	_ =	sdelay $0x3  }
0x17c: {  	v12 =	vnsel vm6, $0x0, v12;
	v10 =	vld.idx.msk [tilespmem:v10+s8+$0x0], $0xffff  }
0x17d: {  	v13 =	vnsel vm5, $0x0, v13;
	s17 =	sadd.s32 $0x40, s17;
	v9 =	vld.idx.msk [tilespmem:v9+s8+$0x0], $0xffff  }
0x17e: {  	v14 =	vld [tilespmem:s17+$0x10]  }
0x17f: {  	v4 =	vnsel vm3, $0x0, v4;
	v15 =	vld [tilespmem:s17+$0xFFFFFFE0]  }
0x180: {  	v4 =	vadd.f32 v4, v7;
	v7 =	vld [tilespmem:s17+$0xFFFFFFF0]  }
0x181: {  	v5 =	vnsel vm1, $0x0, v5;
	v12 =	vld.idx.msk [tilespmem:v12+s8+$0x0], $0xffff  }
0x182: {  	v6 =	vnsel vm2, $0x0, v6;
	v5 =	vadd.f32 v5, v8;
	v13 =	vld.idx.msk [tilespmem:v13+s8+$0x0], $0xffff  }
0x183: {  	v8 =	vld [tilespmem:s17+$0x0];
	[tilespmem:s18+$0xFFFFFFE0] =	vst v4;
	v4 =	vadd.f32 v6, v11  }
0x184: {  	v6 =	vnsel vm0, $0x0, v10;
	vm0 =	vmmov vm4;
	[tilespmem:s18+$0xFFFFFFF0] =	vst v5  }
0x185: {  	vm1 =	vmmov vm6;
	v5 =	vadd.f32 v6, v14;
	[tilespmem:s18+$0x0] =	vst v4;
	v4 =	vnsel vm0, $0x0, v9  }
0x186: {  	v4 =	vadd.f32 v4, v7;
	v6 =	vnsel vm1, $0x0, v12;
	vm1 =	vmmov vm5  }
0x187: {  	[tilespmem:s17+$0x10] =	vst v5;
	v6 =	vadd.f32 v6, v15;
	v5 =	vnsel vm1, $0x0, v13  }
0x188: {  	[tilespmem:s17+$0xFFFFFFF0] =	vst v4;
	v5 =	vadd.f32 v5, v8  }
0x189: {  	[tilespmem:s17+$0xFFFFFFE0] =	vst v6  }
0x18a: {  	[tilespmem:s17+$0x0] =	vst v5  }
0x18b: {  	s17 =	rddreg [dreg:$0xf]  }
0x18c: {  	[tilespmem:s1], [sflag:$0x2] =	stream.linear.gather [hbm4b:s17+s12], $0x2000, $0x38;
	[tilespmem:$0x1F480] =	vst v63  }
0x18d: {  	_ =	swait.ge [sflag:s20], $0x2000  }
0x18e: {  	[sflag:s20] =	ssyncset.done $0x0  }
0x18f: {  	s28 =	rddreg [dreg:$0xb];
	[sflag:s20] =	ssyncadd.s32 $0xFFFFE000  }
0x190: {  	[tilespmem:s8], [sflag:$0x2] =	stream.linear.gather [hbm4b:s28+s12], $0xC800, $0x38;
	[tilespmem:$0x1F480] =	vst v63  }
0x191: {  	_ =	swait.ge [sflag:s20], $0xC800  }
0x192: {  	[sflag:s20] =	ssyncset.done $0x0  }
0x193: {  	s29 =	simm.s32 $0x19020;
	[sflag:s20] =	ssyncadd.s32 $0xFFFF3800  }
0x194: {  	v4 =	vld [tilespmem:s29+$0x10];
	_ =	sdelay $0x2  }
0x195: {  	v5 =	vld [tilespmem:s29+$0xFFFFFFF0]  }
0x196: {  	v6 =	vld [tilespmem:s29+$0xFFFFFFE0]  }
0x197: {  	v7 =	vsub.s32 v4, v0  }
0x198: {  	v4 =	vadd.s32 v1, v4;
	vm4 =	vlt.u32 v7, $0xC350;
	v7 =	vld [tilespmem:s29+$0x0]  }
0x199: {  	v4 =	vnsel vm4, $0x0, v4;
	_ =	sdelay $0x1  }
0x19a: {  	s30 =	simm.s32 $0x19060;
	v8 =	vsub.s32 v5, v0;
	v9 =	vsub.s32 v6, v0  }
0x19b: {  	s17 =	simm.s32 $0x1D020;
	v6 =	vadd.s32 v1, v6;
	v5 =	vadd.s32 v1, v5;
	vm0 =	vlt.u32 v8, $0xC350;
	v8 =	vld [tilespmem:s30+$0x10]  }
0x19c: {  	v11 =	vld [tilespmem:s17+$0x10];
	vm2 =	vlt.u32 v9, $0xC350;
	v5 =	vnsel vm0, $0x0, v5;
	v9 =	vsub.s32 v7, v0  }
0x19d: {  	v6 =	vnsel vm2, $0x0, v6;
	v10 =	vld.idx.msk [tilespmem:v4+s8+$0x0], $0xffff;
	vm5 =	vlt.u32 v9, $0xC350;
	v4 =	vadd.s32 v1, v7  }
0x19e: {  	v7 =	vld [tilespmem:s30+$0xFFFFFFF0];
	v9 =	vnsel vm5, $0x0, v4  }
0x19f: {  	v13 =	vld [tilespmem:s30+$0x0]  }
0x1a0: {  	v12 =	vld [tilespmem:s30+$0xFFFFFFE0];
	v14 =	vsub.s32 v8, v0  }
0x1a1: {  	vm1 =	vmmov vm0;
	vm3 =	vmmov vm2;
	vm0 =	vlt.u32 v14, $0xC350;
	v5 =	vld.idx.msk [tilespmem:v5+s8+$0x0], $0xffff  }
0x1a2: {  	vm2 =	vmmov vm5;
	v4 =	vld.idx.msk [tilespmem:v6+s8+$0x0], $0xffff;
	v6 =	vadd.s32 v1, v8;
	v8 =	vnsel vm4, $0x0, v10  }
0x1a3: {  	v14 =	vsub.s32 v7, v0;
	v10 =	vnsel vm0, $0x0, v6;
	v6 =	vld.idx.msk [tilespmem:v9+s8+$0x0], $0xffff;
	v9 =	vadd.f32 v8, v11  }
0x1a4: {  	vm4 =	vlt.u32 v14, $0xC350;
	v11 =	vadd.s32 v1, v7;
	v8 =	vsub.s32 v13, v0;
	v7 =	vld [tilespmem:s17+$0xFFFFFFE0]  }
0x1a5: {  	v14 =	vsub.s32 v12, v0;
	v12 =	vadd.s32 v1, v12;
	vm5 =	vlt.u32 v8, $0xC350;
	v8 =	vld [tilespmem:s17+$0xFFFFFFF0]  }
0x1a6: {  	s19 =	simm.s32 $0x40;
	s21 =	simm.s32 $0x190A0;
	s18 =	simm.s32 $0x1D020;
	v13 =	vadd.s32 v1, v13;
	vm6 =	vlt.u32 v14, $0xC350;
	[tilespmem:s17+$0x10] =	vst v9;
	v9 =	vnsel vm4, $0x0, v11;
	v11 =	vld [tilespmem:s17+$0x0]  }
.LBB2_15:
0x1a7: {  	v14 =	vld [tilespmem:s21+$0x10];
	v12 =	vnsel vm6, $0x0, v12;
	v13 =	vnsel vm5, $0x0, v13;
	v4 =	vnsel vm3, $0x0, v4  }
0x1a8: {  	s19 =	sadd.s32 $0x40, s19;
	v5 =	vnsel vm1, $0x0, v5;
	vm1 =	vmmov vm4;
	vm3 =	vmmov vm6;
	v10 =	vld.idx.msk [tilespmem:v10+s8+$0x0], $0xffff  }
0x1a9: {  	s17 =	sadd.s32 $0x40, s17;
	p2 =	slt.u32 s19, $0x1FC0;
	v6 =	vnsel vm2, $0x0, v6;
	vm2 =	vmmov vm5;
	v15 =	vld [tilespmem:s21+$0xFFFFFFF0];
	v4 =	vadd.f32 v4, v7  }
0x1aa: {  	v7 =	vld [tilespmem:s17+$0x10];
	v5 =	vadd.f32 v5, v8  }
0x1ab: {  	v16 =	vld [tilespmem:s21+$0x0];
	[tilespmem:s18+$0xFFFFFFE0] =	vst v4;
	v6 =	vadd.f32 v6, v11  }
0x1ac: {  	v8 =	vld [tilespmem:s21+$0xFFFFFFE0];
	[tilespmem:s18+$0xFFFFFFF0] =	vst v5  }
0x1ad: {  	v11 =	vsub.s32 v14, v0;
	v4 =	vld.idx.msk [tilespmem:v12+s8+$0x0], $0xffff;
	[tilespmem:s18+$0x0] =	vst v6;
	s18 =	smov.u32 s17  }
.Ltmp7:
0x1ae: {  	v6 =	vadd.s32 v1, v14;
	v5 =	vld.idx.msk [tilespmem:v9+s8+$0x0], $0xffff;
	v9 =	vnsel vm0, $0x0, v10;
	vm0 =	vlt.u32 v11, $0xC350;
	(pc) =	sbr.rel @p2 .LBB2_15-.Ltmp7, $4  }
0x1af: {  	v11 =	vsub.s32 v15, v0;
	v10 =	vnsel vm0, $0x0, v6;
	v6 =	vld.idx.msk [tilespmem:v13+s8+$0x0], $0xffff;
	v9 =	vadd.f32 v9, v7  }
0x1b0: {  	vm4 =	vlt.u32 v11, $0xC350;
	v11 =	vadd.s32 v1, v15;
	v13 =	vsub.s32 v16, v0;
	v7 =	vld [tilespmem:s17+$0xFFFFFFE0]  }
0x1b1: {  	v14 =	vsub.s32 v8, v0;
	v12 =	vadd.s32 v1, v8;
	vm5 =	vlt.u32 v13, $0xC350;
	v8 =	vld [tilespmem:s17+$0xFFFFFFF0];
	[tilespmem:s17+$0x10] =	vst v9  }
0x1b2: {  	s21 =	sadd.s32 $0x40, s21;
	v9 =	vnsel vm4, $0x0, v11;
	v13 =	vadd.s32 v1, v16;
	vm6 =	vlt.u32 v14, $0xC350;
	v11 =	vld [tilespmem:s17+$0x0]  }
0x1b3: {  	_ =	sdelay $0x3  }
0x1b4: {  	v12 =	vnsel vm6, $0x0, v12;
	v10 =	vld.idx.msk [tilespmem:v10+s8+$0x0], $0xffff  }
0x1b5: {  	v13 =	vnsel vm5, $0x0, v13;
	s17 =	sadd.s32 $0x40, s17;
	v9 =	vld.idx.msk [tilespmem:v9+s8+$0x0], $0xffff  }
0x1b6: {  	v14 =	vld [tilespmem:s17+$0x10]  }
0x1b7: {  	v15 =	vld [tilespmem:s17+$0xFFFFFFE0]  }
0x1b8: {  	v4 =	vnsel vm3, $0x0, v4;
	v60 =	vld [tilespmem:s17+$0xFFFFFFF0]  }
0x1b9: {  	v5 =	vnsel vm1, $0x0, v5;
	v4 =	vadd.f32 v4, v7;
	v12 =	vld.idx.msk [tilespmem:v12+s8+$0x0], $0xffff  }
0x1ba: {  	v6 =	vnsel vm2, $0x0, v6;
	v5 =	vadd.f32 v5, v8;
	v13 =	vld.idx.msk [tilespmem:v13+s8+$0x0], $0xffff  }
0x1bb: {  	v61 =	vld [tilespmem:s17+$0x0];
	[tilespmem:s18+$0xFFFFFFE0] =	vst v4;
	v4 =	vadd.f32 v6, v11  }
0x1bc: {  	vm14 =	vmmov vm4;
	v62 =	vnsel vm0, $0x0, v10;
	[tilespmem:s18+$0xFFFFFFF0] =	vst v5  }
0x1bd: {  	vm13 =	vmmov vm6;
	v5 =	vadd.f32 v62, v14;
	[tilespmem:s18+$0x0] =	vst v4;
	v4 =	vnsel vm14, $0x0, v9  }
.Ltmp8:
0x1be: {  	vm15 =	vmmov vm5;
	v4 =	vadd.f32 v4, v60;
	v63 =	vnsel vm13, $0x0, v12;
	(pc) =	sbr.rel @p0 .LBB2_20-.Ltmp8, $4  }
0x1bf: {  	[tilespmem:s17+$0x10] =	vst v5;
	v5 =	vnsel vm15, $0x0, v13;
	v6 =	vadd.f32 v63, v15  }
0x1c0: {  	[tilespmem:s17+$0xFFFFFFF0] =	vst v4;
	v5 =	vadd.f32 v5, v61  }
0x1c1: {  	[tilespmem:s17+$0xFFFFFFE0] =	vst v6  }
0x1c2: {  	[tilespmem:s17+$0x0] =	vst v5  }
0x1c3: {  	s17 =	rddreg [dreg:$0x10]  }
0x1c4: {  	[tilespmem:s1], [sflag:$0x2] =	stream.linear.gather [hbm4b:s17+s12], $0x2000, $0x38;
	[tilespmem:$0x1F480] =	vst v63  }
0x1c5: {  	_ =	swait.ge [sflag:s20], $0x2000  }
0x1c6: {  	[sflag:s20] =	ssyncset.done $0x0  }
0x1c7: {  	s29 =	rddreg [dreg:$0xc];
	[sflag:s20] =	ssyncadd.s32 $0xFFFFE000  }
0x1c8: {  	[tilespmem:s8], [sflag:$0x2] =	stream.linear.gather [hbm4b:s29+s12], $0xC800, $0x38;
	[tilespmem:$0x1F480] =	vst v63  }
0x1c9: {  	_ =	swait.ge [sflag:s20], $0xC800  }
0x1ca: {  	[sflag:s20] =	ssyncset.done $0x0  }
0x1cb: {  	s30 =	simm.s32 $0x19020;
	[sflag:s20] =	ssyncadd.s32 $0xFFFF3800  }
0x1cc: {  	v4 =	vld [tilespmem:s30+$0x10];
	_ =	sdelay $0x2  }
0x1cd: {  	v5 =	vld [tilespmem:s30+$0xFFFFFFF0]  }
0x1ce: {  	v6 =	vld [tilespmem:s30+$0xFFFFFFE0]  }
0x1cf: {  	v7 =	vsub.s32 v4, v0  }
0x1d0: {  	v4 =	vadd.s32 v2, v4;
	vm4 =	vlt.u32 v7, $0xC350;
	v7 =	vld [tilespmem:s30+$0x0]  }
0x1d1: {  	v4 =	vnsel vm4, $0x0, v4;
	_ =	sdelay $0x1  }
0x1d2: {  	s18 =	simm.s32 $0x19060;
	v8 =	vsub.s32 v5, v0;
	v9 =	vsub.s32 v6, v0  }
0x1d3: {  	s17 =	simm.s32 $0x1D020;
	v6 =	vadd.s32 v2, v6;
	v5 =	vadd.s32 v2, v5;
	vm0 =	vlt.u32 v8, $0xC350;
	v8 =	vld [tilespmem:s18+$0x10]  }
0x1d4: {  	v11 =	vld [tilespmem:s17+$0x10];
	vm2 =	vlt.u32 v9, $0xC350;
	v5 =	vnsel vm0, $0x0, v5;
	v9 =	vsub.s32 v7, v0  }
0x1d5: {  	v6 =	vnsel vm2, $0x0, v6;
	v10 =	vld.idx.msk [tilespmem:v4+s8+$0x0], $0xffff;
	vm5 =	vlt.u32 v9, $0xC350;
	v4 =	vadd.s32 v2, v7  }
0x1d6: {  	v7 =	vld [tilespmem:s18+$0xFFFFFFF0];
	v9 =	vnsel vm5, $0x0, v4  }
0x1d7: {  	v13 =	vld [tilespmem:s18+$0x0]  }
0x1d8: {  	v12 =	vld [tilespmem:s18+$0xFFFFFFE0];
	v14 =	vsub.s32 v8, v0  }
0x1d9: {  	vm1 =	vmmov vm0;
	vm3 =	vmmov vm2;
	vm0 =	vlt.u32 v14, $0xC350;
	v5 =	vld.idx.msk [tilespmem:v5+s8+$0x0], $0xffff  }
0x1da: {  	vm2 =	vmmov vm5;
	v4 =	vld.idx.msk [tilespmem:v6+s8+$0x0], $0xffff;
	v6 =	vadd.s32 v2, v8;
	v8 =	vnsel vm4, $0x0, v10  }
0x1db: {  	v14 =	vsub.s32 v7, v0;
	v10 =	vnsel vm0, $0x0, v6;
	v6 =	vld.idx.msk [tilespmem:v9+s8+$0x0], $0xffff;
	v9 =	vadd.f32 v8, v11  }
0x1dc: {  	vm4 =	vlt.u32 v14, $0xC350;
	v11 =	vadd.s32 v2, v7;
	v8 =	vsub.s32 v13, v0;
	v7 =	vld [tilespmem:s17+$0xFFFFFFE0]  }
0x1dd: {  	v14 =	vsub.s32 v12, v0;
	v12 =	vadd.s32 v2, v12;
	vm5 =	vlt.u32 v8, $0xC350;
	v8 =	vld [tilespmem:s17+$0xFFFFFFF0]  }
0x1de: {  	s19 =	simm.s32 $0x40;
	s21 =	simm.s32 $0x190A0;
	s18 =	simm.s32 $0x1D020;
	v13 =	vadd.s32 v2, v13;
	vm6 =	vlt.u32 v14, $0xC350;
	[tilespmem:s17+$0x10] =	vst v9;
	v9 =	vnsel vm4, $0x0, v11;
	v11 =	vld [tilespmem:s17+$0x0]  }
.LBB2_18:
0x1df: {  	v14 =	vld [tilespmem:s21+$0x10];
	v12 =	vnsel vm6, $0x0, v12;
	v13 =	vnsel vm5, $0x0, v13;
	v4 =	vnsel vm3, $0x0, v4  }
0x1e0: {  	s19 =	sadd.s32 $0x40, s19;
	v5 =	vnsel vm1, $0x0, v5;
	vm1 =	vmmov vm4;
	vm3 =	vmmov vm6;
	v10 =	vld.idx.msk [tilespmem:v10+s8+$0x0], $0xffff  }
0x1e1: {  	s17 =	sadd.s32 $0x40, s17;
	p2 =	slt.u32 s19, $0x1FC0;
	v6 =	vnsel vm2, $0x0, v6;
	vm2 =	vmmov vm5;
	v15 =	vld [tilespmem:s21+$0xFFFFFFF0];
	v4 =	vadd.f32 v4, v7  }
0x1e2: {  	v7 =	vld [tilespmem:s17+$0x10];
	v5 =	vadd.f32 v5, v8  }
0x1e3: {  	v16 =	vld [tilespmem:s21+$0x0];
	[tilespmem:s18+$0xFFFFFFE0] =	vst v4;
	v6 =	vadd.f32 v6, v11  }
0x1e4: {  	v8 =	vld [tilespmem:s21+$0xFFFFFFE0];
	[tilespmem:s18+$0xFFFFFFF0] =	vst v5  }
0x1e5: {  	v11 =	vsub.s32 v14, v0;
	v4 =	vld.idx.msk [tilespmem:v12+s8+$0x0], $0xffff;
	[tilespmem:s18+$0x0] =	vst v6;
	s18 =	smov.u32 s17  }
.Ltmp9:
0x1e6: {  	v6 =	vadd.s32 v2, v14;
	v5 =	vld.idx.msk [tilespmem:v9+s8+$0x0], $0xffff;
	v9 =	vnsel vm0, $0x0, v10;
	vm0 =	vlt.u32 v11, $0xC350;
	(pc) =	sbr.rel @p2 .LBB2_18-.Ltmp9, $4  }
0x1e7: {  	v11 =	vsub.s32 v15, v0;
	v10 =	vnsel vm0, $0x0, v6;
	v6 =	vld.idx.msk [tilespmem:v13+s8+$0x0], $0xffff;
	v9 =	vadd.f32 v9, v7  }
0x1e8: {  	vm4 =	vlt.u32 v11, $0xC350;
	v11 =	vadd.s32 v2, v15;
	v13 =	vsub.s32 v16, v0;
	v7 =	vld [tilespmem:s17+$0xFFFFFFE0]  }
0x1e9: {  	v14 =	vsub.s32 v8, v0;
	v12 =	vadd.s32 v2, v8;
	vm5 =	vlt.u32 v13, $0xC350;
	v8 =	vld [tilespmem:s17+$0xFFFFFFF0];
	[tilespmem:s17+$0x10] =	vst v9  }
0x1ea: {  	s21 =	sadd.s32 $0x40, s21;
	v9 =	vnsel vm4, $0x0, v11;
	v13 =	vadd.s32 v2, v16;
	vm6 =	vlt.u32 v14, $0xC350;
	v11 =	vld [tilespmem:s17+$0x0]  }
0x1eb: {  	_ =	sdelay $0x3  }
0x1ec: {  	v12 =	vnsel vm6, $0x0, v12;
	v10 =	vld.idx.msk [tilespmem:v10+s8+$0x0], $0xffff  }
0x1ed: {  	v13 =	vnsel vm5, $0x0, v13;
	s17 =	sadd.s32 $0x40, s17;
	v9 =	vld.idx.msk [tilespmem:v9+s8+$0x0], $0xffff  }
0x1ee: {  	v14 =	vld [tilespmem:s17+$0x10]  }
0x1ef: {  	v15 =	vld [tilespmem:s17+$0xFFFFFFE0]  }
0x1f0: {  	v4 =	vnsel vm3, $0x0, v4;
	v60 =	vld [tilespmem:s17+$0xFFFFFFF0]  }
0x1f1: {  	v5 =	vnsel vm1, $0x0, v5;
	v4 =	vadd.f32 v4, v7;
	v12 =	vld.idx.msk [tilespmem:v12+s8+$0x0], $0xffff  }
0x1f2: {  	v6 =	vnsel vm2, $0x0, v6;
	v5 =	vadd.f32 v5, v8;
	v13 =	vld.idx.msk [tilespmem:v13+s8+$0x0], $0xffff  }
0x1f3: {  	v61 =	vld [tilespmem:s17+$0x0];
	[tilespmem:s18+$0xFFFFFFE0] =	vst v4;
	v4 =	vadd.f32 v6, v11  }
0x1f4: {  	vm14 =	vmmov vm4;
	v62 =	vnsel vm0, $0x0, v10;
	[tilespmem:s18+$0xFFFFFFF0] =	vst v5  }
0x1f5: {  	vm13 =	vmmov vm6;
	v5 =	vadd.f32 v62, v14;
	[tilespmem:s18+$0x0] =	vst v4;
	v4 =	vnsel vm14, $0x0, v9  }
0x1f6: {  	vm15 =	vmmov vm5;
	v4 =	vadd.f32 v4, v60;
	v63 =	vnsel vm13, $0x0, v12  }
0x1f7: {  	[tilespmem:s17+$0x10] =	vst v5;
	v5 =	vnsel vm15, $0x0, v13;
	v6 =	vadd.f32 v63, v15  }
0x1f8: {  	[tilespmem:s17+$0xFFFFFFF0] =	vst v4;
	v5 =	vadd.f32 v5, v61  }
0x1f9: {  	[tilespmem:s17+$0xFFFFFFE0] =	vst v6  }
0x1fa: {  	[tilespmem:s17+$0x0] =	vst v5  }
.LBB2_20:
0x1fb: {  	s18 =	rddreg [dreg:$0x11]  }
0x1fc: {  	s19 =	simm.s32 $0x1B000;
	s17 =	sadd.s32 s18, s15  }
0x1fd: {  	[hbm4b:s17+s2] =	stream.strided.scatter [tilespmem:s19], [sflag:$0x2], $0x2000, s7, s2, $0x38;
	[tilespmem:$0x1F480] =	vst v63  }
0x1fe: {  	_ =	swait.ge [sflag:s20], $0x2000  }
0x1ff: {  	[sflag:s20] =	ssyncset.done $0x0  }
0x200: {  	s18 =	sadd.s32 s18, s16;
	s19 =	simm.s32 $0x1D000;
	[sflag:s20] =	ssyncadd.s32 $0xFFFFE000  }
0x201: {  	[hbm4b:s18+s2] =	stream.strided.scatter [tilespmem:s19], [sflag:$0x2], $0x2000, s7, s2, $0x38;
	[tilespmem:$0x1F480] =	vst v63  }
0x202: {  	_ =	swait.ge [sflag:s20], $0x2000  }
0x203: {  	[sflag:s20] =	ssyncset.done $0x0  }
0x204: {  	[sflag:s20] =	ssyncadd.s32 $0xFFFFE000  }
0x205: {  	s21 =	sadd.s32 s22, s16;
	s17 =	simm.s32 $0xC800;
	[bflag:$0x0] =	sbarrier.arrive $0xFFFF  }
0x206: {  	[tilespmem:s17], [sflag:$0x2] =	stream.strided.gather [hbm4b:s21+s2], $0x400, s7, s2, $0x38;
	[tilespmem:$0x1F480] =	vst v63  }
0x207: {  	_ =	swait.ge [sflag:s20], $0x400  }
0x208: {  	[sflag:s20] =	ssyncset.done $0x0;
	s19 =	rddreg [dreg:$0x14]  }
0x209: {  	s21 =	simm.s32 $0xCC00;
	[sflag:s20] =	ssyncadd.s32 $0xFFFFFC00;
	s23 =	sadd.s32 s19, s16  }
0x20a: {  	[tilespmem:s21], [sflag:$0x2] =	stream.strided.gather [hbm4b:s23+s2], $0x400, s7, s2, $0x38;
	[tilespmem:$0x1F480] =	vst v63  }
0x20b: {  	_ =	swait.ge [sflag:s20], $0x400  }
0x20c: {  	[sflag:s20] =	ssyncset.done $0x0;
	s21 =	rddreg [dreg:$0x15]  }
0x20d: {  	s23 =	simm.s32 $0xD000;
	[sflag:s20] =	ssyncadd.s32 $0xFFFFFC00;
	s24 =	sadd.s32 s21, s16  }
0x20e: {  	[tilespmem:s23], [sflag:$0x2] =	stream.strided.gather [hbm4b:s24+s2], $0x400, s7, s2, $0x38;
	[tilespmem:$0x1F480] =	vst v63  }
0x20f: {  	_ =	swait.ge [sflag:s20], $0x400  }
0x210: {  	[sflag:s20] =	ssyncset.done $0x0;
	s23 =	rddreg [dreg:$0x16]  }
0x211: {  	s24 =	simm.s32 $0xD400;
	[sflag:s20] =	ssyncadd.s32 $0xFFFFFC00;
	s28 =	sadd.s32 s23, s16  }
0x212: {  	[tilespmem:s24], [sflag:$0x2] =	stream.strided.gather [hbm4b:s28+s2], $0x400, s7, s2, $0x38;
	[tilespmem:$0x1F480] =	vst v63  }
0x213: {  	_ =	swait.ge [sflag:s20], $0x400  }
0x214: {  	[sflag:s20] =	ssyncset.done $0x0  }
0x215: {  	s29 =	sadd.s32 s31, s16;
	s30 =	simm.s32 $0xD800;
	[sflag:s20] =	ssyncadd.s32 $0xFFFFFC00  }
0x216: {  	[tilespmem:s30], [sflag:$0x2] =	stream.strided.gather [hbm4b:s29+s2], $0x400, s7, s2, $0x38;
	[tilespmem:$0x1F480] =	vst v63  }
0x217: {  	_ =	swait.ge [sflag:s20], $0x400  }
0x218: {  	[sflag:s20] =	ssyncset.done $0x0  }
0x219: {  	s24 =	sadd.s32 s14, s16;
	s28 =	simm.s32 $0xDC00;
	[sflag:s20] =	ssyncadd.s32 $0xFFFFFC00  }
0x21a: {  	[tilespmem:s28], [sflag:$0x2] =	stream.strided.gather [hbm4b:s24+s2], $0x400, s7, s2, $0x38;
	[tilespmem:$0x1F480] =	vst v63  }
0x21b: {  	_ =	swait.ge [sflag:s20], $0x400  }
0x21c: {  	[sflag:s20] =	ssyncset.done $0x0  }
0x21d: {  	s29 =	sadd.s32 s11, s16;
	s30 =	simm.s32 $0xE000;
	[sflag:s20] =	ssyncadd.s32 $0xFFFFFC00  }
0x21e: {  	[tilespmem:s30], [sflag:$0x2] =	stream.strided.gather [hbm4b:s29+s2], $0x400, s7, s2, $0x38;
	[tilespmem:$0x1F480] =	vst v63  }
0x21f: {  	_ =	swait.ge [sflag:s20], $0x400  }
0x220: {  	[sflag:s20] =	ssyncset.done $0x0  }
0x221: {  	s24 =	sadd.s32 s10, s16;
	s28 =	simm.s32 $0xE400;
	[sflag:s20] =	ssyncadd.s32 $0xFFFFFC00  }
0x222: {  	[tilespmem:s28], [sflag:$0x2] =	stream.strided.gather [hbm4b:s24+s2], $0x400, s7, s2, $0x38;
	[tilespmem:$0x1F480] =	vst v63  }
0x223: {  	_ =	swait.ge [sflag:s20], $0x400  }
0x224: {  	[sflag:s20] =	ssyncset.done $0x0  }
0x225: {  	s29 =	sadd.s32 s22, s15;
	s30 =	simm.s32 $0xE800;
	[sflag:s20] =	ssyncadd.s32 $0xFFFFFC00  }
0x226: {  	[tilespmem:s30], [sflag:$0x2] =	stream.strided.gather [hbm4b:s29+s2], $0x400, s7, s2, $0x38;
	[tilespmem:$0x1F480] =	vst v63  }
0x227: {  	_ =	swait.ge [sflag:s20], $0x400  }
0x228: {  	[sflag:s20] =	ssyncset.done $0x0  }
0x229: {  	s24 =	sadd.s32 s19, s15;
	s28 =	simm.s32 $0xEC00;
	[sflag:s20] =	ssyncadd.s32 $0xFFFFFC00  }
0x22a: {  	[tilespmem:s28], [sflag:$0x2] =	stream.strided.gather [hbm4b:s24+s2], $0x400, s7, s2, $0x38;
	[tilespmem:$0x1F480] =	vst v63  }
0x22b: {  	_ =	swait.ge [sflag:s20], $0x400  }
0x22c: {  	[sflag:s20] =	ssyncset.done $0x0  }
0x22d: {  	s29 =	sadd.s32 s21, s15;
	s30 =	simm.s32 $0xF000;
	[sflag:s20] =	ssyncadd.s32 $0xFFFFFC00  }
0x22e: {  	[tilespmem:s30], [sflag:$0x2] =	stream.strided.gather [hbm4b:s29+s2], $0x400, s7, s2, $0x38;
	[tilespmem:$0x1F480] =	vst v63  }
0x22f: {  	_ =	swait.ge [sflag:s20], $0x400  }
0x230: {  	[sflag:s20] =	ssyncset.done $0x0  }
0x231: {  	s21 =	sadd.s32 s23, s15;
	s23 =	simm.s32 $0xF400;
	[sflag:s20] =	ssyncadd.s32 $0xFFFFFC00  }
0x232: {  	[tilespmem:s23], [sflag:$0x2] =	stream.strided.gather [hbm4b:s21+s2], $0x400, s7, s2, $0x38;
	[tilespmem:$0x1F480] =	vst v63  }
0x233: {  	_ =	swait.ge [sflag:s20], $0x400  }
0x234: {  	[sflag:s20] =	ssyncset.done $0x0  }
0x235: {  	s24 =	sadd.s32 s31, s15;
	s28 =	simm.s32 $0xF800;
	[sflag:s20] =	ssyncadd.s32 $0xFFFFFC00  }
0x236: {  	[tilespmem:s28], [sflag:$0x2] =	stream.strided.gather [hbm4b:s24+s2], $0x400, s7, s2, $0x38;
	[tilespmem:$0x1F480] =	vst v63  }
0x237: {  	_ =	swait.ge [sflag:s20], $0x400  }
0x238: {  	[sflag:s20] =	ssyncset.done $0x0  }
0x239: {  	s29 =	sadd.s32 s14, s15;
	s30 =	simm.s32 $0xFC00;
	[sflag:s20] =	ssyncadd.s32 $0xFFFFFC00  }
0x23a: {  	[tilespmem:s30], [sflag:$0x2] =	stream.strided.gather [hbm4b:s29+s2], $0x400, s7, s2, $0x38;
	[tilespmem:$0x1F480] =	vst v63  }
0x23b: {  	_ =	swait.ge [sflag:s20], $0x400  }
0x23c: {  	[sflag:s20] =	ssyncset.done $0x0  }
0x23d: {  	s21 =	sadd.s32 s11, s15;
	s23 =	simm.s32 $0x10000;
	[sflag:s20] =	ssyncadd.s32 $0xFFFFFC00  }
0x23e: {  	[tilespmem:s23], [sflag:$0x2] =	stream.strided.gather [hbm4b:s21+s2], $0x400, s7, s2, $0x38;
	[tilespmem:$0x1F480] =	vst v63  }
0x23f: {  	_ =	swait.ge [sflag:s20], $0x400  }
0x240: {  	[sflag:s20] =	ssyncset.done $0x0  }
0x241: {  	s24 =	sadd.s32 s10, s15;
	s28 =	simm.s32 $0x10400;
	[sflag:s20] =	ssyncadd.s32 $0xFFFFFC00  }
0x242: {  	[tilespmem:s28], [sflag:$0x2] =	stream.strided.gather [hbm4b:s24+s2], $0x400, s7, s2, $0x38;
	[tilespmem:$0x1F480] =	vst v63  }
0x243: {  	_ =	swait.ge [sflag:s20], $0x400  }
0x244: {  	[sflag:s20] =	ssyncset.done $0x0  }
0x245: {  	[sflag:s20] =	ssyncadd.s32 $0xFFFFFC00  }
0x246: {  	v4 =	vld [tilespmem:$0x1F400];
	_ =	sdelay $0x4  }
0x247: {  	(v2sf) =	vpush v4, $0x0;
	_ =	sdelay $0xc  }
0x248: {  	s29 =	simm.s32 $0x0;
	v5 =	vld [tilespmem:s17+$0x0]  }
0x249: {  	s30 =	sand.u32 $0x3F0, s29  }
0x24a: {  	v6 =	vld [tilespmem:s30+$0xCC00];
	s18 =	spop (v2sf)  }
0x24b: {  	s18 =	simm.s32 @!p1 $0x0  }
0x24c: {  	v7 =	vld [tilespmem:s30+$0xD000];
	v4 =	vmov s18  }
0x24d: {  	v5 =	vadd.f32 v5, v4  }
0x24e: {  	v8 =	vld [tilespmem:s30+$0xD400]  }
0x24f: {  	v5 =	vadd.f32 v6, v5  }
0x250: {  	v6 =	vld [tilespmem:s30+$0xD800]  }
0x251: {  	v5 =	vadd.f32 v7, v5  }
0x252: {  	v7 =	vld [tilespmem:s30+$0xDC00]  }
0x253: {  	v56 =	vld [tilespmem:s30+$0xE000];
	v5 =	vadd.f32 v8, v5  }
0x254: {  	v9 =	vld [tilespmem:s30+$0xE800]  }
0x255: {  	v10 =	vld [tilespmem:s30+$0xEC00];
	v5 =	vadd.f32 v6, v5  }
0x256: {  	v6 =	vld [tilespmem:s30+$0xE400]  }
0x257: {  	v5 =	vadd.f32 v7, v5  }
0x258: {  	v7 =	vld [tilespmem:s30+$0xF000]  }
0x259: {  	v57 =	vmul.f32 v9, v9;
	v5 =	vadd.f32 v56, v5  }
0x25a: {  	v58 =	vld [tilespmem:s30+$0xF400]  }
0x25b: {  	v59 =	vmul.f32 v10, v10;
	v5 =	vadd.f32 v6, v5;
	v6 =	vmul.f32 $5.000000000e-01, v57  }
0x25c: {  	v60 =	vld [tilespmem:s30+$0xF800]  }
0x25d: {  	v7 =	vmul.f32 v7, v7;
	v5 =	vadd.f32 v6, v5;
	v6 =	vmul.f32 $5.000000000e-01, v59  }
0x25e: {  	v61 =	vld [tilespmem:s30+$0xFC00]  }
0x25f: {  	v5 =	vadd.f32 v6, v5;
	v6 =	vmul.f32 $5.000000000e-01, v7;
	v7 =	vmul.f32 v58, v58  }
0x260: {  	v62 =	vld [tilespmem:s30+$0x10000]  }
0x261: {  	v5 =	vadd.f32 v6, v5;
	v6 =	vmul.f32 $5.000000000e-01, v7;
	v7 =	vmul.f32 v60, v60  }
0x262: {  	v63 =	vld [tilespmem:s30+$0x10400]  }
0x263: {  	v5 =	vadd.f32 v6, v5;
	v6 =	vmul.f32 $5.000000000e-01, v7;
	v7 =	vmul.f32 v61, v61;
	_ =	sdelay $0x1  }
0x264: {  	v5 =	vadd.f32 v6, v5;
	v6 =	vmul.f32 $5.000000000e-01, v7;
	v7 =	vmul.f32 v62, v62;
	_ =	sdelay $0x1  }
0x265: {  	v5 =	vadd.f32 v6, v5;
	v6 =	vmul.f32 $5.000000000e-01, v7;
	v7 =	vmul.f32 v63, v63;
	_ =	sdelay $0x1  }
0x266: {  	v5 =	vadd.f32 v6, v5;
	v6 =	vmul.f32 $5.000000000e-01, v7;
	_ =	sdelay $0x1  }
0x267: {  	v5 =	vadd.f32 v6, v5  }
0x268: {  	s17 =	simm.s32 $0x1F000  }
0x269: {  	s18 =	simm.s32 $0xC810;
	[tilespmem:s17+$0x0] =	vst v5  }
0x26a: {  	s19 =	simm.s32 $0x10;
	s21 =	simm.s32 $0x20;
	v5 =	vld [tilespmem:s18+$0x0]  }
.LBB2_21:
0x26b: {  	p2 =	sne.s32 s21, $0x3F0;
	s23 =	sand.u32 $0x3F0, s19;
	s19 =	smov.u32 s21  }
0x26c: {  	v6 =	vld [tilespmem:s23+$0xCC00];
	_ =	sdelay $0x1  }
0x26d: {  	v7 =	vld [tilespmem:s23+$0xD000]  }
0x26e: {  	v5 =	vadd.f32 v5, v4  }
0x26f: {  	v8 =	vld [tilespmem:s23+$0xD400]  }
0x270: {  	v5 =	vadd.f32 v6, v5  }
0x271: {  	v6 =	vld [tilespmem:s23+$0xD800]  }
0x272: {  	v5 =	vadd.f32 v7, v5  }
0x273: {  	v7 =	vld [tilespmem:s23+$0xDC00]  }
0x274: {  	v5 =	vadd.f32 v8, v5;
	v8 =	vld [tilespmem:s23+$0xE000]  }
0x275: {  	v9 =	vld [tilespmem:s23+$0xE800]  }
0x276: {  	v5 =	vadd.f32 v6, v5;
	v6 =	vld [tilespmem:s23+$0xE400]  }
0x277: {  	v10 =	vld [tilespmem:s23+$0xEC00]  }
0x278: {  	v5 =	vadd.f32 v7, v5  }
0x279: {  	v7 =	vld [tilespmem:s23+$0xF000]  }
0x27a: {  	v5 =	vadd.f32 v8, v5;
	v8 =	vmul.f32 v9, v9  }
0x27b: {  	v9 =	vld [tilespmem:s23+$0xF400]  }
0x27c: {  	v5 =	vadd.f32 v6, v5;
	v6 =	vmul.f32 $5.000000000e-01, v8;
	v8 =	vmul.f32 v10, v10  }
0x27d: {  	v10 =	vld [tilespmem:s23+$0xF800]  }
0x27e: {  	v5 =	vadd.f32 v6, v5;
	v6 =	vmul.f32 $5.000000000e-01, v8;
	v7 =	vmul.f32 v7, v7  }
0x27f: {  	v8 =	vld [tilespmem:s23+$0xFC00]  }
0x280: {  	v5 =	vadd.f32 v6, v5;
	v6 =	vmul.f32 $5.000000000e-01, v7;
	v7 =	vmul.f32 v9, v9  }
0x281: {  	v9 =	vld [tilespmem:s23+$0x10000]  }
0x282: {  	v5 =	vadd.f32 v6, v5;
	v6 =	vmul.f32 $5.000000000e-01, v7;
	v7 =	vmul.f32 v10, v10  }
0x283: {  	v10 =	vld [tilespmem:s23+$0x10400]  }
0x284: {  	v5 =	vadd.f32 v6, v5;
	v6 =	vmul.f32 $5.000000000e-01, v7;
	v7 =	vmul.f32 v8, v8;
	_ =	sdelay $0x1  }
0x285: {  	v5 =	vadd.f32 v6, v5;
	v6 =	vmul.f32 $5.000000000e-01, v7;
	v7 =	vmul.f32 v9, v9;
	_ =	sdelay $0x1  }
0x286: {  	v5 =	vadd.f32 v6, v5;
	v6 =	vmul.f32 $5.000000000e-01, v7;
	v7 =	vmul.f32 v10, v10;
	_ =	sdelay $0x1  }
0x287: {  	v5 =	vadd.f32 v6, v5;
	v6 =	vmul.f32 $5.000000000e-01, v7  }
.Ltmp10:
0x288: {  	(pc) =	sbr.rel @p2 .LBB2_21-.Ltmp10, $4  }
0x289: {  	v5 =	vadd.f32 v6, v5  }
0x28a: {  	s17 =	sadd.s32 $0x10, s17  }
0x28b: {  	s18 =	sadd.s32 $0x10, s18;
	[tilespmem:s17+$0x0] =	vst v5  }
0x28c: {  	s21 =	sadd.s32 $0x10, s21;
	v5 =	vld [tilespmem:s18+$0x0]  }
0x28d: {  	s18 =	sand.u32 $0x3F0, s19  }
0x28e: {  	v6 =	vld [tilespmem:s18+$0xCC00];
	_ =	sdelay $0x1  }
0x28f: {  	v7 =	vld [tilespmem:s18+$0xD000]  }
0x290: {  	v4 =	vadd.f32 v5, v4  }
0x291: {  	v5 =	vld [tilespmem:s18+$0xD400]  }
0x292: {  	v4 =	vadd.f32 v6, v4  }
0x293: {  	v48 =	vld [tilespmem:s18+$0xD800]  }
0x294: {  	v4 =	vadd.f32 v7, v4  }
0x295: {  	v49 =	vld [tilespmem:s18+$0xDC00]  }
0x296: {  	v8 =	vld [tilespmem:s18+$0xE800];
	v4 =	vadd.f32 v5, v4  }
0x297: {  	v5 =	vld [tilespmem:s18+$0xE000]  }
0x298: {  	v50 =	vld [tilespmem:s18+$0xE400];
	v4 =	vadd.f32 v48, v4  }
0x299: {  	v9 =	vld [tilespmem:s18+$0xEC00]  }
0x29a: {  	v4 =	vadd.f32 v49, v4  }
0x29b: {  	v51 =	vld [tilespmem:s18+$0xF000]  }
0x29c: {  	v4 =	vadd.f32 v5, v4;
	v5 =	vmul.f32 v8, v8  }
0x29d: {  	v52 =	vld [tilespmem:s18+$0xF400]  }
0x29e: {  	v53 =	vmul.f32 v9, v9;
	v4 =	vadd.f32 v50, v4;
	v5 =	vmul.f32 $5.000000000e-01, v5  }
0x29f: {  	v54 =	vld [tilespmem:s18+$0xF800]  }
0x2a0: {  	v55 =	vmul.f32 v51, v51;
	v4 =	vadd.f32 v5, v4;
	v5 =	vmul.f32 $5.000000000e-01, v53  }
0x2a1: {  	v56 =	vld [tilespmem:s18+$0xFC00]  }
0x2a2: {  	v57 =	vmul.f32 v52, v52;
	v4 =	vadd.f32 v5, v4;
	v5 =	vmul.f32 $5.000000000e-01, v55  }
0x2a3: {  	v58 =	vld [tilespmem:s18+$0x10000]  }
0x2a4: {  	v59 =	vmul.f32 v54, v54;
	v4 =	vadd.f32 v5, v4;
	v5 =	vmul.f32 $5.000000000e-01, v57  }
0x2a5: {  	v60 =	vld [tilespmem:s18+$0x10400]  }
0x2a6: {  	v61 =	vmul.f32 v56, v56;
	v4 =	vadd.f32 v5, v4;
	v5 =	vmul.f32 $5.000000000e-01, v59;
	_ =	sdelay $0x1  }
0x2a7: {  	v62 =	vmul.f32 v58, v58;
	v4 =	vadd.f32 v5, v4;
	v5 =	vmul.f32 $5.000000000e-01, v61;
	_ =	sdelay $0x1  }
0x2a8: {  	v63 =	vmul.f32 v60, v60;
	v4 =	vadd.f32 v5, v4;
	v5 =	vmul.f32 $5.000000000e-01, v62;
	_ =	sdelay $0x1  }
0x2a9: {  	v4 =	vadd.f32 v5, v4;
	v5 =	vmul.f32 $5.000000000e-01, v63;
	_ =	sdelay $0x1  }
0x2aa: {  	v4 =	vadd.f32 v5, v4  }
0x2ab: {  	s17 =	sadd.s32 $0x10, s17  }
0x2ac: {  	s24 =	rddreg [dreg:$0x12];
	s28 =	simm.s32 $0x100;
	s29 =	simm.s32 $0x1F000;
	[tilespmem:s17+$0x0] =	vst v4  }
0x2ad: {  	[hbm4b:s24+s2] =	stream.strided.scatter [tilespmem:s29], [sflag:$0x2], $0x400, s28, s2, $0x38;
	[tilespmem:$0x1F480] =	vst v63  }
0x2ae: {  	_ =	swait.ge [sflag:s20], $0x400  }
0x2af: {  	s9 =	sadd.s32 $0x1, s9;
	s30 =	rddreg [dreg:$0x13]  }
0x2b0: {  	p2 =	sne.s32 s9, s30  }
.Ltmp11:
0x2b1: {  	_ = 	snop;
	(pc) =	sbr.rel @p2 .LBB2_1-.Ltmp11, $3  }
0x2b2: {  	_ =	sdelay $0x1  }
0x2b3: {  	[sflag:s20] =	ssyncset.done $0x0  }
0x2b4: {  	[sflag:s20] =	ssyncadd.s32 $0xFFFFFC00  }
0x2b5: {  	_ =	sfence.sel $0x180000  }
0x2b6: {  	[bflag:$0x0] =	sbarrier.arrive $0xFFFF  }
0x2b7: {  	_ =	strace $0x90000047  }
0x2b8: {  	s0 =	stileid.u32;
	[bflag:$0x2] =	sbarrier.arrive $0xFFFF  }
0x2b9: {  	p0 =	sne.s32 s0, $0x0;
	s0 =	rddreg [dreg:$0x7]  }
0x2ba: {  	s0 =	sadd.s32 @!p0 $0x100000, s0  }
0x2bb: {  	[sflag:s0] =	ssyncadd.tile.s32 @!p0 $0x1;
	_ =	shalt  }
.Lfunc_end2:
_tile_overlayer_lowered:
.L_overlay_start_2:
0x2bc: {  	(tag) =	ssettag $0x2  }
0x2bd: {  	s0 =	rddreg [dreg:$0x0];
	s2 =	stileid.u32  }
0x2be: {  	s1 =	rddreg [dreg:$0x1];
	p0 =	sne.s32 s2, $0x0  }
0x2bf: {  	s3 =	rddreg [dreg:$0x2];
	[bflag:$0x3] =	sbarrier.arrive $0xFFFF;
	s2 =	simm.s32 @!p0 $0x1C02  }
0x2c0: {  	[timem:s3], [sflag:s2] =	dma.local @!p0 [hbm:s0], s1  }
0x2c1: {  	s0 =	simm.s32 @!p0 $0x2  }
0x2c2: {  	_ =	swait.ge @!p0 [sflag:s0], s1  }
0x2c3: {  	s1 =	ssub.s32 @!p0 $0x0, s1;
	[sflag:s0] =	ssyncset.done @!p0 $0x0  }
0x2c4: {  	[sflag:s0] =	ssyncadd.s32 @!p0 s1  }
0x2c5: {  	[bflag:$0x3] =	sbarrier.arrive $0xFFFF  }
0x2c6: {  	_ =	shalt  }

</sc_bundles>
